<compile_context>
chip_gen: v7x
topology: tpu7x:2x2x1
jax: 0.10.2.dev20260603
libtpu: 0.0.44.dev20260713+nightly
codegen_flags: <defaults>
</compile_context>

<pallas_src>
import math

import jax
import jax.numpy as jnp
from jax import lax
from jax.experimental import pallas as pl
from jax.experimental.pallas import tpu as pltpu
from jax.experimental.pallas import tpu_sc as plsc

_IMG = 1024.0
_N_LEVELS = 16
_LOG2T = 19
_MASK = (1 << _LOG2T) - 1
_PRIME = 2654435761
_B = 1048576

_NC, _NS = 2, 16
_NW = _NC * _NS
_C = 256
_PW = _B // _NW
_NCHUNK = _PW // _C

_N_RESIDENT = 8
_N_STREAM = _N_LEVELS - _N_RESIDENT


def _level_res():
    b = math.exp((math.log(2048) - math.log(16)) / (_N_LEVELS - 1))
    return [math.floor(16 * (b ** i)) for i in range(_N_LEVELS)]


_RES = _level_res()
_DENSE = [r * r < (1 << _LOG2T) for r in _RES]
_ROWS = [(r + 1) ** 2 if d else (1 << _LOG2T) for r, d in zip(_RES, _DENSE)]

_SPMEM_LEVELS = (8, 9, 10)
_HBM_LEVELS = (11, 12, 13, 14, 15)
_SH_OFF = {}
_off = 0
for _l in _SPMEM_LEVELS:
    _SH_OFF[_l] = _off
    _off += -(-_ROWS[_l] // 16) * 16
_SH_WORDS = _off


def _sc_body(x_hbm, *rest):
    nh = len(_HBM_LEVELS)
    tabs_hbm = (rest[:_N_RESIDENT] + (None,) * len(_SPMEM_LEVELS)
                + rest[_N_RESIDENT + 1:_N_RESIDENT + 1 + nh])
    mid_hbm = rest[_N_RESIDENT]
    out_hbm = rest[_N_RESIDENT + 1 + nh]
    r = _N_RESIDENT + 2 + nh
    xy_v, xt_v = rest[r], rest[r + 1]
    idx_v = rest[r + 2:r + 2 + _N_STREAM]
    rows_v = rest[r + 2 + _N_STREAM:r + 2 + 2 * _N_STREAM]
    w_v = rest[r + 2 + 2 * _N_STREAM:r + 2 + 3 * _N_STREAM]
    k = r + 2 + 3 * _N_STREAM
    out_v = rest[k]
    tv = rest[k + 1:k + 1 + _N_RESIDENT]
    sh_v = rest[k + 1 + _N_RESIDENT]
    sems = rest[k + 2 + _N_RESIDENT]
    outsem = rest[k + 3 + _N_RESIDENT]

    sid = lax.axis_index("s")
    wid = sid * _NC + lax.axis_index("c")
    ii = lax.iota(jnp.int32, 16)
    zz = jnp.zeros((16,), jnp.int32)

    for l in range(_N_RESIDENT):
        pltpu.sync_copy(tabs_hbm[l], tv[l])

    @pl.when(sid == 0)
    def _():
        pltpu.sync_copy(mid_hbm, sh_v)

    plsc.subcore_barrier()

    def point_setup(p):
        x0 = xt_v[pl.ds(p, 16)]
        x1 = xt_v[pl.ds(_C + p, 16)]
        return x0, x1

    def floors(x0, x1, res):
        inv = 1.0 / (_IMG / res)
        t0 = x0 * inv
        t1 = x1 * inv
        bl0 = t0.astype(jnp.int32)
        bl1 = t1.astype(jnp.int32)
        w0 = t0 - bl0.astype(jnp.float32)
        w1 = t1 - bl1.astype(jnp.float32)
        return bl0, bl1, w0, w1

    def corner_idx(bl0, bl1, l):
        res = _RES[l]
        if _DENSE[l]:
            b = bl0 * res + bl1 + _SH_OFF.get(l, 0)
            return b, b + 1, b + res, b + res + 1
        u0 = bl0.astype(jnp.uint32)
        u1b = bl1.astype(jnp.uint32) * jnp.uint32(_PRIME)
        u1b1 = u1b + jnp.uint32(_PRIME)
        u0p = u0 + jnp.uint32(1)
        m = jnp.uint32(_MASK)
        i00 = ((u0 ^ u1b) & m).astype(jnp.int32)
        i01 = ((u0 ^ u1b1) & m).astype(jnp.int32)
        i10 = ((u0p ^ u1b) & m).astype(jnp.int32)
        i11 = ((u0p ^ u1b1) & m).astype(jnp.int32)
        return i00, i01, i10, i11

    def unpack(w):
        e0 = plsc.bitcast(w << 16, jnp.float32)
        e1 = plsc.bitcast(w & jnp.int32(-65536), jnp.float32)
        return e0, e1

    def combine_store(e, w0, w1, rr, l):
        for f in range(2):
            q0 = e[0][f] + (e[1][f] - e[0][f]) * w1
            q1 = e[2][f] + (e[3][f] - e[2][f]) * w1
            o = q0 + (q1 - q0) * w0
            plsc.store_scatter(out_v, [rr, zz + (2 * l + f)], o)

    def idx_pass():
        def body(g, c):
            p = g * 16
            x0, x1 = point_setup(p)
            rp4 = (p + ii) * 4
            for j in range(_N_STREAM):
                l = _N_RESIDENT + j
                bl0, bl1, w0, w1 = floors(x0, x1, _RES[l])
                w_v[j][pl.ds(p, 16)] = w0
                w_v[j][pl.ds(_C + p, 16)] = w1
                iks = corner_idx(bl0, bl1, l)
                for q in range(4):
                    plsc.store_scatter(idx_v[j], [rp4 + q], iks[q])
            return c

        lax.fori_loop(0, _C // 16, body, 0)

    def fire(j):
        l = _N_RESIDENT + j
        src = sh_v if l in _SPMEM_LEVELS else tabs_hbm[l]
        return pltpu.async_copy(src.at[idx_v[j]], rows_v[j], sems[j])

    def comb_pass(j):
        l = _N_RESIDENT + j
        rv, wv = rows_v[j], w_v[j]

        def body(g, c):
            p = g * 16
            w0 = wv[pl.ds(p, 16)]
            w1 = wv[pl.ds(_C + p, 16)]
            rp4 = (p + ii) * 4
            e = tuple(
                unpack(plsc.load_gather(rv, [rp4 + q])) for q in range(4))
            combine_store(e, w0, w1, p + ii, l)
            return c

        lax.fori_loop(0, _C // 16, body, 0)

    def out_wait():
        pltpu.make_async_copy(
            out_v, out_hbm.at[pl.ds(0, _C)], outsem).wait()

    def chunk_body(ci, carry):
        base = wid * _PW + ci * _C
        pltpu.sync_copy(x_hbm.at[pl.ds(2 * base, 2 * _C)], xy_v)

        def tr_body(g, c):
            p = g * 16
            r2 = (p + ii) * 2
            xt_v[pl.ds(p, 16)] = plsc.load_gather(xy_v, [r2])
            xt_v[pl.ds(_C + p, 16)] = plsc.load_gather(xy_v, [r2 + 1])
            return c

        lax.fori_loop(0, _C // 16, tr_body, 0)

        idx_pass()
        dscs = [fire(j) for j in range(_N_STREAM)]

        @pl.when(ci > 0)
        def _():
            out_wait()

        def res_body(g, c):
            p = g * 16
            x0, x1 = point_setup(p)
            rr = p + ii
            for l in range(_N_RESIDENT):
                bl0, bl1, w0, w1 = floors(x0, x1, _RES[l])
                iks = corner_idx(bl0, bl1, l)
                e = tuple(
                    unpack(plsc.load_gather(tv[l], [ik])) for ik in iks)
                combine_store(e, w0, w1, rr, l)
            return c

        lax.fori_loop(0, _C // 16, res_body, 0)

        for j in range(_N_STREAM):
            dscs[j].wait()
            comb_pass(j)

        pltpu.async_copy(out_v, out_hbm.at[pl.ds(base, _C)], outsem)
        return carry

    lax.fori_loop(0, _NCHUNK, chunk_body, 0)
    out_wait()


def kernel(x, tables):
    mesh = plsc.VectorSubcoreMesh(core_axis_name="c", subcore_axis_name="s")
    scratch = [
        pltpu.VMEM((2 * _C,), jnp.float32),
        pltpu.VMEM((2 * _C,), jnp.float32),
    ] + [
        pltpu.VMEM((4 * _C,), jnp.int32) for _ in range(_N_STREAM)
    ] + [
        pltpu.VMEM((4 * _C,), jnp.int32) for _ in range(_N_STREAM)
    ] + [
        pltpu.VMEM((2 * _C,), jnp.float32) for _ in range(_N_STREAM)
    ] + [
        pltpu.VMEM((_C, 128), jnp.float32),
    ] + [
        pltpu.VMEM((_ROWS[l],), jnp.int32) for l in range(_N_RESIDENT)
    ] + [
        pltpu.VMEM_SHARED((_SH_WORDS,), jnp.int32),
        tuple(pltpu.SemaphoreType.DMA for _ in range(_N_STREAM)),
        pltpu.SemaphoreType.DMA,
    ]
    fn = pl.kernel(
        _sc_body,
        out_type=jax.ShapeDtypeStruct((_B, 128), jnp.float32),
        mesh=mesh,
        scratch_types=scratch,
        compiler_params=pltpu.CompilerParams(needs_layout_passes=False),
        name="ngp_sc",
    )

    def _pack(t):
        b = t.astype(jnp.bfloat16)
        u = jax.lax.bitcast_convert_type(b, jnp.uint16).astype(jnp.uint32)
        w = u[:, 0] | (u[:, 1] << 16)
        return jax.lax.bitcast_convert_type(w, jnp.int32)

    mid_parts = []
    for l in _SPMEM_LEVELS:
        f = _pack(tables[l])
        pad = -(-_ROWS[l] // 16) * 16 - _ROWS[l]
        mid_parts.append(f)
        if pad:
            mid_parts.append(jnp.zeros((pad,), jnp.int32))
    out = fn(
        x.reshape(-1),
        *(_pack(tables[l]) for l in range(_N_RESIDENT)),
        jnp.concatenate(mid_parts),
        *(_pack(tables[l]) for l in _HBM_LEVELS),
    )
    return out[:, :32]

# --- scband reference (transcript-rebuilt; emitter-appended) ---
"""Pipeline reference for scband-ngp-42262478193063 (READ-ONLY COPY).

The authoritative reference and input builder live on the scoring server;
editing this copy changes nothing except your own understanding.
"""

import math
import jax, jax.numpy as jnp
import numpy as np

IMG_H = 1024
IMG_W = 1024
N_LEVELS = 16
F = 2
LOG2T = 19
BASE = 16
FINEST = 2048
B = 1048576


def _resolutions():
    b = math.exp((math.log(FINEST) - math.log(BASE)) / (N_LEVELS - 1))
    return [math.floor(BASE * (b ** i)) for i in range(N_LEVELS)]


def setup_inputs(seed: int = 0) -> dict:
    key = jax.random.key(seed)
    kx, key = jax.random.split(key)
    # coordinates uniform over the image plane (y in [0, img_h), x in [0, img_w))
    x = jax.random.uniform(kx, (B, 2), dtype=jnp.float32) * jnp.array([IMG_H * 0.999, IMG_W * 0.999], dtype=jnp.float32)
    tables = []
    for i, res in enumerate(_resolutions()):
        rows = (res + 1) ** 2 if res * res < (1 << LOG2T) else (1 << LOG2T)
        kt = jax.random.fold_in(key, i)
        tables.append(jax.random.uniform(kt, (rows, F), dtype=jnp.float32, minval=-1e-4, maxval=1e-4))
    return {"x": x, "tables": tuple(tables)}


def _hash(gi):
    primes = jnp.array([1, 2654435761], dtype=jnp.uint32)
    c = gi.astype(jnp.uint32)
    h = (c[..., 0] * primes[0]) ^ (c[..., 1] * primes[1])
    mask = jnp.uint32((1 << LOG2T) - 1)
    return (h & mask).astype(jnp.int32)


def reference(x, tables):
    off = jnp.array([[0, 0], [0, 1], [1, 0], [1, 1]], dtype=jnp.int32)
    outs = []
    for i, res in enumerate(_resolutions()):
        grid_size = jnp.array([IMG_H / res, IMG_W / res], dtype=jnp.float32)
        bl = jnp.floor(x / grid_size).astype(jnp.int32)
        gmin = bl.astype(jnp.float32) * grid_size
        gmax = gmin + grid_size
        gi = bl[:, None, :] + off[None, :, :]
        if res * res < (1 << LOG2T):
            idx = gi[..., 0] * res + gi[..., 1]
        else:
            idx = _hash(gi)
        emb = jnp.take(tables[i], idx, axis=0)  # [B, 4, F]
        w = (x - gmin) / (gmax - gmin)
        w1 = w[:, 1:2]
        w0 = w[:, 0:1]
        c0 = emb[:, 0] * (1 - w1) + emb[:, 1] * w1
        c1 = emb[:, 2] * (1 - w1) + emb[:, 3] * w1
        outs.append(c0 * (1 - w0) + c1 * w0)
    return jnp.concatenate(outs, axis=-1)

if __name__ == "__main__":
    import jax
    _d = setup_inputs()
    print(jax.jit(kernel)(*tuple(_d.values())))

</pallas_src>

<mosaic_0001>
#map = affine_map<(d0, d1) -> (0)>
#map1 = affine_map<(d0, d1) -> (0, 0)>
module attributes {stable_mosaic.version = 14 : i64} {
  func.func @ngp_sc(%arg0: i32, %arg1: i32, %arg2: memref<2097152xf32, #tpu.memory_space<hbm>>, %arg3: memref<289xi32, #tpu.memory_space<hbm>>, %arg4: memref<529xi32, #tpu.memory_space<hbm>>, %arg5: memref<961xi32, #tpu.memory_space<hbm>>, %arg6: memref<1849xi32, #tpu.memory_space<hbm>>, %arg7: memref<3481xi32, #tpu.memory_space<hbm>>, %arg8: memref<6561xi32, #tpu.memory_space<hbm>>, %arg9: memref<12544xi32, #tpu.memory_space<hbm>>, %arg10: memref<23716xi32, #tpu.memory_space<hbm>>, %arg11: memref<298080xi32, #tpu.memory_space<hbm>>, %arg12: memref<315844xi32, #tpu.memory_space<hbm>>, %arg13: memref<524288xi32, #tpu.memory_space<hbm>>, %arg14: memref<524288xi32, #tpu.memory_space<hbm>>, %arg15: memref<524288xi32, #tpu.memory_space<hbm>>, %arg16: memref<524288xi32, #tpu.memory_space<hbm>>, %arg17: memref<1048576x128xf32, #tpu.memory_space<hbm>>, %arg18: memref<512xf32, #tpu.memory_space<vmem>>, %arg19: memref<512xf32, #tpu.memory_space<vmem>>, %arg20: memref<1024xi32, #tpu.memory_space<vmem>>, %arg21: memref<1024xi32, #tpu.memory_space<vmem>>, %arg22: memref<1024xi32, #tpu.memory_space<vmem>>, %arg23: memref<1024xi32, #tpu.memory_space<vmem>>, %arg24: memref<1024xi32, #tpu.memory_space<vmem>>, %arg25: memref<1024xi32, #tpu.memory_space<vmem>>, %arg26: memref<1024xi32, #tpu.memory_space<vmem>>, %arg27: memref<1024xi32, #tpu.memory_space<vmem>>, %arg28: memref<1024xi32, #tpu.memory_space<vmem>>, %arg29: memref<1024xi32, #tpu.memory_space<vmem>>, %arg30: memref<1024xi32, #tpu.memory_space<vmem>>, %arg31: memref<1024xi32, #tpu.memory_space<vmem>>, %arg32: memref<1024xi32, #tpu.memory_space<vmem>>, %arg33: memref<1024xi32, #tpu.memory_space<vmem>>, %arg34: memref<1024xi32, #tpu.memory_space<vmem>>, %arg35: memref<1024xi32, #tpu.memory_space<vmem>>, %arg36: memref<512xf32, #tpu.memory_space<vmem>>, %arg37: memref<512xf32, #tpu.memory_space<vmem>>, %arg38: memref<512xf32, #tpu.memory_space<vmem>>, %arg39: memref<512xf32, #tpu.memory_space<vmem>>, %arg40: memref<512xf32, #tpu.memory_space<vmem>>, %arg41: memref<512xf32, #tpu.memory_space<vmem>>, %arg42: memref<512xf32, #tpu.memory_space<vmem>>, %arg43: memref<512xf32, #tpu.memory_space<vmem>>, %arg44: memref<256x128xf32, #tpu.memory_space<vmem>>, %arg45: memref<289xi32, #tpu.memory_space<vmem>>, %arg46: memref<529xi32, #tpu.memory_space<vmem>>, %arg47: memref<961xi32, #tpu.memory_space<vmem>>, %arg48: memref<1849xi32, #tpu.memory_space<vmem>>, %arg49: memref<3481xi32, #tpu.memory_space<vmem>>, %arg50: memref<6561xi32, #tpu.memory_space<vmem>>, %arg51: memref<12544xi32, #tpu.memory_space<vmem>>, %arg52: memref<23716xi32, #tpu.memory_space<vmem>>, %arg53: memref<298080xi32, #tpu.memory_space<vmem_shared>>, %arg54: memref<!tpu.dma_semaphore, #tpu.memory_space<semaphore_mem>>, %arg55: memref<!tpu.dma_semaphore, #tpu.memory_space<semaphore_mem>>, %arg56: memref<!tpu.dma_semaphore, #tpu.memory_space<semaphore_mem>>, %arg57: memref<!tpu.dma_semaphore, #tpu.memory_space<semaphore_mem>>, %arg58: memref<!tpu.dma_semaphore, #tpu.memory_space<semaphore_mem>>, %arg59: memref<!tpu.dma_semaphore, #tpu.memory_space<semaphore_mem>>, %arg60: memref<!tpu.dma_semaphore, #tpu.memory_space<semaphore_mem>>, %arg61: memref<!tpu.dma_semaphore, #tpu.memory_space<semaphore_mem>>, %arg62: memref<!tpu.dma_semaphore, #tpu.memory_space<semaphore_mem>>) attributes {dimension_semantics = [#tpu.dimension_semantics<core_parallel>, #tpu.dimension_semantics<subcore_parallel>], iteration_bounds = array<i64: 2, 16>, scalar_prefetch = 0 : i64, scratch_operands = 45 : i64, tpu.core_type = #tpu.core_type<sc_vector_subcore>, window_params = [{transform_indices = #map}, {transform_indices = #map}, {transform_indices = #map}, {transform_indices = #map}, {transform_indices = #map}, {transform_indices = #map}, {transform_indices = #map}, {transform_indices = #map}, {transform_indices = #map}, {transform_indices = #map}, {transform_indices = #map}, {transform_indices = #map}, {transform_indices = #map}, {transform_indices = #map}, {transform_indices = #map}, {transform_indices = #map1}]} {
    %mul3A = arith.constant 2 : i32
    %mul3A_0 = arith.muli %arg1, %mul3A : i32
    %add3A = arith.addi %mul3A_0, %arg0 : i32
    %iota3A = tpu.iota {dimensions = array<i32: 0>} : vector<16xi32>
    %broadcast_in_dim3A = arith.constant 0 : i32
    %broadcast_in_dim3A_1 = vector.broadcast %broadcast_in_dim3A : i32 to vector<16xi32>
    "tpu.region"() ({
      %run_scoped3A = tpu.sem_alloc : memref<!tpu.dma_semaphore, #tpu.memory_space<semaphore_mem>>
      tpu.enqueue_dma source(%arg3 : memref<289xi32, #tpu.memory_space<hbm>>) target(%arg45 : memref<289xi32, #tpu.memory_space<vmem>>) target_semaphore(%run_scoped3A : memref<!tpu.dma_semaphore, #tpu.memory_space<semaphore_mem>>)
      tpu.wait_dma2 semaphore(%run_scoped3A : memref<!tpu.dma_semaphore, #tpu.memory_space<semaphore_mem>>) src(%arg3 : memref<289xi32, #tpu.memory_space<hbm>>) dst(%arg45 : memref<289xi32, #tpu.memory_space<vmem>>)
      tpu.yield
    }) : () -> ()
    "tpu.region"() ({
      %run_scoped3A = tpu.sem_alloc : memref<!tpu.dma_semaphore, #tpu.memory_space<semaphore_mem>>
      tpu.enqueue_dma source(%arg4 : memref<529xi32, #tpu.memory_space<hbm>>) target(%arg46 : memref<529xi32, #tpu.memory_space<vmem>>) target_semaphore(%run_scoped3A : memref<!tpu.dma_semaphore, #tpu.memory_space<semaphore_mem>>)
      tpu.wait_dma2 semaphore(%run_scoped3A : memref<!tpu.dma_semaphore, #tpu.memory_space<semaphore_mem>>) src(%arg4 : memref<529xi32, #tpu.memory_space<hbm>>) dst(%arg46 : memref<529xi32, #tpu.memory_space<vmem>>)
      tpu.yield
    }) : () -> ()
    "tpu.region"() ({
      %run_scoped3A = tpu.sem_alloc : memref<!tpu.dma_semaphore, #tpu.memory_space<semaphore_mem>>
      tpu.enqueue_dma source(%arg5 : memref<961xi32, #tpu.memory_space<hbm>>) target(%arg47 : memref<961xi32, #tpu.memory_space<vmem>>) target_semaphore(%run_scoped3A : memref<!tpu.dma_semaphore, #tpu.memory_space<semaphore_mem>>)
      tpu.wait_dma2 semaphore(%run_scoped3A : memref<!tpu.dma_semaphore, #tpu.memory_space<semaphore_mem>>) src(%arg5 : memref<961xi32, #tpu.memory_space<hbm>>) dst(%arg47 : memref<961xi32, #tpu.memory_space<vmem>>)
      tpu.yield
    }) : () -> ()
    "tpu.region"() ({
      %run_scoped3A = tpu.sem_alloc : memref<!tpu.dma_semaphore, #tpu.memory_space<semaphore_mem>>
      tpu.enqueue_dma source(%arg6 : memref<1849xi32, #tpu.memory_space<hbm>>) target(%arg48 : memref<1849xi32, #tpu.memory_space<vmem>>) target_semaphore(%run_scoped3A : memref<!tpu.dma_semaphore, #tpu.memory_space<semaphore_mem>>)
      tpu.wait_dma2 semaphore(%run_scoped3A : memref<!tpu.dma_semaphore, #tpu.memory_space<semaphore_mem>>) src(%arg6 : memref<1849xi32, #tpu.memory_space<hbm>>) dst(%arg48 : memref<1849xi32, #tpu.memory_space<vmem>>)
      tpu.yield
    }) : () -> ()
    "tpu.region"() ({
      %run_scoped3A = tpu.sem_alloc : memref<!tpu.dma_semaphore, #tpu.memory_space<semaphore_mem>>
      tpu.enqueue_dma source(%arg7 : memref<3481xi32, #tpu.memory_space<hbm>>) target(%arg49 : memref<3481xi32, #tpu.memory_space<vmem>>) target_semaphore(%run_scoped3A : memref<!tpu.dma_semaphore, #tpu.memory_space<semaphore_mem>>)
      tpu.wait_dma2 semaphore(%run_scoped3A : memref<!tpu.dma_semaphore, #tpu.memory_space<semaphore_mem>>) src(%arg7 : memref<3481xi32, #tpu.memory_space<hbm>>) dst(%arg49 : memref<3481xi32, #tpu.memory_space<vmem>>)
      tpu.yield
    }) : () -> ()
    "tpu.region"() ({
      %run_scoped3A = tpu.sem_alloc : memref<!tpu.dma_semaphore, #tpu.memory_space<semaphore_mem>>
      tpu.enqueue_dma source(%arg8 : memref<6561xi32, #tpu.memory_space<hbm>>) target(%arg50 : memref<6561xi32, #tpu.memory_space<vmem>>) target_semaphore(%run_scoped3A : memref<!tpu.dma_semaphore, #tpu.memory_space<semaphore_mem>>)
      tpu.wait_dma2 semaphore(%run_scoped3A : memref<!tpu.dma_semaphore, #tpu.memory_space<semaphore_mem>>) src(%arg8 : memref<6561xi32, #tpu.memory_space<hbm>>) dst(%arg50 : memref<6561xi32, #tpu.memory_space<vmem>>)
      tpu.yield
    }) : () -> ()
    "tpu.region"() ({
      %run_scoped3A = tpu.sem_alloc : memref<!tpu.dma_semaphore, #tpu.memory_space<semaphore_mem>>
      tpu.enqueue_dma source(%arg9 : memref<12544xi32, #tpu.memory_space<hbm>>) target(%arg51 : memref<12544xi32, #tpu.memory_space<vmem>>) target_semaphore(%run_scoped3A : memref<!tpu.dma_semaphore, #tpu.memory_space<semaphore_mem>>)
      tpu.wait_dma2 semaphore(%run_scoped3A : memref<!tpu.dma_semaphore, #tpu.memory_space<semaphore_mem>>) src(%arg9 : memref<12544xi32, #tpu.memory_space<hbm>>) dst(%arg51 : memref<12544xi32, #tpu.memory_space<vmem>>)
      tpu.yield
    }) : () -> ()
    "tpu.region"() ({
      %run_scoped3A = tpu.sem_alloc : memref<!tpu.dma_semaphore, #tpu.memory_space<semaphore_mem>>
      tpu.enqueue_dma source(%arg10 : memref<23716xi32, #tpu.memory_space<hbm>>) target(%arg52 : memref<23716xi32, #tpu.memory_space<vmem>>) target_semaphore(%run_scoped3A : memref<!tpu.dma_semaphore, #tpu.memory_space<semaphore_mem>>)
      tpu.wait_dma2 semaphore(%run_scoped3A : memref<!tpu.dma_semaphore, #tpu.memory_space<semaphore_mem>>) src(%arg10 : memref<23716xi32, #tpu.memory_space<hbm>>) dst(%arg52 : memref<23716xi32, #tpu.memory_space<vmem>>)
      tpu.yield
    }) : () -> ()
    %eq3A = arith.constant 0 : i32
    %eq3A_2 = arith.cmpi eq, %arg1, %eq3A : i32
    %convert_element_type3A = arith.extui %eq3A_2 : i1 to i32
    %cond3A = arith.constant 0 : i32
    %cond3A_3 = arith.cmpi ne, %convert_element_type3A, %cond3A : i32
    scf.if %cond3A_3 {
      "tpu.region"() ({
        %run_scoped3A = tpu.sem_alloc : memref<!tpu.dma_semaphore, #tpu.memory_space<semaphore_mem>>
        tpu.enqueue_dma source(%arg11 : memref<298080xi32, #tpu.memory_space<hbm>>) target(%arg53 : memref<298080xi32, #tpu.memory_space<vmem_shared>>) target_semaphore(%run_scoped3A : memref<!tpu.dma_semaphore, #tpu.memory_space<semaphore_mem>>)
        tpu.wait_dma2 semaphore(%run_scoped3A : memref<!tpu.dma_semaphore, #tpu.memory_space<semaphore_mem>>) src(%arg11 : memref<298080xi32, #tpu.memory_space<hbm>>) dst(%arg53 : memref<298080xi32, #tpu.memory_space<vmem_shared>>)
        tpu.yield
      }) : () -> ()
    } else {
    }
    %barrier3A = arith.constant 0 : index
    tpu.barrier barrier_id(%barrier3A)
    %scan3A = arith.constant 0 : i32
    %scan3A_4 = arith.constant 0 : i32
    %scan3A_5 = arith.constant 128 : i32
    %scan3A_6 = arith.addi %scan3A_4, %scan3A_5 : i32
    %scan3A_7 = arith.constant 1 : i32
    scf.for %scan3A_14 = %scan3A_4 to %scan3A_6 step %scan3A_7  : i32 {
      %mul3A_15 = arith.constant 32768 : i32
      %mul3A_16 = arith.muli %add3A, %mul3A_15 : i32
      %mul3A_17 = arith.constant 256 : i32
      %mul3A_18 = arith.muli %scan3A_14, %mul3A_17 : i32
      %add3A_19 = arith.addi %mul3A_16, %mul3A_18 : i32
      %mul3A_20 = arith.constant 2 : i32
      %mul3A_21 = arith.muli %mul3A_20, %add3A_19 : i32
      "tpu.region"() ({
        %run_scoped3A = tpu.sem_alloc : memref<!tpu.dma_semaphore, #tpu.memory_space<semaphore_mem>>
        %dma_start3A_127 = tpu.memref_slice %arg2[%mul3A_21] : memref<2097152xf32, #tpu.memory_space<hbm>> -> memref<512xf32, #tpu.memory_space<hbm>>
        %dma_start3A_128 = tpu.memref_slice %arg2[%mul3A_21] : memref<2097152xf32, #tpu.memory_space<hbm>> -> memref<512xf32, #tpu.memory_space<hbm>>
        tpu.enqueue_dma source(%dma_start3A_128 : memref<512xf32, #tpu.memory_space<hbm>>) target(%arg18 : memref<512xf32, #tpu.memory_space<vmem>>) target_semaphore(%run_scoped3A : memref<!tpu.dma_semaphore, #tpu.memory_space<semaphore_mem>>)
        %dma_wait3A_129 = tpu.memref_slice %arg2[%mul3A_21] : memref<2097152xf32, #tpu.memory_space<hbm>> -> memref<512xf32, #tpu.memory_space<hbm>>
        %dma_wait3A_130 = tpu.memref_slice %arg2[%mul3A_21] : memref<2097152xf32, #tpu.memory_space<hbm>> -> memref<512xf32, #tpu.memory_space<hbm>>
        tpu.wait_dma2 semaphore(%run_scoped3A : memref<!tpu.dma_semaphore, #tpu.memory_space<semaphore_mem>>) src(%dma_wait3A_130 : memref<512xf32, #tpu.memory_space<hbm>>) dst(%arg18 : memref<512xf32, #tpu.memory_space<vmem>>)
        tpu.yield
      }) : () -> ()
      %scan3A_22 = arith.constant 0 : i32
      %scan3A_23 = arith.constant 0 : i32
      %scan3A_24 = arith.constant 16 : i32
      %scan3A_25 = arith.addi %scan3A_23, %scan3A_24 : i32
      %scan3A_26 = arith.constant 1 : i32
      scf.for %scan3A_127 = %scan3A_23 to %scan3A_25 step %scan3A_26  : i32 {
        %mul3A_128 = arith.constant 16 : i32
        %mul3A_129 = arith.muli %scan3A_127, %mul3A_128 : i32
        %add3A_130 = vector.broadcast %mul3A_129 : i32 to vector<16xi32>
        %add3A_131 = arith.addi %add3A_130, %iota3A : vector<16xi32>
        %mul3A_132 = arith.constant 2 : i32
        %mul3A_133 = vector.broadcast %mul3A_132 : i32 to vector<16xi32>
        %mul3A_134 = arith.muli %add3A_131, %mul3A_133 : vector<16xi32>
        %gather3A = tpu.vector_load_idx %arg18[%mul3A_134] : memref<512xf32, #tpu.memory_space<vmem>>[vector<16xi32>], vector<16xf32>,
        %swap3A = arith.index_cast %mul3A_129 : i32 to index
        %swap3A_135 = tpu.vector_load %arg19[%swap3A] {strides = array<i32>} : memref<512xf32, #tpu.memory_space<vmem>>, vector<16xf32>,
        tpu.vector_store %arg19[%swap3A], %gather3A {strides = array<i32>} : memref<512xf32, #tpu.memory_space<vmem>>, vector<16xf32>,
        %add3A_136 = arith.constant 1 : i32
        %add3A_137 = vector.broadcast %add3A_136 : i32 to vector<16xi32>
        %add3A_138 = arith.addi %mul3A_134, %add3A_137 : vector<16xi32>
        %gather3A_139 = tpu.vector_load_idx %arg18[%add3A_138] : memref<512xf32, #tpu.memory_space<vmem>>[vector<16xi32>], vector<16xf32>,
        %add3A_140 = arith.constant 256 : i32
        %add3A_141 = arith.addi %add3A_140, %mul3A_129 : i32
        %swap3A_142 = arith.index_cast %add3A_141 : i32 to index
        %swap3A_143 = tpu.vector_load %arg19[%swap3A_142] {strides = array<i32>} : memref<512xf32, #tpu.memory_space<vmem>>, vector<16xf32>,
        tpu.vector_store %arg19[%swap3A_142], %gather3A_139 {strides = array<i32>} : memref<512xf32, #tpu.memory_space<vmem>>, vector<16xf32>,
      }
      %scan3A_27 = arith.constant 16 : i32
      %scan3A_28 = arith.constant 0 : i32
      %scan3A_29 = arith.constant 0 : i32
      %scan3A_30 = arith.constant 16 : i32
      %scan3A_31 = arith.addi %scan3A_29, %scan3A_30 : i32
      %scan3A_32 = arith.constant 1 : i32
      scf.for %scan3A_127 = %scan3A_29 to %scan3A_31 step %scan3A_32  : i32 {
        %mul3A_128 = arith.constant 16 : i32
        %mul3A_129 = arith.muli %scan3A_127, %mul3A_128 : i32
        %get3A = arith.index_cast %mul3A_129 : i32 to index
        %get3A_130 = tpu.vector_load %arg19[%get3A] {strides = array<i32>} : memref<512xf32, #tpu.memory_space<vmem>>, vector<16xf32>,
        %add3A_131 = arith.constant 256 : i32
        %add3A_132 = arith.addi %add3A_131, %mul3A_129 : i32
        %get3A_133 = arith.index_cast %add3A_132 : i32 to index
        %get3A_134 = tpu.vector_load %arg19[%get3A_133] {strides = array<i32>} : memref<512xf32, #tpu.memory_space<vmem>>, vector<16xf32>,
        %add3A_135 = vector.broadcast %mul3A_129 : i32 to vector<16xi32>
        %add3A_136 = arith.addi %add3A_135, %iota3A : vector<16xi32>
        %mul3A_137 = arith.constant 4 : i32
        %mul3A_138 = vector.broadcast %mul3A_137 : i32 to vector<16xi32>
        %mul3A_139 = arith.muli %add3A_136, %mul3A_138 : vector<16xi32>
        %mul3A_140 = arith.constant 0.20703125 : f32
        %mul3A_141 = vector.broadcast %mul3A_140 : f32 to vector<16xf32>
        %mul3A_142 = arith.mulf %get3A_130, %mul3A_141 : vector<16xf32>
        %mul3A_143 = arith.constant 0.20703125 : f32
        %mul3A_144 = vector.broadcast %mul3A_143 : f32 to vector<16xf32>
        %mul3A_145 = arith.mulf %get3A_134, %mul3A_144 : vector<16xf32>
        %convert_element_type3A_146 = arith.fptosi %mul3A_142 : vector<16xf32> to vector<16xi32>
        %convert_element_type3A_147 = arith.fptosi %mul3A_145 : vector<16xf32> to vector<16xi32>
        %convert_element_type3A_148 = arith.sitofp %convert_element_type3A_146 : vector<16xi32> to vector<16xf32>
        %sub3A = arith.subf %mul3A_142, %convert_element_type3A_148 : vector<16xf32>
        %convert_element_type3A_149 = arith.sitofp %convert_element_type3A_147 : vector<16xi32> to vector<16xf32>
        %sub3A_150 = arith.subf %mul3A_145, %convert_element_type3A_149 : vector<16xf32>
        %swap3A = arith.index_cast %mul3A_129 : i32 to index
        %swap3A_151 = tpu.vector_load %arg36[%swap3A] {strides = array<i32>} : memref<512xf32, #tpu.memory_space<vmem>>, vector<16xf32>,
        tpu.vector_store %arg36[%swap3A], %sub3A {strides = array<i32>} : memref<512xf32, #tpu.memory_space<vmem>>, vector<16xf32>,
        %add3A_152 = arith.constant 256 : i32
        %add3A_153 = arith.addi %add3A_152, %mul3A_129 : i32
        %swap3A_154 = arith.index_cast %add3A_153 : i32 to index
        %swap3A_155 = tpu.vector_load %arg36[%swap3A_154] {strides = array<i32>} : memref<512xf32, #tpu.memory_space<vmem>>, vector<16xf32>,
        tpu.vector_store %arg36[%swap3A_154], %sub3A_150 {strides = array<i32>} : memref<512xf32, #tpu.memory_space<vmem>>, vector<16xf32>,
        %mul3A_156 = arith.constant 212 : i32
        %mul3A_157 = vector.broadcast %mul3A_156 : i32 to vector<16xi32>
        %mul3A_158 = arith.muli %convert_element_type3A_146, %mul3A_157 : vector<16xi32>
        %add3A_159 = arith.addi %mul3A_158, %convert_element_type3A_147 : vector<16xi32>
        %add3A_160 = arith.constant 0 : i32
        %add3A_161 = vector.broadcast %add3A_160 : i32 to vector<16xi32>
        %add3A_162 = arith.addi %add3A_159, %add3A_161 : vector<16xi32>
        %add3A_163 = arith.constant 1 : i32
        %add3A_164 = vector.broadcast %add3A_163 : i32 to vector<16xi32>
        %add3A_165 = arith.addi %add3A_162, %add3A_164 : vector<16xi32>
        %add3A_166 = arith.constant 212 : i32
        %add3A_167 = vector.broadcast %add3A_166 : i32 to vector<16xi32>
        %add3A_168 = arith.addi %add3A_162, %add3A_167 : vector<16xi32>
        %add3A_169 = arith.constant 212 : i32
        %add3A_170 = vector.broadcast %add3A_169 : i32 to vector<16xi32>
        %add3A_171 = arith.addi %add3A_162, %add3A_170 : vector<16xi32>
        %add3A_172 = arith.constant 1 : i32
        %add3A_173 = vector.broadcast %add3A_172 : i32 to vector<16xi32>
        %add3A_174 = arith.addi %add3A_171, %add3A_173 : vector<16xi32>
        %add3A_175 = arith.constant 0 : i32
        %add3A_176 = vector.broadcast %add3A_175 : i32 to vector<16xi32>
        %add3A_177 = arith.addi %mul3A_139, %add3A_176 : vector<16xi32>
        tpu.vector_store_idx %arg20[%add3A_177], %add3A_162 : memref<1024xi32, #tpu.memory_space<vmem>>[vector<16xi32>], vector<16xi32>,
        %add3A_178 = arith.constant 1 : i32
        %add3A_179 = vector.broadcast %add3A_178 : i32 to vector<16xi32>
        %add3A_180 = arith.addi %mul3A_139, %add3A_179 : vector<16xi32>
        tpu.vector_store_idx %arg20[%add3A_180], %add3A_165 : memref<1024xi32, #tpu.memory_space<vmem>>[vector<16xi32>], vector<16xi32>,
        %add3A_181 = arith.constant 2 : i32
        %add3A_182 = vector.broadcast %add3A_181 : i32 to vector<16xi32>
        %add3A_183 = arith.addi %mul3A_139, %add3A_182 : vector<16xi32>
        tpu.vector_store_idx %arg20[%add3A_183], %add3A_168 : memref<1024xi32, #tpu.memory_space<vmem>>[vector<16xi32>], vector<16xi32>,
        %add3A_184 = arith.constant 3 : i32
        %add3A_185 = vector.broadcast %add3A_184 : i32 to vector<16xi32>
        %add3A_186 = arith.addi %mul3A_139, %add3A_185 : vector<16xi32>
        tpu.vector_store_idx %arg20[%add3A_186], %add3A_174 : memref<1024xi32, #tpu.memory_space<vmem>>[vector<16xi32>], vector<16xi32>,
        %mul3A_187 = arith.constant 0.287109375 : f32
        %mul3A_188 = vector.broadcast %mul3A_187 : f32 to vector<16xf32>
        %mul3A_189 = arith.mulf %get3A_130, %mul3A_188 : vector<16xf32>
        %mul3A_190 = arith.constant 0.287109375 : f32
        %mul3A_191 = vector.broadcast %mul3A_190 : f32 to vector<16xf32>
        %mul3A_192 = arith.mulf %get3A_134, %mul3A_191 : vector<16xf32>
        %convert_element_type3A_193 = arith.fptosi %mul3A_189 : vector<16xf32> to vector<16xi32>
        %convert_element_type3A_194 = arith.fptosi %mul3A_192 : vector<16xf32> to vector<16xi32>
        %convert_element_type3A_195 = arith.sitofp %convert_element_type3A_193 : vector<16xi32> to vector<16xf32>
        %sub3A_196 = arith.subf %mul3A_189, %convert_element_type3A_195 : vector<16xf32>
        %convert_element_type3A_197 = arith.sitofp %convert_element_type3A_194 : vector<16xi32> to vector<16xf32>
        %sub3A_198 = arith.subf %mul3A_192, %convert_element_type3A_197 : vector<16xf32>
        %swap3A_199 = arith.index_cast %mul3A_129 : i32 to index
        %swap3A_200 = tpu.vector_load %arg37[%swap3A_199] {strides = array<i32>} : memref<512xf32, #tpu.memory_space<vmem>>, vector<16xf32>,
        tpu.vector_store %arg37[%swap3A_199], %sub3A_196 {strides = array<i32>} : memref<512xf32, #tpu.memory_space<vmem>>, vector<16xf32>,
        %add3A_201 = arith.constant 256 : i32
        %add3A_202 = arith.addi %add3A_201, %mul3A_129 : i32
        %swap3A_203 = arith.index_cast %add3A_202 : i32 to index
        %swap3A_204 = tpu.vector_load %arg37[%swap3A_203] {strides = array<i32>} : memref<512xf32, #tpu.memory_space<vmem>>, vector<16xf32>,
        tpu.vector_store %arg37[%swap3A_203], %sub3A_198 {strides = array<i32>} : memref<512xf32, #tpu.memory_space<vmem>>, vector<16xf32>,
        %mul3A_205 = arith.constant 294 : i32
        %mul3A_206 = vector.broadcast %mul3A_205 : i32 to vector<16xi32>
        %mul3A_207 = arith.muli %convert_element_type3A_193, %mul3A_206 : vector<16xi32>
        %add3A_208 = arith.addi %mul3A_207, %convert_element_type3A_194 : vector<16xi32>
        %add3A_209 = arith.constant 45376 : i32
        %add3A_210 = vector.broadcast %add3A_209 : i32 to vector<16xi32>
        %add3A_211 = arith.addi %add3A_208, %add3A_210 : vector<16xi32>
        %add3A_212 = arith.constant 1 : i32
        %add3A_213 = vector.broadcast %add3A_212 : i32 to vector<16xi32>
        %add3A_214 = arith.addi %add3A_211, %add3A_213 : vector<16xi32>
        %add3A_215 = arith.constant 294 : i32
        %add3A_216 = vector.broadcast %add3A_215 : i32 to vector<16xi32>
        %add3A_217 = arith.addi %add3A_211, %add3A_216 : vector<16xi32>
        %add3A_218 = arith.constant 294 : i32
        %add3A_219 = vector.broadcast %add3A_218 : i32 to vector<16xi32>
        %add3A_220 = arith.addi %add3A_211, %add3A_219 : vector<16xi32>
        %add3A_221 = arith.constant 1 : i32
        %add3A_222 = vector.broadcast %add3A_221 : i32 to vector<16xi32>
        %add3A_223 = arith.addi %add3A_220, %add3A_222 : vector<16xi32>
        %add3A_224 = arith.constant 0 : i32
        %add3A_225 = vector.broadcast %add3A_224 : i32 to vector<16xi32>
        %add3A_226 = arith.addi %mul3A_139, %add3A_225 : vector<16xi32>
        tpu.vector_store_idx %arg21[%add3A_226], %add3A_211 : memref<1024xi32, #tpu.memory_space<vmem>>[vector<16xi32>], vector<16xi32>,
        %add3A_227 = arith.constant 1 : i32
        %add3A_228 = vector.broadcast %add3A_227 : i32 to vector<16xi32>
        %add3A_229 = arith.addi %mul3A_139, %add3A_228 : vector<16xi32>
        tpu.vector_store_idx %arg21[%add3A_229], %add3A_214 : memref<1024xi32, #tpu.memory_space<vmem>>[vector<16xi32>], vector<16xi32>,
        %add3A_230 = arith.constant 2 : i32
        %add3A_231 = vector.broadcast %add3A_230 : i32 to vector<16xi32>
        %add3A_232 = arith.addi %mul3A_139, %add3A_231 : vector<16xi32>
        tpu.vector_store_idx %arg21[%add3A_232], %add3A_217 : memref<1024xi32, #tpu.memory_space<vmem>>[vector<16xi32>], vector<16xi32>,
        %add3A_233 = arith.constant 3 : i32
        %add3A_234 = vector.broadcast %add3A_233 : i32 to vector<16xi32>
        %add3A_235 = arith.addi %mul3A_139, %add3A_234 : vector<16xi32>
        tpu.vector_store_idx %arg21[%add3A_235], %add3A_223 : memref<1024xi32, #tpu.memory_space<vmem>>[vector<16xi32>], vector<16xi32>,
        %mul3A_236 = arith.constant 0.396484375 : f32
        %mul3A_237 = vector.broadcast %mul3A_236 : f32 to vector<16xf32>
        %mul3A_238 = arith.mulf %get3A_130, %mul3A_237 : vector<16xf32>
        %mul3A_239 = arith.constant 0.396484375 : f32
        %mul3A_240 = vector.broadcast %mul3A_239 : f32 to vector<16xf32>
        %mul3A_241 = arith.mulf %get3A_134, %mul3A_240 : vector<16xf32>
        %convert_element_type3A_242 = arith.fptosi %mul3A_238 : vector<16xf32> to vector<16xi32>
        %convert_element_type3A_243 = arith.fptosi %mul3A_241 : vector<16xf32> to vector<16xi32>
        %convert_element_type3A_244 = arith.sitofp %convert_element_type3A_242 : vector<16xi32> to vector<16xf32>
        %sub3A_245 = arith.subf %mul3A_238, %convert_element_type3A_244 : vector<16xf32>
        %convert_element_type3A_246 = arith.sitofp %convert_element_type3A_243 : vector<16xi32> to vector<16xf32>
        %sub3A_247 = arith.subf %mul3A_241, %convert_element_type3A_246 : vector<16xf32>
        %swap3A_248 = arith.index_cast %mul3A_129 : i32 to index
        %swap3A_249 = tpu.vector_load %arg38[%swap3A_248] {strides = array<i32>} : memref<512xf32, #tpu.memory_space<vmem>>, vector<16xf32>,
        tpu.vector_store %arg38[%swap3A_248], %sub3A_245 {strides = array<i32>} : memref<512xf32, #tpu.memory_space<vmem>>, vector<16xf32>,
        %add3A_250 = arith.constant 256 : i32
        %add3A_251 = arith.addi %add3A_250, %mul3A_129 : i32
        %swap3A_252 = arith.index_cast %add3A_251 : i32 to index
        %swap3A_253 = tpu.vector_load %arg38[%swap3A_252] {strides = array<i32>} : memref<512xf32, #tpu.memory_space<vmem>>, vector<16xf32>,
        tpu.vector_store %arg38[%swap3A_252], %sub3A_247 {strides = array<i32>} : memref<512xf32, #tpu.memory_space<vmem>>, vector<16xf32>,
        %mul3A_254 = arith.constant 406 : i32
        %mul3A_255 = vector.broadcast %mul3A_254 : i32 to vector<16xi32>
        %mul3A_256 = arith.muli %convert_element_type3A_242, %mul3A_255 : vector<16xi32>
        %add3A_257 = arith.addi %mul3A_256, %convert_element_type3A_243 : vector<16xi32>
        %add3A_258 = arith.constant 132416 : i32
        %add3A_259 = vector.broadcast %add3A_258 : i32 to vector<16xi32>
        %add3A_260 = arith.addi %add3A_257, %add3A_259 : vector<16xi32>
        %add3A_261 = arith.constant 1 : i32
        %add3A_262 = vector.broadcast %add3A_261 : i32 to vector<16xi32>
        %add3A_263 = arith.addi %add3A_260, %add3A_262 : vector<16xi32>
        %add3A_264 = arith.constant 406 : i32
        %add3A_265 = vector.broadcast %add3A_264 : i32 to vector<16xi32>
        %add3A_266 = arith.addi %add3A_260, %add3A_265 : vector<16xi32>
        %add3A_267 = arith.constant 406 : i32
        %add3A_268 = vector.broadcast %add3A_267 : i32 to vector<16xi32>
        %add3A_269 = arith.addi %add3A_260, %add3A_268 : vector<16xi32>
        %add3A_270 = arith.constant 1 : i32
        %add3A_271 = vector.broadcast %add3A_270 : i32 to vector<16xi32>
        %add3A_272 = arith.addi %add3A_269, %add3A_271 : vector<16xi32>
        %add3A_273 = arith.constant 0 : i32
        %add3A_274 = vector.broadcast %add3A_273 : i32 to vector<16xi32>
        %add3A_275 = arith.addi %mul3A_139, %add3A_274 : vector<16xi32>
        tpu.vector_store_idx %arg22[%add3A_275], %add3A_260 : memref<1024xi32, #tpu.memory_space<vmem>>[vector<16xi32>], vector<16xi32>,
        %add3A_276 = arith.constant 1 : i32
        %add3A_277 = vector.broadcast %add3A_276 : i32 to vector<16xi32>
        %add3A_278 = arith.addi %mul3A_139, %add3A_277 : vector<16xi32>
        tpu.vector_store_idx %arg22[%add3A_278], %add3A_263 : memref<1024xi32, #tpu.memory_space<vmem>>[vector<16xi32>], vector<16xi32>,
        %add3A_279 = arith.constant 2 : i32
        %add3A_280 = vector.broadcast %add3A_279 : i32 to vector<16xi32>
        %add3A_281 = arith.addi %mul3A_139, %add3A_280 : vector<16xi32>
        tpu.vector_store_idx %arg22[%add3A_281], %add3A_266 : memref<1024xi32, #tpu.memory_space<vmem>>[vector<16xi32>], vector<16xi32>,
        %add3A_282 = arith.constant 3 : i32
        %add3A_283 = vector.broadcast %add3A_282 : i32 to vector<16xi32>
        %add3A_284 = arith.addi %mul3A_139, %add3A_283 : vector<16xi32>
        tpu.vector_store_idx %arg22[%add3A_284], %add3A_272 : memref<1024xi32, #tpu.memory_space<vmem>>[vector<16xi32>], vector<16xi32>,
        %mul3A_285 = arith.constant 0.547851563 : f32
        %mul3A_286 = vector.broadcast %mul3A_285 : f32 to vector<16xf32>
        %mul3A_287 = arith.mulf %get3A_130, %mul3A_286 : vector<16xf32>
        %mul3A_288 = arith.constant 0.547851563 : f32
        %mul3A_289 = vector.broadcast %mul3A_288 : f32 to vector<16xf32>
        %mul3A_290 = arith.mulf %get3A_134, %mul3A_289 : vector<16xf32>
        %convert_element_type3A_291 = arith.fptosi %mul3A_287 : vector<16xf32> to vector<16xi32>
        %convert_element_type3A_292 = arith.fptosi %mul3A_290 : vector<16xf32> to vector<16xi32>
        %convert_element_type3A_293 = arith.sitofp %convert_element_type3A_291 : vector<16xi32> to vector<16xf32>
        %sub3A_294 = arith.subf %mul3A_287, %convert_element_type3A_293 : vector<16xf32>
        %convert_element_type3A_295 = arith.sitofp %convert_element_type3A_292 : vector<16xi32> to vector<16xf32>
        %sub3A_296 = arith.subf %mul3A_290, %convert_element_type3A_295 : vector<16xf32>
        %swap3A_297 = arith.index_cast %mul3A_129 : i32 to index
        %swap3A_298 = tpu.vector_load %arg39[%swap3A_297] {strides = array<i32>} : memref<512xf32, #tpu.memory_space<vmem>>, vector<16xf32>,
        tpu.vector_store %arg39[%swap3A_297], %sub3A_294 {strides = array<i32>} : memref<512xf32, #tpu.memory_space<vmem>>, vector<16xf32>,
        %add3A_299 = arith.constant 256 : i32
        %add3A_300 = arith.addi %add3A_299, %mul3A_129 : i32
        %swap3A_301 = arith.index_cast %add3A_300 : i32 to index
        %swap3A_302 = tpu.vector_load %arg39[%swap3A_301] {strides = array<i32>} : memref<512xf32, #tpu.memory_space<vmem>>, vector<16xf32>,
        tpu.vector_store %arg39[%swap3A_301], %sub3A_296 {strides = array<i32>} : memref<512xf32, #tpu.memory_space<vmem>>, vector<16xf32>,
        %mul3A_303 = arith.constant 561 : i32
        %mul3A_304 = vector.broadcast %mul3A_303 : i32 to vector<16xi32>
        %mul3A_305 = arith.muli %convert_element_type3A_291, %mul3A_304 : vector<16xi32>
        %add3A_306 = arith.addi %mul3A_305, %convert_element_type3A_292 : vector<16xi32>
        %add3A_307 = arith.constant 0 : i32
        %add3A_308 = vector.broadcast %add3A_307 : i32 to vector<16xi32>
        %add3A_309 = arith.addi %add3A_306, %add3A_308 : vector<16xi32>
        %add3A_310 = arith.constant 1 : i32
        %add3A_311 = vector.broadcast %add3A_310 : i32 to vector<16xi32>
        %add3A_312 = arith.addi %add3A_309, %add3A_311 : vector<16xi32>
        %add3A_313 = arith.constant 561 : i32
        %add3A_314 = vector.broadcast %add3A_313 : i32 to vector<16xi32>
        %add3A_315 = arith.addi %add3A_309, %add3A_314 : vector<16xi32>
        %add3A_316 = arith.constant 561 : i32
        %add3A_317 = vector.broadcast %add3A_316 : i32 to vector<16xi32>
        %add3A_318 = arith.addi %add3A_309, %add3A_317 : vector<16xi32>
        %add3A_319 = arith.constant 1 : i32
        %add3A_320 = vector.broadcast %add3A_319 : i32 to vector<16xi32>
        %add3A_321 = arith.addi %add3A_318, %add3A_320 : vector<16xi32>
        %add3A_322 = arith.constant 0 : i32
        %add3A_323 = vector.broadcast %add3A_322 : i32 to vector<16xi32>
        %add3A_324 = arith.addi %mul3A_139, %add3A_323 : vector<16xi32>
        tpu.vector_store_idx %arg23[%add3A_324], %add3A_309 : memref<1024xi32, #tpu.memory_space<vmem>>[vector<16xi32>], vector<16xi32>,
        %add3A_325 = arith.constant 1 : i32
        %add3A_326 = vector.broadcast %add3A_325 : i32 to vector<16xi32>
        %add3A_327 = arith.addi %mul3A_139, %add3A_326 : vector<16xi32>
        tpu.vector_store_idx %arg23[%add3A_327], %add3A_312 : memref<1024xi32, #tpu.memory_space<vmem>>[vector<16xi32>], vector<16xi32>,
        %add3A_328 = arith.constant 2 : i32
        %add3A_329 = vector.broadcast %add3A_328 : i32 to vector<16xi32>
        %add3A_330 = arith.addi %mul3A_139, %add3A_329 : vector<16xi32>
        tpu.vector_store_idx %arg23[%add3A_330], %add3A_315 : memref<1024xi32, #tpu.memory_space<vmem>>[vector<16xi32>], vector<16xi32>,
        %add3A_331 = arith.constant 3 : i32
        %add3A_332 = vector.broadcast %add3A_331 : i32 to vector<16xi32>
        %add3A_333 = arith.addi %mul3A_139, %add3A_332 : vector<16xi32>
        tpu.vector_store_idx %arg23[%add3A_333], %add3A_321 : memref<1024xi32, #tpu.memory_space<vmem>>[vector<16xi32>], vector<16xi32>,
        %mul3A_334 = arith.constant 0.7578125 : f32
        %mul3A_335 = vector.broadcast %mul3A_334 : f32 to vector<16xf32>
        %mul3A_336 = arith.mulf %get3A_130, %mul3A_335 : vector<16xf32>
        %mul3A_337 = arith.constant 0.7578125 : f32
        %mul3A_338 = vector.broadcast %mul3A_337 : f32 to vector<16xf32>
        %mul3A_339 = arith.mulf %get3A_134, %mul3A_338 : vector<16xf32>
        %convert_element_type3A_340 = arith.fptosi %mul3A_336 : vector<16xf32> to vector<16xi32>
        %convert_element_type3A_341 = arith.fptosi %mul3A_339 : vector<16xf32> to vector<16xi32>
        %convert_element_type3A_342 = arith.sitofp %convert_element_type3A_340 : vector<16xi32> to vector<16xf32>
        %sub3A_343 = arith.subf %mul3A_336, %convert_element_type3A_342 : vector<16xf32>
        %convert_element_type3A_344 = arith.sitofp %convert_element_type3A_341 : vector<16xi32> to vector<16xf32>
        %sub3A_345 = arith.subf %mul3A_339, %convert_element_type3A_344 : vector<16xf32>
        %swap3A_346 = arith.index_cast %mul3A_129 : i32 to index
        %swap3A_347 = tpu.vector_load %arg40[%swap3A_346] {strides = array<i32>} : memref<512xf32, #tpu.memory_space<vmem>>, vector<16xf32>,
        tpu.vector_store %arg40[%swap3A_346], %sub3A_343 {strides = array<i32>} : memref<512xf32, #tpu.memory_space<vmem>>, vector<16xf32>,
        %add3A_348 = arith.constant 256 : i32
        %add3A_349 = arith.addi %add3A_348, %mul3A_129 : i32
        %swap3A_350 = arith.index_cast %add3A_349 : i32 to index
        %swap3A_351 = tpu.vector_load %arg40[%swap3A_350] {strides = array<i32>} : memref<512xf32, #tpu.memory_space<vmem>>, vector<16xf32>,
        tpu.vector_store %arg40[%swap3A_350], %sub3A_345 {strides = array<i32>} : memref<512xf32, #tpu.memory_space<vmem>>, vector<16xf32>,
        %mul3A_352 = arith.constant -1640531535 : i32
        %mul3A_353 = vector.broadcast %mul3A_352 : i32 to vector<16xi32>
        %mul3A_354 = arith.muli %convert_element_type3A_341, %mul3A_353 : vector<16xi32>
        %add3A_355 = arith.constant -1640531535 : i32
        %add3A_356 = vector.broadcast %add3A_355 : i32 to vector<16xi32>
        %add3A_357 = arith.addi %mul3A_354, %add3A_356 : vector<16xi32>
        %add3A_358 = arith.constant 1 : i32
        %add3A_359 = vector.broadcast %add3A_358 : i32 to vector<16xi32>
        %add3A_360 = arith.addi %convert_element_type3A_340, %add3A_359 : vector<16xi32>
        %xor3A = arith.xori %convert_element_type3A_340, %mul3A_354 : vector<16xi32>
        %and3A = arith.constant 524287 : i32
        %and3A_361 = vector.broadcast %and3A : i32 to vector<16xi32>
        %and3A_362 = arith.andi %xor3A, %and3A_361 : vector<16xi32>
        %xor3A_363 = arith.xori %convert_element_type3A_340, %add3A_357 : vector<16xi32>
        %and3A_364 = arith.constant 524287 : i32
        %and3A_365 = vector.broadcast %and3A_364 : i32 to vector<16xi32>
        %and3A_366 = arith.andi %xor3A_363, %and3A_365 : vector<16xi32>
        %xor3A_367 = arith.xori %add3A_360, %mul3A_354 : vector<16xi32>
        %and3A_368 = arith.constant 524287 : i32
        %and3A_369 = vector.broadcast %and3A_368 : i32 to vector<16xi32>
        %and3A_370 = arith.andi %xor3A_367, %and3A_369 : vector<16xi32>
        %xor3A_371 = arith.xori %add3A_360, %add3A_357 : vector<16xi32>
        %and3A_372 = arith.constant 524287 : i32
        %and3A_373 = vector.broadcast %and3A_372 : i32 to vector<16xi32>
        %and3A_374 = arith.andi %xor3A_371, %and3A_373 : vector<16xi32>
        %add3A_375 = arith.constant 0 : i32
        %add3A_376 = vector.broadcast %add3A_375 : i32 to vector<16xi32>
        %add3A_377 = arith.addi %mul3A_139, %add3A_376 : vector<16xi32>
        tpu.vector_store_idx %arg24[%add3A_377], %and3A_362 : memref<1024xi32, #tpu.memory_space<vmem>>[vector<16xi32>], vector<16xi32>,
        %add3A_378 = arith.constant 1 : i32
        %add3A_379 = vector.broadcast %add3A_378 : i32 to vector<16xi32>
        %add3A_380 = arith.addi %mul3A_139, %add3A_379 : vector<16xi32>
        tpu.vector_store_idx %arg24[%add3A_380], %and3A_366 : memref<1024xi32, #tpu.memory_space<vmem>>[vector<16xi32>], vector<16xi32>,
        %add3A_381 = arith.constant 2 : i32
        %add3A_382 = vector.broadcast %add3A_381 : i32 to vector<16xi32>
        %add3A_383 = arith.addi %mul3A_139, %add3A_382 : vector<16xi32>
        tpu.vector_store_idx %arg24[%add3A_383], %and3A_370 : memref<1024xi32, #tpu.memory_space<vmem>>[vector<16xi32>], vector<16xi32>,
        %add3A_384 = arith.constant 3 : i32
        %add3A_385 = vector.broadcast %add3A_384 : i32 to vector<16xi32>
        %add3A_386 = arith.addi %mul3A_139, %add3A_385 : vector<16xi32>
        tpu.vector_store_idx %arg24[%add3A_386], %and3A_374 : memref<1024xi32, #tpu.memory_space<vmem>>[vector<16xi32>], vector<16xi32>,
        %mul3A_387 = arith.constant 1.046875 : f32
        %mul3A_388 = vector.broadcast %mul3A_387 : f32 to vector<16xf32>
        %mul3A_389 = arith.mulf %get3A_130, %mul3A_388 : vector<16xf32>
        %mul3A_390 = arith.constant 1.046875 : f32
        %mul3A_391 = vector.broadcast %mul3A_390 : f32 to vector<16xf32>
        %mul3A_392 = arith.mulf %get3A_134, %mul3A_391 : vector<16xf32>
        %convert_element_type3A_393 = arith.fptosi %mul3A_389 : vector<16xf32> to vector<16xi32>
        %convert_element_type3A_394 = arith.fptosi %mul3A_392 : vector<16xf32> to vector<16xi32>
        %convert_element_type3A_395 = arith.sitofp %convert_element_type3A_393 : vector<16xi32> to vector<16xf32>
        %sub3A_396 = arith.subf %mul3A_389, %convert_element_type3A_395 : vector<16xf32>
        %convert_element_type3A_397 = arith.sitofp %convert_element_type3A_394 : vector<16xi32> to vector<16xf32>
        %sub3A_398 = arith.subf %mul3A_392, %convert_element_type3A_397 : vector<16xf32>
        %swap3A_399 = arith.index_cast %mul3A_129 : i32 to index
        %swap3A_400 = tpu.vector_load %arg41[%swap3A_399] {strides = array<i32>} : memref<512xf32, #tpu.memory_space<vmem>>, vector<16xf32>,
        tpu.vector_store %arg41[%swap3A_399], %sub3A_396 {strides = array<i32>} : memref<512xf32, #tpu.memory_space<vmem>>, vector<16xf32>,
        %add3A_401 = arith.constant 256 : i32
        %add3A_402 = arith.addi %add3A_401, %mul3A_129 : i32
        %swap3A_403 = arith.index_cast %add3A_402 : i32 to index
        %swap3A_404 = tpu.vector_load %arg41[%swap3A_403] {strides = array<i32>} : memref<512xf32, #tpu.memory_space<vmem>>, vector<16xf32>,
        tpu.vector_store %arg41[%swap3A_403], %sub3A_398 {strides = array<i32>} : memref<512xf32, #tpu.memory_space<vmem>>, vector<16xf32>,
        %mul3A_405 = arith.constant -1640531535 : i32
        %mul3A_406 = vector.broadcast %mul3A_405 : i32 to vector<16xi32>
        %mul3A_407 = arith.muli %convert_element_type3A_394, %mul3A_406 : vector<16xi32>
        %add3A_408 = arith.constant -1640531535 : i32
        %add3A_409 = vector.broadcast %add3A_408 : i32 to vector<16xi32>
        %add3A_410 = arith.addi %mul3A_407, %add3A_409 : vector<16xi32>
        %add3A_411 = arith.constant 1 : i32
        %add3A_412 = vector.broadcast %add3A_411 : i32 to vector<16xi32>
        %add3A_413 = arith.addi %convert_element_type3A_393, %add3A_412 : vector<16xi32>
        %xor3A_414 = arith.xori %convert_element_type3A_393, %mul3A_407 : vector<16xi32>
        %and3A_415 = arith.constant 524287 : i32
        %and3A_416 = vector.broadcast %and3A_415 : i32 to vector<16xi32>
        %and3A_417 = arith.andi %xor3A_414, %and3A_416 : vector<16xi32>
        %xor3A_418 = arith.xori %convert_element_type3A_393, %add3A_410 : vector<16xi32>
        %and3A_419 = arith.constant 524287 : i32
        %and3A_420 = vector.broadcast %and3A_419 : i32 to vector<16xi32>
        %and3A_421 = arith.andi %xor3A_418, %and3A_420 : vector<16xi32>
        %xor3A_422 = arith.xori %add3A_413, %mul3A_407 : vector<16xi32>
        %and3A_423 = arith.constant 524287 : i32
        %and3A_424 = vector.broadcast %and3A_423 : i32 to vector<16xi32>
        %and3A_425 = arith.andi %xor3A_422, %and3A_424 : vector<16xi32>
        %xor3A_426 = arith.xori %add3A_413, %add3A_410 : vector<16xi32>
        %and3A_427 = arith.constant 524287 : i32
        %and3A_428 = vector.broadcast %and3A_427 : i32 to vector<16xi32>
        %and3A_429 = arith.andi %xor3A_426, %and3A_428 : vector<16xi32>
        %add3A_430 = arith.constant 0 : i32
        %add3A_431 = vector.broadcast %add3A_430 : i32 to vector<16xi32>
        %add3A_432 = arith.addi %mul3A_139, %add3A_431 : vector<16xi32>
        tpu.vector_store_idx %arg25[%add3A_432], %and3A_417 : memref<1024xi32, #tpu.memory_space<vmem>>[vector<16xi32>], vector<16xi32>,
        %add3A_433 = arith.constant 1 : i32
        %add3A_434 = vector.broadcast %add3A_433 : i32 to vector<16xi32>
        %add3A_435 = arith.addi %mul3A_139, %add3A_434 : vector<16xi32>
        tpu.vector_store_idx %arg25[%add3A_435], %and3A_421 : memref<1024xi32, #tpu.memory_space<vmem>>[vector<16xi32>], vector<16xi32>,
        %add3A_436 = arith.constant 2 : i32
        %add3A_437 = vector.broadcast %add3A_436 : i32 to vector<16xi32>
        %add3A_438 = arith.addi %mul3A_139, %add3A_437 : vector<16xi32>
        tpu.vector_store_idx %arg25[%add3A_438], %and3A_425 : memref<1024xi32, #tpu.memory_space<vmem>>[vector<16xi32>], vector<16xi32>,
        %add3A_439 = arith.constant 3 : i32
        %add3A_440 = vector.broadcast %add3A_439 : i32 to vector<16xi32>
        %add3A_441 = arith.addi %mul3A_139, %add3A_440 : vector<16xi32>
        tpu.vector_store_idx %arg25[%add3A_441], %and3A_429 : memref<1024xi32, #tpu.memory_space<vmem>>[vector<16xi32>], vector<16xi32>,
        %mul3A_442 = arith.constant 1.44726563 : f32
        %mul3A_443 = vector.broadcast %mul3A_442 : f32 to vector<16xf32>
        %mul3A_444 = arith.mulf %get3A_130, %mul3A_443 : vector<16xf32>
        %mul3A_445 = arith.constant 1.44726563 : f32
        %mul3A_446 = vector.broadcast %mul3A_445 : f32 to vector<16xf32>
        %mul3A_447 = arith.mulf %get3A_134, %mul3A_446 : vector<16xf32>
        %convert_element_type3A_448 = arith.fptosi %mul3A_444 : vector<16xf32> to vector<16xi32>
        %convert_element_type3A_449 = arith.fptosi %mul3A_447 : vector<16xf32> to vector<16xi32>
        %convert_element_type3A_450 = arith.sitofp %convert_element_type3A_448 : vector<16xi32> to vector<16xf32>
        %sub3A_451 = arith.subf %mul3A_444, %convert_element_type3A_450 : vector<16xf32>
        %convert_element_type3A_452 = arith.sitofp %convert_element_type3A_449 : vector<16xi32> to vector<16xf32>
        %sub3A_453 = arith.subf %mul3A_447, %convert_element_type3A_452 : vector<16xf32>
        %swap3A_454 = arith.index_cast %mul3A_129 : i32 to index
        %swap3A_455 = tpu.vector_load %arg42[%swap3A_454] {strides = array<i32>} : memref<512xf32, #tpu.memory_space<vmem>>, vector<16xf32>,
        tpu.vector_store %arg42[%swap3A_454], %sub3A_451 {strides = array<i32>} : memref<512xf32, #tpu.memory_space<vmem>>, vector<16xf32>,
        %add3A_456 = arith.constant 256 : i32
        %add3A_457 = arith.addi %add3A_456, %mul3A_129 : i32
        %swap3A_458 = arith.index_cast %add3A_457 : i32 to index
        %swap3A_459 = tpu.vector_load %arg42[%swap3A_458] {strides = array<i32>} : memref<512xf32, #tpu.memory_space<vmem>>, vector<16xf32>,
        tpu.vector_store %arg42[%swap3A_458], %sub3A_453 {strides = array<i32>} : memref<512xf32, #tpu.memory_space<vmem>>, vector<16xf32>,
        %mul3A_460 = arith.constant -1640531535 : i32
        %mul3A_461 = vector.broadcast %mul3A_460 : i32 to vector<16xi32>
        %mul3A_462 = arith.muli %convert_element_type3A_449, %mul3A_461 : vector<16xi32>
        %add3A_463 = arith.constant -1640531535 : i32
        %add3A_464 = vector.broadcast %add3A_463 : i32 to vector<16xi32>
        %add3A_465 = arith.addi %mul3A_462, %add3A_464 : vector<16xi32>
        %add3A_466 = arith.constant 1 : i32
        %add3A_467 = vector.broadcast %add3A_466 : i32 to vector<16xi32>
        %add3A_468 = arith.addi %convert_element_type3A_448, %add3A_467 : vector<16xi32>
        %xor3A_469 = arith.xori %convert_element_type3A_448, %mul3A_462 : vector<16xi32>
        %and3A_470 = arith.constant 524287 : i32
        %and3A_471 = vector.broadcast %and3A_470 : i32 to vector<16xi32>
        %and3A_472 = arith.andi %xor3A_469, %and3A_471 : vector<16xi32>
        %xor3A_473 = arith.xori %convert_element_type3A_448, %add3A_465 : vector<16xi32>
        %and3A_474 = arith.constant 524287 : i32
        %and3A_475 = vector.broadcast %and3A_474 : i32 to vector<16xi32>
        %and3A_476 = arith.andi %xor3A_473, %and3A_475 : vector<16xi32>
        %xor3A_477 = arith.xori %add3A_468, %mul3A_462 : vector<16xi32>
        %and3A_478 = arith.constant 524287 : i32
        %and3A_479 = vector.broadcast %and3A_478 : i32 to vector<16xi32>
        %and3A_480 = arith.andi %xor3A_477, %and3A_479 : vector<16xi32>
        %xor3A_481 = arith.xori %add3A_468, %add3A_465 : vector<16xi32>
        %and3A_482 = arith.constant 524287 : i32
        %and3A_483 = vector.broadcast %and3A_482 : i32 to vector<16xi32>
        %and3A_484 = arith.andi %xor3A_481, %and3A_483 : vector<16xi32>
        %add3A_485 = arith.constant 0 : i32
        %add3A_486 = vector.broadcast %add3A_485 : i32 to vector<16xi32>
        %add3A_487 = arith.addi %mul3A_139, %add3A_486 : vector<16xi32>
        tpu.vector_store_idx %arg26[%add3A_487], %and3A_472 : memref<1024xi32, #tpu.memory_space<vmem>>[vector<16xi32>], vector<16xi32>,
        %add3A_488 = arith.constant 1 : i32
        %add3A_489 = vector.broadcast %add3A_488 : i32 to vector<16xi32>
        %add3A_490 = arith.addi %mul3A_139, %add3A_489 : vector<16xi32>
        tpu.vector_store_idx %arg26[%add3A_490], %and3A_476 : memref<1024xi32, #tpu.memory_space<vmem>>[vector<16xi32>], vector<16xi32>,
        %add3A_491 = arith.constant 2 : i32
        %add3A_492 = vector.broadcast %add3A_491 : i32 to vector<16xi32>
        %add3A_493 = arith.addi %mul3A_139, %add3A_492 : vector<16xi32>
        tpu.vector_store_idx %arg26[%add3A_493], %and3A_480 : memref<1024xi32, #tpu.memory_space<vmem>>[vector<16xi32>], vector<16xi32>,
        %add3A_494 = arith.constant 3 : i32
        %add3A_495 = vector.broadcast %add3A_494 : i32 to vector<16xi32>
        %add3A_496 = arith.addi %mul3A_139, %add3A_495 : vector<16xi32>
        tpu.vector_store_idx %arg26[%add3A_496], %and3A_484 : memref<1024xi32, #tpu.memory_space<vmem>>[vector<16xi32>], vector<16xi32>,
        %mul3A_497 = arith.constant 2.000000e+00 : f32
        %mul3A_498 = vector.broadcast %mul3A_497 : f32 to vector<16xf32>
        %mul3A_499 = arith.mulf %get3A_130, %mul3A_498 : vector<16xf32>
        %mul3A_500 = arith.constant 2.000000e+00 : f32
        %mul3A_501 = vector.broadcast %mul3A_500 : f32 to vector<16xf32>
        %mul3A_502 = arith.mulf %get3A_134, %mul3A_501 : vector<16xf32>
        %convert_element_type3A_503 = arith.fptosi %mul3A_499 : vector<16xf32> to vector<16xi32>
        %convert_element_type3A_504 = arith.fptosi %mul3A_502 : vector<16xf32> to vector<16xi32>
        %convert_element_type3A_505 = arith.sitofp %convert_element_type3A_503 : vector<16xi32> to vector<16xf32>
        %sub3A_506 = arith.subf %mul3A_499, %convert_element_type3A_505 : vector<16xf32>
        %convert_element_type3A_507 = arith.sitofp %convert_element_type3A_504 : vector<16xi32> to vector<16xf32>
        %sub3A_508 = arith.subf %mul3A_502, %convert_element_type3A_507 : vector<16xf32>
        %swap3A_509 = arith.index_cast %mul3A_129 : i32 to index
        %swap3A_510 = tpu.vector_load %arg43[%swap3A_509] {strides = array<i32>} : memref<512xf32, #tpu.memory_space<vmem>>, vector<16xf32>,
        tpu.vector_store %arg43[%swap3A_509], %sub3A_506 {strides = array<i32>} : memref<512xf32, #tpu.memory_space<vmem>>, vector<16xf32>,
        %add3A_511 = arith.constant 256 : i32
        %add3A_512 = arith.addi %add3A_511, %mul3A_129 : i32
        %swap3A_513 = arith.index_cast %add3A_512 : i32 to index
        %swap3A_514 = tpu.vector_load %arg43[%swap3A_513] {strides = array<i32>} : memref<512xf32, #tpu.memory_space<vmem>>, vector<16xf32>,
        tpu.vector_store %arg43[%swap3A_513], %sub3A_508 {strides = array<i32>} : memref<512xf32, #tpu.memory_space<vmem>>, vector<16xf32>,
        %mul3A_515 = arith.constant -1640531535 : i32
        %mul3A_516 = vector.broadcast %mul3A_515 : i32 to vector<16xi32>
        %mul3A_517 = arith.muli %convert_element_type3A_504, %mul3A_516 : vector<16xi32>
        %add3A_518 = arith.constant -1640531535 : i32
        %add3A_519 = vector.broadcast %add3A_518 : i32 to vector<16xi32>
        %add3A_520 = arith.addi %mul3A_517, %add3A_519 : vector<16xi32>
        %add3A_521 = arith.constant 1 : i32
        %add3A_522 = vector.broadcast %add3A_521 : i32 to vector<16xi32>
        %add3A_523 = arith.addi %convert_element_type3A_503, %add3A_522 : vector<16xi32>
        %xor3A_524 = arith.xori %convert_element_type3A_503, %mul3A_517 : vector<16xi32>
        %and3A_525 = arith.constant 524287 : i32
        %and3A_526 = vector.broadcast %and3A_525 : i32 to vector<16xi32>
        %and3A_527 = arith.andi %xor3A_524, %and3A_526 : vector<16xi32>
        %xor3A_528 = arith.xori %convert_element_type3A_503, %add3A_520 : vector<16xi32>
        %and3A_529 = arith.constant 524287 : i32
        %and3A_530 = vector.broadcast %and3A_529 : i32 to vector<16xi32>
        %and3A_531 = arith.andi %xor3A_528, %and3A_530 : vector<16xi32>
        %xor3A_532 = arith.xori %add3A_523, %mul3A_517 : vector<16xi32>
        %and3A_533 = arith.constant 524287 : i32
        %and3A_534 = vector.broadcast %and3A_533 : i32 to vector<16xi32>
        %and3A_535 = arith.andi %xor3A_532, %and3A_534 : vector<16xi32>
        %xor3A_536 = arith.xori %add3A_523, %add3A_520 : vector<16xi32>
        %and3A_537 = arith.constant 524287 : i32
        %and3A_538 = vector.broadcast %and3A_537 : i32 to vector<16xi32>
        %and3A_539 = arith.andi %xor3A_536, %and3A_538 : vector<16xi32>
        %add3A_540 = arith.constant 0 : i32
        %add3A_541 = vector.broadcast %add3A_540 : i32 to vector<16xi32>
        %add3A_542 = arith.addi %mul3A_139, %add3A_541 : vector<16xi32>
        tpu.vector_store_idx %arg27[%add3A_542], %and3A_527 : memref<1024xi32, #tpu.memory_space<vmem>>[vector<16xi32>], vector<16xi32>,
        %add3A_543 = arith.constant 1 : i32
        %add3A_544 = vector.broadcast %add3A_543 : i32 to vector<16xi32>
        %add3A_545 = arith.addi %mul3A_139, %add3A_544 : vector<16xi32>
        tpu.vector_store_idx %arg27[%add3A_545], %and3A_531 : memref<1024xi32, #tpu.memory_space<vmem>>[vector<16xi32>], vector<16xi32>,
        %add3A_546 = arith.constant 2 : i32
        %add3A_547 = vector.broadcast %add3A_546 : i32 to vector<16xi32>
        %add3A_548 = arith.addi %mul3A_139, %add3A_547 : vector<16xi32>
        tpu.vector_store_idx %arg27[%add3A_548], %and3A_535 : memref<1024xi32, #tpu.memory_space<vmem>>[vector<16xi32>], vector<16xi32>,
        %add3A_549 = arith.constant 3 : i32
        %add3A_550 = vector.broadcast %add3A_549 : i32 to vector<16xi32>
        %add3A_551 = arith.addi %mul3A_139, %add3A_550 : vector<16xi32>
        tpu.vector_store_idx %arg27[%add3A_551], %and3A_539 : memref<1024xi32, #tpu.memory_space<vmem>>[vector<16xi32>], vector<16xi32>,
      }
      %scan3A_33 = arith.constant 16 : i32
      %dma_start3A = arith.constant 0 : i32
      %dma_start3A_34 = tpu.memref_slice %arg53[%dma_start3A] : memref<298080xi32, #tpu.memory_space<vmem_shared>> -> memref<298080xi32, #tpu.memory_space<vmem_shared>>
      tpu.enqueue_indirect_dma source(%dma_start3A_34 : memref<298080xi32, #tpu.memory_space<vmem_shared>>) target(%arg28 : memref<1024xi32, #tpu.memory_space<vmem>>) offsets(%arg20 : memref<1024xi32, #tpu.memory_space<vmem>>) semaphore(%arg54 : memref<!tpu.dma_semaphore, #tpu.memory_space<semaphore_mem>>)
      %dma_start3A_35 = arith.constant 0 : i32
      %dma_start3A_36 = tpu.memref_slice %arg53[%dma_start3A_35] : memref<298080xi32, #tpu.memory_space<vmem_shared>> -> memref<298080xi32, #tpu.memory_space<vmem_shared>>
      tpu.enqueue_indirect_dma source(%dma_start3A_36 : memref<298080xi32, #tpu.memory_space<vmem_shared>>) target(%arg29 : memref<1024xi32, #tpu.memory_space<vmem>>) offsets(%arg21 : memref<1024xi32, #tpu.memory_space<vmem>>) semaphore(%arg55 : memref<!tpu.dma_semaphore, #tpu.memory_space<semaphore_mem>>)
      %dma_start3A_37 = arith.constant 0 : i32
      %dma_start3A_38 = tpu.memref_slice %arg53[%dma_start3A_37] : memref<298080xi32, #tpu.memory_space<vmem_shared>> -> memref<298080xi32, #tpu.memory_space<vmem_shared>>
      tpu.enqueue_indirect_dma source(%dma_start3A_38 : memref<298080xi32, #tpu.memory_space<vmem_shared>>) target(%arg30 : memref<1024xi32, #tpu.memory_space<vmem>>) offsets(%arg22 : memref<1024xi32, #tpu.memory_space<vmem>>) semaphore(%arg56 : memref<!tpu.dma_semaphore, #tpu.memory_space<semaphore_mem>>)
      %dma_start3A_39 = arith.constant 0 : i32
      %dma_start3A_40 = tpu.memref_slice %arg12[%dma_start3A_39] : memref<315844xi32, #tpu.memory_space<hbm>> -> memref<315844xi32, #tpu.memory_space<hbm>>
      tpu.enqueue_indirect_dma source(%dma_start3A_40 : memref<315844xi32, #tpu.memory_space<hbm>>) target(%arg31 : memref<1024xi32, #tpu.memory_space<vmem>>) offsets(%arg23 : memref<1024xi32, #tpu.memory_space<vmem>>) semaphore(%arg57 : memref<!tpu.dma_semaphore, #tpu.memory_space<semaphore_mem>>)
      %dma_start3A_41 = arith.constant 0 : i32
      %dma_start3A_42 = tpu.memref_slice %arg13[%dma_start3A_41] : memref<524288xi32, #tpu.memory_space<hbm>> -> memref<524288xi32, #tpu.memory_space<hbm>>
      tpu.enqueue_indirect_dma source(%dma_start3A_42 : memref<524288xi32, #tpu.memory_space<hbm>>) target(%arg32 : memref<1024xi32, #tpu.memory_space<vmem>>) offsets(%arg24 : memref<1024xi32, #tpu.memory_space<vmem>>) semaphore(%arg58 : memref<!tpu.dma_semaphore, #tpu.memory_space<semaphore_mem>>)
      %dma_start3A_43 = arith.constant 0 : i32
      %dma_start3A_44 = tpu.memref_slice %arg14[%dma_start3A_43] : memref<524288xi32, #tpu.memory_space<hbm>> -> memref<524288xi32, #tpu.memory_space<hbm>>
      tpu.enqueue_indirect_dma source(%dma_start3A_44 : memref<524288xi32, #tpu.memory_space<hbm>>) target(%arg33 : memref<1024xi32, #tpu.memory_space<vmem>>) offsets(%arg25 : memref<1024xi32, #tpu.memory_space<vmem>>) semaphore(%arg59 : memref<!tpu.dma_semaphore, #tpu.memory_space<semaphore_mem>>)
      %dma_start3A_45 = arith.constant 0 : i32
      %dma_start3A_46 = tpu.memref_slice %arg15[%dma_start3A_45] : memref<524288xi32, #tpu.memory_space<hbm>> -> memref<524288xi32, #tpu.memory_space<hbm>>
      tpu.enqueue_indirect_dma source(%dma_start3A_46 : memref<524288xi32, #tpu.memory_space<hbm>>) target(%arg34 : memref<1024xi32, #tpu.memory_space<vmem>>) offsets(%arg26 : memref<1024xi32, #tpu.memory_space<vmem>>) semaphore(%arg60 : memref<!tpu.dma_semaphore, #tpu.memory_space<semaphore_mem>>)
      %dma_start3A_47 = arith.constant 0 : i32
      %dma_start3A_48 = tpu.memref_slice %arg16[%dma_start3A_47] : memref<524288xi32, #tpu.memory_space<hbm>> -> memref<524288xi32, #tpu.memory_space<hbm>>
      tpu.enqueue_indirect_dma source(%dma_start3A_48 : memref<524288xi32, #tpu.memory_space<hbm>>) target(%arg35 : memref<1024xi32, #tpu.memory_space<vmem>>) offsets(%arg27 : memref<1024xi32, #tpu.memory_space<vmem>>) semaphore(%arg61 : memref<!tpu.dma_semaphore, #tpu.memory_space<semaphore_mem>>)
      %gt3A = arith.constant 0 : i32
      %gt3A_49 = arith.cmpi sgt, %scan3A_14, %gt3A : i32
      %convert_element_type3A_50 = arith.extui %gt3A_49 : i1 to i32
      %cond3A_51 = arith.constant 0 : i32
      %cond3A_52 = arith.cmpi ne, %convert_element_type3A_50, %cond3A_51 : i32
      scf.if %cond3A_52 {
        %dma_wait3A_127 = arith.constant 0 : i32
        %dma_wait3A_128 = arith.constant 0 : i32
        %dma_wait3A_129 = tpu.memref_slice %arg17[%dma_wait3A_127, %dma_wait3A_128] : memref<1048576x128xf32, #tpu.memory_space<hbm>> -> memref<256x128xf32, #tpu.memory_space<hbm>>
        %dma_wait3A_130 = arith.constant 0 : i32
        %dma_wait3A_131 = arith.constant 0 : i32
        %dma_wait3A_132 = tpu.memref_slice %arg17[%dma_wait3A_130, %dma_wait3A_131] : memref<1048576x128xf32, #tpu.memory_space<hbm>> -> memref<256x128xf32, #tpu.memory_space<hbm>>
        tpu.wait_dma2 semaphore(%arg62 : memref<!tpu.dma_semaphore, #tpu.memory_space<semaphore_mem>>) src(%arg44 : memref<256x128xf32, #tpu.memory_space<vmem>>) dst(%dma_wait3A_132 : memref<256x128xf32, #tpu.memory_space<hbm>>)
      } else {
      }
      %scan3A_53 = arith.constant 0 : i32
      %scan3A_54 = arith.constant 0 : i32
      %scan3A_55 = arith.constant 16 : i32
      %scan3A_56 = arith.addi %scan3A_54, %scan3A_55 : i32
      %scan3A_57 = arith.constant 1 : i32
      scf.for %scan3A_127 = %scan3A_54 to %scan3A_56 step %scan3A_57  : i32 {
        %mul3A_128 = arith.constant 16 : i32
        %mul3A_129 = arith.muli %scan3A_127, %mul3A_128 : i32
        %get3A = arith.index_cast %mul3A_129 : i32 to index
        %get3A_130 = tpu.vector_load %arg19[%get3A] {strides = array<i32>} : memref<512xf32, #tpu.memory_space<vmem>>, vector<16xf32>,
        %add3A_131 = arith.constant 256 : i32
        %add3A_132 = arith.addi %add3A_131, %mul3A_129 : i32
        %get3A_133 = arith.index_cast %add3A_132 : i32 to index
        %get3A_134 = tpu.vector_load %arg19[%get3A_133] {strides = array<i32>} : memref<512xf32, #tpu.memory_space<vmem>>, vector<16xf32>,
        %add3A_135 = vector.broadcast %mul3A_129 : i32 to vector<16xi32>
        %add3A_136 = arith.addi %add3A_135, %iota3A : vector<16xi32>
        %mul3A_137 = arith.constant 1.562500e-02 : f32
        %mul3A_138 = vector.broadcast %mul3A_137 : f32 to vector<16xf32>
        %mul3A_139 = arith.mulf %get3A_130, %mul3A_138 : vector<16xf32>
        %mul3A_140 = arith.constant 1.562500e-02 : f32
        %mul3A_141 = vector.broadcast %mul3A_140 : f32 to vector<16xf32>
        %mul3A_142 = arith.mulf %get3A_134, %mul3A_141 : vector<16xf32>
        %convert_element_type3A_143 = arith.fptosi %mul3A_139 : vector<16xf32> to vector<16xi32>
        %convert_element_type3A_144 = arith.fptosi %mul3A_142 : vector<16xf32> to vector<16xi32>
        %convert_element_type3A_145 = arith.sitofp %convert_element_type3A_143 : vector<16xi32> to vector<16xf32>
        %sub3A = arith.subf %mul3A_139, %convert_element_type3A_145 : vector<16xf32>
        %convert_element_type3A_146 = arith.sitofp %convert_element_type3A_144 : vector<16xi32> to vector<16xf32>
        %sub3A_147 = arith.subf %mul3A_142, %convert_element_type3A_146 : vector<16xf32>
        %mul3A_148 = arith.constant 16 : i32
        %mul3A_149 = vector.broadcast %mul3A_148 : i32 to vector<16xi32>
        %mul3A_150 = arith.muli %convert_element_type3A_143, %mul3A_149 : vector<16xi32>
        %add3A_151 = arith.addi %mul3A_150, %convert_element_type3A_144 : vector<16xi32>
        %add3A_152 = arith.constant 0 : i32
        %add3A_153 = vector.broadcast %add3A_152 : i32 to vector<16xi32>
        %add3A_154 = arith.addi %add3A_151, %add3A_153 : vector<16xi32>
        %add3A_155 = arith.constant 1 : i32
        %add3A_156 = vector.broadcast %add3A_155 : i32 to vector<16xi32>
        %add3A_157 = arith.addi %add3A_154, %add3A_156 : vector<16xi32>
        %add3A_158 = arith.constant 16 : i32
        %add3A_159 = vector.broadcast %add3A_158 : i32 to vector<16xi32>
        %add3A_160 = arith.addi %add3A_154, %add3A_159 : vector<16xi32>
        %add3A_161 = arith.constant 16 : i32
        %add3A_162 = vector.broadcast %add3A_161 : i32 to vector<16xi32>
        %add3A_163 = arith.addi %add3A_154, %add3A_162 : vector<16xi32>
        %add3A_164 = arith.constant 1 : i32
        %add3A_165 = vector.broadcast %add3A_164 : i32 to vector<16xi32>
        %add3A_166 = arith.addi %add3A_163, %add3A_165 : vector<16xi32>
        %gather3A = tpu.vector_load_idx %arg45[%add3A_154] : memref<289xi32, #tpu.memory_space<vmem>>[vector<16xi32>], vector<16xi32>,
        %shift_left3A = arith.constant 16 : i32
        %shift_left3A_167 = vector.broadcast %shift_left3A : i32 to vector<16xi32>
        %shift_left3A_168 = arith.shli %gather3A, %shift_left3A_167 : vector<16xi32>
        %bitcast3A = vector.bitcast %shift_left3A_168 : vector<16xi32> to vector<16xf32>
        %and3A = arith.constant -65536 : i32
        %and3A_169 = vector.broadcast %and3A : i32 to vector<16xi32>
        %and3A_170 = arith.andi %gather3A, %and3A_169 : vector<16xi32>
        %bitcast3A_171 = vector.bitcast %and3A_170 : vector<16xi32> to vector<16xf32>
        %gather3A_172 = tpu.vector_load_idx %arg45[%add3A_157] : memref<289xi32, #tpu.memory_space<vmem>>[vector<16xi32>], vector<16xi32>,
        %shift_left3A_173 = arith.constant 16 : i32
        %shift_left3A_174 = vector.broadcast %shift_left3A_173 : i32 to vector<16xi32>
        %shift_left3A_175 = arith.shli %gather3A_172, %shift_left3A_174 : vector<16xi32>
        %bitcast3A_176 = vector.bitcast %shift_left3A_175 : vector<16xi32> to vector<16xf32>
        %and3A_177 = arith.constant -65536 : i32
        %and3A_178 = vector.broadcast %and3A_177 : i32 to vector<16xi32>
        %and3A_179 = arith.andi %gather3A_172, %and3A_178 : vector<16xi32>
        %bitcast3A_180 = vector.bitcast %and3A_179 : vector<16xi32> to vector<16xf32>
        %gather3A_181 = tpu.vector_load_idx %arg45[%add3A_160] : memref<289xi32, #tpu.memory_space<vmem>>[vector<16xi32>], vector<16xi32>,
        %shift_left3A_182 = arith.constant 16 : i32
        %shift_left3A_183 = vector.broadcast %shift_left3A_182 : i32 to vector<16xi32>
        %shift_left3A_184 = arith.shli %gather3A_181, %shift_left3A_183 : vector<16xi32>
        %bitcast3A_185 = vector.bitcast %shift_left3A_184 : vector<16xi32> to vector<16xf32>
        %and3A_186 = arith.constant -65536 : i32
        %and3A_187 = vector.broadcast %and3A_186 : i32 to vector<16xi32>
        %and3A_188 = arith.andi %gather3A_181, %and3A_187 : vector<16xi32>
        %bitcast3A_189 = vector.bitcast %and3A_188 : vector<16xi32> to vector<16xf32>
        %gather3A_190 = tpu.vector_load_idx %arg45[%add3A_166] : memref<289xi32, #tpu.memory_space<vmem>>[vector<16xi32>], vector<16xi32>,
        %shift_left3A_191 = arith.constant 16 : i32
        %shift_left3A_192 = vector.broadcast %shift_left3A_191 : i32 to vector<16xi32>
        %shift_left3A_193 = arith.shli %gather3A_190, %shift_left3A_192 : vector<16xi32>
        %bitcast3A_194 = vector.bitcast %shift_left3A_193 : vector<16xi32> to vector<16xf32>
        %and3A_195 = arith.constant -65536 : i32
        %and3A_196 = vector.broadcast %and3A_195 : i32 to vector<16xi32>
        %and3A_197 = arith.andi %gather3A_190, %and3A_196 : vector<16xi32>
        %bitcast3A_198 = vector.bitcast %and3A_197 : vector<16xi32> to vector<16xf32>
        %sub3A_199 = arith.subf %bitcast3A_176, %bitcast3A : vector<16xf32>
        %mul3A_200 = arith.mulf %sub3A_199, %sub3A_147 : vector<16xf32>
        %add3A_201 = arith.addf %bitcast3A, %mul3A_200 : vector<16xf32>
        %sub3A_202 = arith.subf %bitcast3A_194, %bitcast3A_185 : vector<16xf32>
        %mul3A_203 = arith.mulf %sub3A_202, %sub3A_147 : vector<16xf32>
        %add3A_204 = arith.addf %bitcast3A_185, %mul3A_203 : vector<16xf32>
        %sub3A_205 = arith.subf %add3A_204, %add3A_201 : vector<16xf32>
        %mul3A_206 = arith.mulf %sub3A_205, %sub3A : vector<16xf32>
        %add3A_207 = arith.addf %add3A_201, %mul3A_206 : vector<16xf32>
        %add3A_208 = arith.constant 0 : i32
        %add3A_209 = vector.broadcast %add3A_208 : i32 to vector<16xi32>
        %add3A_210 = arith.addi %broadcast_in_dim3A_1, %add3A_209 : vector<16xi32>
        tpu.vector_store_idx %arg44[%add3A_136, %add3A_210], %add3A_207 : memref<256x128xf32, #tpu.memory_space<vmem>>[vector<16xi32>, vector<16xi32>], vector<16xf32>,
        %sub3A_211 = arith.subf %bitcast3A_180, %bitcast3A_171 : vector<16xf32>
        %mul3A_212 = arith.mulf %sub3A_211, %sub3A_147 : vector<16xf32>
        %add3A_213 = arith.addf %bitcast3A_171, %mul3A_212 : vector<16xf32>
        %sub3A_214 = arith.subf %bitcast3A_198, %bitcast3A_189 : vector<16xf32>
        %mul3A_215 = arith.mulf %sub3A_214, %sub3A_147 : vector<16xf32>
        %add3A_216 = arith.addf %bitcast3A_189, %mul3A_215 : vector<16xf32>
        %sub3A_217 = arith.subf %add3A_216, %add3A_213 : vector<16xf32>
        %mul3A_218 = arith.mulf %sub3A_217, %sub3A : vector<16xf32>
        %add3A_219 = arith.addf %add3A_213, %mul3A_218 : vector<16xf32>
        %add3A_220 = arith.constant 1 : i32
        %add3A_221 = vector.broadcast %add3A_220 : i32 to vector<16xi32>
        %add3A_222 = arith.addi %broadcast_in_dim3A_1, %add3A_221 : vector<16xi32>
        tpu.vector_store_idx %arg44[%add3A_136, %add3A_222], %add3A_219 : memref<256x128xf32, #tpu.memory_space<vmem>>[vector<16xi32>, vector<16xi32>], vector<16xf32>,
        %mul3A_223 = arith.constant 0.021484375 : f32
        %mul3A_224 = vector.broadcast %mul3A_223 : f32 to vector<16xf32>
        %mul3A_225 = arith.mulf %get3A_130, %mul3A_224 : vector<16xf32>
        %mul3A_226 = arith.constant 0.021484375 : f32
        %mul3A_227 = vector.broadcast %mul3A_226 : f32 to vector<16xf32>
        %mul3A_228 = arith.mulf %get3A_134, %mul3A_227 : vector<16xf32>
        %convert_element_type3A_229 = arith.fptosi %mul3A_225 : vector<16xf32> to vector<16xi32>
        %convert_element_type3A_230 = arith.fptosi %mul3A_228 : vector<16xf32> to vector<16xi32>
        %convert_element_type3A_231 = arith.sitofp %convert_element_type3A_229 : vector<16xi32> to vector<16xf32>
        %sub3A_232 = arith.subf %mul3A_225, %convert_element_type3A_231 : vector<16xf32>
        %convert_element_type3A_233 = arith.sitofp %convert_element_type3A_230 : vector<16xi32> to vector<16xf32>
        %sub3A_234 = arith.subf %mul3A_228, %convert_element_type3A_233 : vector<16xf32>
        %mul3A_235 = arith.constant 22 : i32
        %mul3A_236 = vector.broadcast %mul3A_235 : i32 to vector<16xi32>
        %mul3A_237 = arith.muli %convert_element_type3A_229, %mul3A_236 : vector<16xi32>
        %add3A_238 = arith.addi %mul3A_237, %convert_element_type3A_230 : vector<16xi32>
        %add3A_239 = arith.constant 0 : i32
        %add3A_240 = vector.broadcast %add3A_239 : i32 to vector<16xi32>
        %add3A_241 = arith.addi %add3A_238, %add3A_240 : vector<16xi32>
        %add3A_242 = arith.constant 1 : i32
        %add3A_243 = vector.broadcast %add3A_242 : i32 to vector<16xi32>
        %add3A_244 = arith.addi %add3A_241, %add3A_243 : vector<16xi32>
        %add3A_245 = arith.constant 22 : i32
        %add3A_246 = vector.broadcast %add3A_245 : i32 to vector<16xi32>
        %add3A_247 = arith.addi %add3A_241, %add3A_246 : vector<16xi32>
        %add3A_248 = arith.constant 22 : i32
        %add3A_249 = vector.broadcast %add3A_248 : i32 to vector<16xi32>
        %add3A_250 = arith.addi %add3A_241, %add3A_249 : vector<16xi32>
        %add3A_251 = arith.constant 1 : i32
        %add3A_252 = vector.broadcast %add3A_251 : i32 to vector<16xi32>
        %add3A_253 = arith.addi %add3A_250, %add3A_252 : vector<16xi32>
        %gather3A_254 = tpu.vector_load_idx %arg46[%add3A_241] : memref<529xi32, #tpu.memory_space<vmem>>[vector<16xi32>], vector<16xi32>,
        %shift_left3A_255 = arith.constant 16 : i32
        %shift_left3A_256 = vector.broadcast %shift_left3A_255 : i32 to vector<16xi32>
        %shift_left3A_257 = arith.shli %gather3A_254, %shift_left3A_256 : vector<16xi32>
        %bitcast3A_258 = vector.bitcast %shift_left3A_257 : vector<16xi32> to vector<16xf32>
        %and3A_259 = arith.constant -65536 : i32
        %and3A_260 = vector.broadcast %and3A_259 : i32 to vector<16xi32>
        %and3A_261 = arith.andi %gather3A_254, %and3A_260 : vector<16xi32>
        %bitcast3A_262 = vector.bitcast %and3A_261 : vector<16xi32> to vector<16xf32>
        %gather3A_263 = tpu.vector_load_idx %arg46[%add3A_244] : memref<529xi32, #tpu.memory_space<vmem>>[vector<16xi32>], vector<16xi32>,
        %shift_left3A_264 = arith.constant 16 : i32
        %shift_left3A_265 = vector.broadcast %shift_left3A_264 : i32 to vector<16xi32>
        %shift_left3A_266 = arith.shli %gather3A_263, %shift_left3A_265 : vector<16xi32>
        %bitcast3A_267 = vector.bitcast %shift_left3A_266 : vector<16xi32> to vector<16xf32>
        %and3A_268 = arith.constant -65536 : i32
        %and3A_269 = vector.broadcast %and3A_268 : i32 to vector<16xi32>
        %and3A_270 = arith.andi %gather3A_263, %and3A_269 : vector<16xi32>
        %bitcast3A_271 = vector.bitcast %and3A_270 : vector<16xi32> to vector<16xf32>
        %gather3A_272 = tpu.vector_load_idx %arg46[%add3A_247] : memref<529xi32, #tpu.memory_space<vmem>>[vector<16xi32>], vector<16xi32>,
        %shift_left3A_273 = arith.constant 16 : i32
        %shift_left3A_274 = vector.broadcast %shift_left3A_273 : i32 to vector<16xi32>
        %shift_left3A_275 = arith.shli %gather3A_272, %shift_left3A_274 : vector<16xi32>
        %bitcast3A_276 = vector.bitcast %shift_left3A_275 : vector<16xi32> to vector<16xf32>
        %and3A_277 = arith.constant -65536 : i32
        %and3A_278 = vector.broadcast %and3A_277 : i32 to vector<16xi32>
        %and3A_279 = arith.andi %gather3A_272, %and3A_278 : vector<16xi32>
        %bitcast3A_280 = vector.bitcast %and3A_279 : vector<16xi32> to vector<16xf32>
        %gather3A_281 = tpu.vector_load_idx %arg46[%add3A_253] : memref<529xi32, #tpu.memory_space<vmem>>[vector<16xi32>], vector<16xi32>,
        %shift_left3A_282 = arith.constant 16 : i32
        %shift_left3A_283 = vector.broadcast %shift_left3A_282 : i32 to vector<16xi32>
        %shift_left3A_284 = arith.shli %gather3A_281, %shift_left3A_283 : vector<16xi32>
        %bitcast3A_285 = vector.bitcast %shift_left3A_284 : vector<16xi32> to vector<16xf32>
        %and3A_286 = arith.constant -65536 : i32
        %and3A_287 = vector.broadcast %and3A_286 : i32 to vector<16xi32>
        %and3A_288 = arith.andi %gather3A_281, %and3A_287 : vector<16xi32>
        %bitcast3A_289 = vector.bitcast %and3A_288 : vector<16xi32> to vector<16xf32>
        %sub3A_290 = arith.subf %bitcast3A_267, %bitcast3A_258 : vector<16xf32>
        %mul3A_291 = arith.mulf %sub3A_290, %sub3A_234 : vector<16xf32>
        %add3A_292 = arith.addf %bitcast3A_258, %mul3A_291 : vector<16xf32>
        %sub3A_293 = arith.subf %bitcast3A_285, %bitcast3A_276 : vector<16xf32>
        %mul3A_294 = arith.mulf %sub3A_293, %sub3A_234 : vector<16xf32>
        %add3A_295 = arith.addf %bitcast3A_276, %mul3A_294 : vector<16xf32>
        %sub3A_296 = arith.subf %add3A_295, %add3A_292 : vector<16xf32>
        %mul3A_297 = arith.mulf %sub3A_296, %sub3A_232 : vector<16xf32>
        %add3A_298 = arith.addf %add3A_292, %mul3A_297 : vector<16xf32>
        %add3A_299 = arith.constant 2 : i32
        %add3A_300 = vector.broadcast %add3A_299 : i32 to vector<16xi32>
        %add3A_301 = arith.addi %broadcast_in_dim3A_1, %add3A_300 : vector<16xi32>
        tpu.vector_store_idx %arg44[%add3A_136, %add3A_301], %add3A_298 : memref<256x128xf32, #tpu.memory_space<vmem>>[vector<16xi32>, vector<16xi32>], vector<16xf32>,
        %sub3A_302 = arith.subf %bitcast3A_271, %bitcast3A_262 : vector<16xf32>
        %mul3A_303 = arith.mulf %sub3A_302, %sub3A_234 : vector<16xf32>
        %add3A_304 = arith.addf %bitcast3A_262, %mul3A_303 : vector<16xf32>
        %sub3A_305 = arith.subf %bitcast3A_289, %bitcast3A_280 : vector<16xf32>
        %mul3A_306 = arith.mulf %sub3A_305, %sub3A_234 : vector<16xf32>
        %add3A_307 = arith.addf %bitcast3A_280, %mul3A_306 : vector<16xf32>
        %sub3A_308 = arith.subf %add3A_307, %add3A_304 : vector<16xf32>
        %mul3A_309 = arith.mulf %sub3A_308, %sub3A_232 : vector<16xf32>
        %add3A_310 = arith.addf %add3A_304, %mul3A_309 : vector<16xf32>
        %add3A_311 = arith.constant 3 : i32
        %add3A_312 = vector.broadcast %add3A_311 : i32 to vector<16xi32>
        %add3A_313 = arith.addi %broadcast_in_dim3A_1, %add3A_312 : vector<16xi32>
        tpu.vector_store_idx %arg44[%add3A_136, %add3A_313], %add3A_310 : memref<256x128xf32, #tpu.memory_space<vmem>>[vector<16xi32>, vector<16xi32>], vector<16xf32>,
        %mul3A_314 = arith.constant 0.029296875 : f32
        %mul3A_315 = vector.broadcast %mul3A_314 : f32 to vector<16xf32>
        %mul3A_316 = arith.mulf %get3A_130, %mul3A_315 : vector<16xf32>
        %mul3A_317 = arith.constant 0.029296875 : f32
        %mul3A_318 = vector.broadcast %mul3A_317 : f32 to vector<16xf32>
        %mul3A_319 = arith.mulf %get3A_134, %mul3A_318 : vector<16xf32>
        %convert_element_type3A_320 = arith.fptosi %mul3A_316 : vector<16xf32> to vector<16xi32>
        %convert_element_type3A_321 = arith.fptosi %mul3A_319 : vector<16xf32> to vector<16xi32>
        %convert_element_type3A_322 = arith.sitofp %convert_element_type3A_320 : vector<16xi32> to vector<16xf32>
        %sub3A_323 = arith.subf %mul3A_316, %convert_element_type3A_322 : vector<16xf32>
        %convert_element_type3A_324 = arith.sitofp %convert_element_type3A_321 : vector<16xi32> to vector<16xf32>
        %sub3A_325 = arith.subf %mul3A_319, %convert_element_type3A_324 : vector<16xf32>
        %mul3A_326 = arith.constant 30 : i32
        %mul3A_327 = vector.broadcast %mul3A_326 : i32 to vector<16xi32>
        %mul3A_328 = arith.muli %convert_element_type3A_320, %mul3A_327 : vector<16xi32>
        %add3A_329 = arith.addi %mul3A_328, %convert_element_type3A_321 : vector<16xi32>
        %add3A_330 = arith.constant 0 : i32
        %add3A_331 = vector.broadcast %add3A_330 : i32 to vector<16xi32>
        %add3A_332 = arith.addi %add3A_329, %add3A_331 : vector<16xi32>
        %add3A_333 = arith.constant 1 : i32
        %add3A_334 = vector.broadcast %add3A_333 : i32 to vector<16xi32>
        %add3A_335 = arith.addi %add3A_332, %add3A_334 : vector<16xi32>
        %add3A_336 = arith.constant 30 : i32
        %add3A_337 = vector.broadcast %add3A_336 : i32 to vector<16xi32>
        %add3A_338 = arith.addi %add3A_332, %add3A_337 : vector<16xi32>
        %add3A_339 = arith.constant 30 : i32
        %add3A_340 = vector.broadcast %add3A_339 : i32 to vector<16xi32>
        %add3A_341 = arith.addi %add3A_332, %add3A_340 : vector<16xi32>
        %add3A_342 = arith.constant 1 : i32
        %add3A_343 = vector.broadcast %add3A_342 : i32 to vector<16xi32>
        %add3A_344 = arith.addi %add3A_341, %add3A_343 : vector<16xi32>
        %gather3A_345 = tpu.vector_load_idx %arg47[%add3A_332] : memref<961xi32, #tpu.memory_space<vmem>>[vector<16xi32>], vector<16xi32>,
        %shift_left3A_346 = arith.constant 16 : i32
        %shift_left3A_347 = vector.broadcast %shift_left3A_346 : i32 to vector<16xi32>
        %shift_left3A_348 = arith.shli %gather3A_345, %shift_left3A_347 : vector<16xi32>
        %bitcast3A_349 = vector.bitcast %shift_left3A_348 : vector<16xi32> to vector<16xf32>
        %and3A_350 = arith.constant -65536 : i32
        %and3A_351 = vector.broadcast %and3A_350 : i32 to vector<16xi32>
        %and3A_352 = arith.andi %gather3A_345, %and3A_351 : vector<16xi32>
        %bitcast3A_353 = vector.bitcast %and3A_352 : vector<16xi32> to vector<16xf32>
        %gather3A_354 = tpu.vector_load_idx %arg47[%add3A_335] : memref<961xi32, #tpu.memory_space<vmem>>[vector<16xi32>], vector<16xi32>,
        %shift_left3A_355 = arith.constant 16 : i32
        %shift_left3A_356 = vector.broadcast %shift_left3A_355 : i32 to vector<16xi32>
        %shift_left3A_357 = arith.shli %gather3A_354, %shift_left3A_356 : vector<16xi32>
        %bitcast3A_358 = vector.bitcast %shift_left3A_357 : vector<16xi32> to vector<16xf32>
        %and3A_359 = arith.constant -65536 : i32
        %and3A_360 = vector.broadcast %and3A_359 : i32 to vector<16xi32>
        %and3A_361 = arith.andi %gather3A_354, %and3A_360 : vector<16xi32>
        %bitcast3A_362 = vector.bitcast %and3A_361 : vector<16xi32> to vector<16xf32>
        %gather3A_363 = tpu.vector_load_idx %arg47[%add3A_338] : memref<961xi32, #tpu.memory_space<vmem>>[vector<16xi32>], vector<16xi32>,
        %shift_left3A_364 = arith.constant 16 : i32
        %shift_left3A_365 = vector.broadcast %shift_left3A_364 : i32 to vector<16xi32>
        %shift_left3A_366 = arith.shli %gather3A_363, %shift_left3A_365 : vector<16xi32>
        %bitcast3A_367 = vector.bitcast %shift_left3A_366 : vector<16xi32> to vector<16xf32>
        %and3A_368 = arith.constant -65536 : i32
        %and3A_369 = vector.broadcast %and3A_368 : i32 to vector<16xi32>
        %and3A_370 = arith.andi %gather3A_363, %and3A_369 : vector<16xi32>
        %bitcast3A_371 = vector.bitcast %and3A_370 : vector<16xi32> to vector<16xf32>
        %gather3A_372 = tpu.vector_load_idx %arg47[%add3A_344] : memref<961xi32, #tpu.memory_space<vmem>>[vector<16xi32>], vector<16xi32>,
        %shift_left3A_373 = arith.constant 16 : i32
        %shift_left3A_374 = vector.broadcast %shift_left3A_373 : i32 to vector<16xi32>
        %shift_left3A_375 = arith.shli %gather3A_372, %shift_left3A_374 : vector<16xi32>
        %bitcast3A_376 = vector.bitcast %shift_left3A_375 : vector<16xi32> to vector<16xf32>
        %and3A_377 = arith.constant -65536 : i32
        %and3A_378 = vector.broadcast %and3A_377 : i32 to vector<16xi32>
        %and3A_379 = arith.andi %gather3A_372, %and3A_378 : vector<16xi32>
        %bitcast3A_380 = vector.bitcast %and3A_379 : vector<16xi32> to vector<16xf32>
        %sub3A_381 = arith.subf %bitcast3A_358, %bitcast3A_349 : vector<16xf32>
        %mul3A_382 = arith.mulf %sub3A_381, %sub3A_325 : vector<16xf32>
        %add3A_383 = arith.addf %bitcast3A_349, %mul3A_382 : vector<16xf32>
        %sub3A_384 = arith.subf %bitcast3A_376, %bitcast3A_367 : vector<16xf32>
        %mul3A_385 = arith.mulf %sub3A_384, %sub3A_325 : vector<16xf32>
        %add3A_386 = arith.addf %bitcast3A_367, %mul3A_385 : vector<16xf32>
        %sub3A_387 = arith.subf %add3A_386, %add3A_383 : vector<16xf32>
        %mul3A_388 = arith.mulf %sub3A_387, %sub3A_323 : vector<16xf32>
        %add3A_389 = arith.addf %add3A_383, %mul3A_388 : vector<16xf32>
        %add3A_390 = arith.constant 4 : i32
        %add3A_391 = vector.broadcast %add3A_390 : i32 to vector<16xi32>
        %add3A_392 = arith.addi %broadcast_in_dim3A_1, %add3A_391 : vector<16xi32>
        tpu.vector_store_idx %arg44[%add3A_136, %add3A_392], %add3A_389 : memref<256x128xf32, #tpu.memory_space<vmem>>[vector<16xi32>, vector<16xi32>], vector<16xf32>,
        %sub3A_393 = arith.subf %bitcast3A_362, %bitcast3A_353 : vector<16xf32>
        %mul3A_394 = arith.mulf %sub3A_393, %sub3A_325 : vector<16xf32>
        %add3A_395 = arith.addf %bitcast3A_353, %mul3A_394 : vector<16xf32>
        %sub3A_396 = arith.subf %bitcast3A_380, %bitcast3A_371 : vector<16xf32>
        %mul3A_397 = arith.mulf %sub3A_396, %sub3A_325 : vector<16xf32>
        %add3A_398 = arith.addf %bitcast3A_371, %mul3A_397 : vector<16xf32>
        %sub3A_399 = arith.subf %add3A_398, %add3A_395 : vector<16xf32>
        %mul3A_400 = arith.mulf %sub3A_399, %sub3A_323 : vector<16xf32>
        %add3A_401 = arith.addf %add3A_395, %mul3A_400 : vector<16xf32>
        %add3A_402 = arith.constant 5 : i32
        %add3A_403 = vector.broadcast %add3A_402 : i32 to vector<16xi32>
        %add3A_404 = arith.addi %broadcast_in_dim3A_1, %add3A_403 : vector<16xi32>
        tpu.vector_store_idx %arg44[%add3A_136, %add3A_404], %add3A_401 : memref<256x128xf32, #tpu.memory_space<vmem>>[vector<16xi32>, vector<16xi32>], vector<16xf32>,
        %mul3A_405 = arith.constant 0.041015625 : f32
        %mul3A_406 = vector.broadcast %mul3A_405 : f32 to vector<16xf32>
        %mul3A_407 = arith.mulf %get3A_130, %mul3A_406 : vector<16xf32>
        %mul3A_408 = arith.constant 0.041015625 : f32
        %mul3A_409 = vector.broadcast %mul3A_408 : f32 to vector<16xf32>
        %mul3A_410 = arith.mulf %get3A_134, %mul3A_409 : vector<16xf32>
        %convert_element_type3A_411 = arith.fptosi %mul3A_407 : vector<16xf32> to vector<16xi32>
        %convert_element_type3A_412 = arith.fptosi %mul3A_410 : vector<16xf32> to vector<16xi32>
        %convert_element_type3A_413 = arith.sitofp %convert_element_type3A_411 : vector<16xi32> to vector<16xf32>
        %sub3A_414 = arith.subf %mul3A_407, %convert_element_type3A_413 : vector<16xf32>
        %convert_element_type3A_415 = arith.sitofp %convert_element_type3A_412 : vector<16xi32> to vector<16xf32>
        %sub3A_416 = arith.subf %mul3A_410, %convert_element_type3A_415 : vector<16xf32>
        %mul3A_417 = arith.constant 42 : i32
        %mul3A_418 = vector.broadcast %mul3A_417 : i32 to vector<16xi32>
        %mul3A_419 = arith.muli %convert_element_type3A_411, %mul3A_418 : vector<16xi32>
        %add3A_420 = arith.addi %mul3A_419, %convert_element_type3A_412 : vector<16xi32>
        %add3A_421 = arith.constant 0 : i32
        %add3A_422 = vector.broadcast %add3A_421 : i32 to vector<16xi32>
        %add3A_423 = arith.addi %add3A_420, %add3A_422 : vector<16xi32>
        %add3A_424 = arith.constant 1 : i32
        %add3A_425 = vector.broadcast %add3A_424 : i32 to vector<16xi32>
        %add3A_426 = arith.addi %add3A_423, %add3A_425 : vector<16xi32>
        %add3A_427 = arith.constant 42 : i32
        %add3A_428 = vector.broadcast %add3A_427 : i32 to vector<16xi32>
        %add3A_429 = arith.addi %add3A_423, %add3A_428 : vector<16xi32>
        %add3A_430 = arith.constant 42 : i32
        %add3A_431 = vector.broadcast %add3A_430 : i32 to vector<16xi32>
        %add3A_432 = arith.addi %add3A_423, %add3A_431 : vector<16xi32>
        %add3A_433 = arith.constant 1 : i32
        %add3A_434 = vector.broadcast %add3A_433 : i32 to vector<16xi32>
        %add3A_435 = arith.addi %add3A_432, %add3A_434 : vector<16xi32>
        %gather3A_436 = tpu.vector_load_idx %arg48[%add3A_423] : memref<1849xi32, #tpu.memory_space<vmem>>[vector<16xi32>], vector<16xi32>,
        %shift_left3A_437 = arith.constant 16 : i32
        %shift_left3A_438 = vector.broadcast %shift_left3A_437 : i32 to vector<16xi32>
        %shift_left3A_439 = arith.shli %gather3A_436, %shift_left3A_438 : vector<16xi32>
        %bitcast3A_440 = vector.bitcast %shift_left3A_439 : vector<16xi32> to vector<16xf32>
        %and3A_441 = arith.constant -65536 : i32
        %and3A_442 = vector.broadcast %and3A_441 : i32 to vector<16xi32>
        %and3A_443 = arith.andi %gather3A_436, %and3A_442 : vector<16xi32>
        %bitcast3A_444 = vector.bitcast %and3A_443 : vector<16xi32> to vector<16xf32>
        %gather3A_445 = tpu.vector_load_idx %arg48[%add3A_426] : memref<1849xi32, #tpu.memory_space<vmem>>[vector<16xi32>], vector<16xi32>,
        %shift_left3A_446 = arith.constant 16 : i32
        %shift_left3A_447 = vector.broadcast %shift_left3A_446 : i32 to vector<16xi32>
        %shift_left3A_448 = arith.shli %gather3A_445, %shift_left3A_447 : vector<16xi32>
        %bitcast3A_449 = vector.bitcast %shift_left3A_448 : vector<16xi32> to vector<16xf32>
        %and3A_450 = arith.constant -65536 : i32
        %and3A_451 = vector.broadcast %and3A_450 : i32 to vector<16xi32>
        %and3A_452 = arith.andi %gather3A_445, %and3A_451 : vector<16xi32>
        %bitcast3A_453 = vector.bitcast %and3A_452 : vector<16xi32> to vector<16xf32>
        %gather3A_454 = tpu.vector_load_idx %arg48[%add3A_429] : memref<1849xi32, #tpu.memory_space<vmem>>[vector<16xi32>], vector<16xi32>,
        %shift_left3A_455 = arith.constant 16 : i32
        %shift_left3A_456 = vector.broadcast %shift_left3A_455 : i32 to vector<16xi32>
        %shift_left3A_457 = arith.shli %gather3A_454, %shift_left3A_456 : vector<16xi32>
        %bitcast3A_458 = vector.bitcast %shift_left3A_457 : vector<16xi32> to vector<16xf32>
        %and3A_459 = arith.constant -65536 : i32
        %and3A_460 = vector.broadcast %and3A_459 : i32 to vector<16xi32>
        %and3A_461 = arith.andi %gather3A_454, %and3A_460 : vector<16xi32>
        %bitcast3A_462 = vector.bitcast %and3A_461 : vector<16xi32> to vector<16xf32>
        %gather3A_463 = tpu.vector_load_idx %arg48[%add3A_435] : memref<1849xi32, #tpu.memory_space<vmem>>[vector<16xi32>], vector<16xi32>,
        %shift_left3A_464 = arith.constant 16 : i32
        %shift_left3A_465 = vector.broadcast %shift_left3A_464 : i32 to vector<16xi32>
        %shift_left3A_466 = arith.shli %gather3A_463, %shift_left3A_465 : vector<16xi32>
        %bitcast3A_467 = vector.bitcast %shift_left3A_466 : vector<16xi32> to vector<16xf32>
        %and3A_468 = arith.constant -65536 : i32
        %and3A_469 = vector.broadcast %and3A_468 : i32 to vector<16xi32>
        %and3A_470 = arith.andi %gather3A_463, %and3A_469 : vector<16xi32>
        %bitcast3A_471 = vector.bitcast %and3A_470 : vector<16xi32> to vector<16xf32>
        %sub3A_472 = arith.subf %bitcast3A_449, %bitcast3A_440 : vector<16xf32>
        %mul3A_473 = arith.mulf %sub3A_472, %sub3A_416 : vector<16xf32>
        %add3A_474 = arith.addf %bitcast3A_440, %mul3A_473 : vector<16xf32>
        %sub3A_475 = arith.subf %bitcast3A_467, %bitcast3A_458 : vector<16xf32>
        %mul3A_476 = arith.mulf %sub3A_475, %sub3A_416 : vector<16xf32>
        %add3A_477 = arith.addf %bitcast3A_458, %mul3A_476 : vector<16xf32>
        %sub3A_478 = arith.subf %add3A_477, %add3A_474 : vector<16xf32>
        %mul3A_479 = arith.mulf %sub3A_478, %sub3A_414 : vector<16xf32>
        %add3A_480 = arith.addf %add3A_474, %mul3A_479 : vector<16xf32>
        %add3A_481 = arith.constant 6 : i32
        %add3A_482 = vector.broadcast %add3A_481 : i32 to vector<16xi32>
        %add3A_483 = arith.addi %broadcast_in_dim3A_1, %add3A_482 : vector<16xi32>
        tpu.vector_store_idx %arg44[%add3A_136, %add3A_483], %add3A_480 : memref<256x128xf32, #tpu.memory_space<vmem>>[vector<16xi32>, vector<16xi32>], vector<16xf32>,
        %sub3A_484 = arith.subf %bitcast3A_453, %bitcast3A_444 : vector<16xf32>
        %mul3A_485 = arith.mulf %sub3A_484, %sub3A_416 : vector<16xf32>
        %add3A_486 = arith.addf %bitcast3A_444, %mul3A_485 : vector<16xf32>
        %sub3A_487 = arith.subf %bitcast3A_471, %bitcast3A_462 : vector<16xf32>
        %mul3A_488 = arith.mulf %sub3A_487, %sub3A_416 : vector<16xf32>
        %add3A_489 = arith.addf %bitcast3A_462, %mul3A_488 : vector<16xf32>
        %sub3A_490 = arith.subf %add3A_489, %add3A_486 : vector<16xf32>
        %mul3A_491 = arith.mulf %sub3A_490, %sub3A_414 : vector<16xf32>
        %add3A_492 = arith.addf %add3A_486, %mul3A_491 : vector<16xf32>
        %add3A_493 = arith.constant 7 : i32
        %add3A_494 = vector.broadcast %add3A_493 : i32 to vector<16xi32>
        %add3A_495 = arith.addi %broadcast_in_dim3A_1, %add3A_494 : vector<16xi32>
        tpu.vector_store_idx %arg44[%add3A_136, %add3A_495], %add3A_492 : memref<256x128xf32, #tpu.memory_space<vmem>>[vector<16xi32>, vector<16xi32>], vector<16xf32>,
        %mul3A_496 = arith.constant 0.056640625 : f32
        %mul3A_497 = vector.broadcast %mul3A_496 : f32 to vector<16xf32>
        %mul3A_498 = arith.mulf %get3A_130, %mul3A_497 : vector<16xf32>
        %mul3A_499 = arith.constant 0.056640625 : f32
        %mul3A_500 = vector.broadcast %mul3A_499 : f32 to vector<16xf32>
        %mul3A_501 = arith.mulf %get3A_134, %mul3A_500 : vector<16xf32>
        %convert_element_type3A_502 = arith.fptosi %mul3A_498 : vector<16xf32> to vector<16xi32>
        %convert_element_type3A_503 = arith.fptosi %mul3A_501 : vector<16xf32> to vector<16xi32>
        %convert_element_type3A_504 = arith.sitofp %convert_element_type3A_502 : vector<16xi32> to vector<16xf32>
        %sub3A_505 = arith.subf %mul3A_498, %convert_element_type3A_504 : vector<16xf32>
        %convert_element_type3A_506 = arith.sitofp %convert_element_type3A_503 : vector<16xi32> to vector<16xf32>
        %sub3A_507 = arith.subf %mul3A_501, %convert_element_type3A_506 : vector<16xf32>
        %mul3A_508 = arith.constant 58 : i32
        %mul3A_509 = vector.broadcast %mul3A_508 : i32 to vector<16xi32>
        %mul3A_510 = arith.muli %convert_element_type3A_502, %mul3A_509 : vector<16xi32>
        %add3A_511 = arith.addi %mul3A_510, %convert_element_type3A_503 : vector<16xi32>
        %add3A_512 = arith.constant 0 : i32
        %add3A_513 = vector.broadcast %add3A_512 : i32 to vector<16xi32>
        %add3A_514 = arith.addi %add3A_511, %add3A_513 : vector<16xi32>
        %add3A_515 = arith.constant 1 : i32
        %add3A_516 = vector.broadcast %add3A_515 : i32 to vector<16xi32>
        %add3A_517 = arith.addi %add3A_514, %add3A_516 : vector<16xi32>
        %add3A_518 = arith.constant 58 : i32
        %add3A_519 = vector.broadcast %add3A_518 : i32 to vector<16xi32>
        %add3A_520 = arith.addi %add3A_514, %add3A_519 : vector<16xi32>
        %add3A_521 = arith.constant 58 : i32
        %add3A_522 = vector.broadcast %add3A_521 : i32 to vector<16xi32>
        %add3A_523 = arith.addi %add3A_514, %add3A_522 : vector<16xi32>
        %add3A_524 = arith.constant 1 : i32
        %add3A_525 = vector.broadcast %add3A_524 : i32 to vector<16xi32>
        %add3A_526 = arith.addi %add3A_523, %add3A_525 : vector<16xi32>
        %gather3A_527 = tpu.vector_load_idx %arg49[%add3A_514] : memref<3481xi32, #tpu.memory_space<vmem>>[vector<16xi32>], vector<16xi32>,
        %shift_left3A_528 = arith.constant 16 : i32
        %shift_left3A_529 = vector.broadcast %shift_left3A_528 : i32 to vector<16xi32>
        %shift_left3A_530 = arith.shli %gather3A_527, %shift_left3A_529 : vector<16xi32>
        %bitcast3A_531 = vector.bitcast %shift_left3A_530 : vector<16xi32> to vector<16xf32>
        %and3A_532 = arith.constant -65536 : i32
        %and3A_533 = vector.broadcast %and3A_532 : i32 to vector<16xi32>
        %and3A_534 = arith.andi %gather3A_527, %and3A_533 : vector<16xi32>
        %bitcast3A_535 = vector.bitcast %and3A_534 : vector<16xi32> to vector<16xf32>
        %gather3A_536 = tpu.vector_load_idx %arg49[%add3A_517] : memref<3481xi32, #tpu.memory_space<vmem>>[vector<16xi32>], vector<16xi32>,
        %shift_left3A_537 = arith.constant 16 : i32
        %shift_left3A_538 = vector.broadcast %shift_left3A_537 : i32 to vector<16xi32>
        %shift_left3A_539 = arith.shli %gather3A_536, %shift_left3A_538 : vector<16xi32>
        %bitcast3A_540 = vector.bitcast %shift_left3A_539 : vector<16xi32> to vector<16xf32>
        %and3A_541 = arith.constant -65536 : i32
        %and3A_542 = vector.broadcast %and3A_541 : i32 to vector<16xi32>
        %and3A_543 = arith.andi %gather3A_536, %and3A_542 : vector<16xi32>
        %bitcast3A_544 = vector.bitcast %and3A_543 : vector<16xi32> to vector<16xf32>
        %gather3A_545 = tpu.vector_load_idx %arg49[%add3A_520] : memref<3481xi32, #tpu.memory_space<vmem>>[vector<16xi32>], vector<16xi32>,
        %shift_left3A_546 = arith.constant 16 : i32
        %shift_left3A_547 = vector.broadcast %shift_left3A_546 : i32 to vector<16xi32>
        %shift_left3A_548 = arith.shli %gather3A_545, %shift_left3A_547 : vector<16xi32>
        %bitcast3A_549 = vector.bitcast %shift_left3A_548 : vector<16xi32> to vector<16xf32>
        %and3A_550 = arith.constant -65536 : i32
        %and3A_551 = vector.broadcast %and3A_550 : i32 to vector<16xi32>
        %and3A_552 = arith.andi %gather3A_545, %and3A_551 : vector<16xi32>
        %bitcast3A_553 = vector.bitcast %and3A_552 : vector<16xi32> to vector<16xf32>
        %gather3A_554 = tpu.vector_load_idx %arg49[%add3A_526] : memref<3481xi32, #tpu.memory_space<vmem>>[vector<16xi32>], vector<16xi32>,
        %shift_left3A_555 = arith.constant 16 : i32
        %shift_left3A_556 = vector.broadcast %shift_left3A_555 : i32 to vector<16xi32>
        %shift_left3A_557 = arith.shli %gather3A_554, %shift_left3A_556 : vector<16xi32>
        %bitcast3A_558 = vector.bitcast %shift_left3A_557 : vector<16xi32> to vector<16xf32>
        %and3A_559 = arith.constant -65536 : i32
        %and3A_560 = vector.broadcast %and3A_559 : i32 to vector<16xi32>
        %and3A_561 = arith.andi %gather3A_554, %and3A_560 : vector<16xi32>
        %bitcast3A_562 = vector.bitcast %and3A_561 : vector<16xi32> to vector<16xf32>
        %sub3A_563 = arith.subf %bitcast3A_540, %bitcast3A_531 : vector<16xf32>
        %mul3A_564 = arith.mulf %sub3A_563, %sub3A_507 : vector<16xf32>
        %add3A_565 = arith.addf %bitcast3A_531, %mul3A_564 : vector<16xf32>
        %sub3A_566 = arith.subf %bitcast3A_558, %bitcast3A_549 : vector<16xf32>
        %mul3A_567 = arith.mulf %sub3A_566, %sub3A_507 : vector<16xf32>
        %add3A_568 = arith.addf %bitcast3A_549, %mul3A_567 : vector<16xf32>
        %sub3A_569 = arith.subf %add3A_568, %add3A_565 : vector<16xf32>
        %mul3A_570 = arith.mulf %sub3A_569, %sub3A_505 : vector<16xf32>
        %add3A_571 = arith.addf %add3A_565, %mul3A_570 : vector<16xf32>
        %add3A_572 = arith.constant 8 : i32
        %add3A_573 = vector.broadcast %add3A_572 : i32 to vector<16xi32>
        %add3A_574 = arith.addi %broadcast_in_dim3A_1, %add3A_573 : vector<16xi32>
        tpu.vector_store_idx %arg44[%add3A_136, %add3A_574], %add3A_571 : memref<256x128xf32, #tpu.memory_space<vmem>>[vector<16xi32>, vector<16xi32>], vector<16xf32>,
        %sub3A_575 = arith.subf %bitcast3A_544, %bitcast3A_535 : vector<16xf32>
        %mul3A_576 = arith.mulf %sub3A_575, %sub3A_507 : vector<16xf32>
        %add3A_577 = arith.addf %bitcast3A_535, %mul3A_576 : vector<16xf32>
        %sub3A_578 = arith.subf %bitcast3A_562, %bitcast3A_553 : vector<16xf32>
        %mul3A_579 = arith.mulf %sub3A_578, %sub3A_507 : vector<16xf32>
        %add3A_580 = arith.addf %bitcast3A_553, %mul3A_579 : vector<16xf32>
        %sub3A_581 = arith.subf %add3A_580, %add3A_577 : vector<16xf32>
        %mul3A_582 = arith.mulf %sub3A_581, %sub3A_505 : vector<16xf32>
        %add3A_583 = arith.addf %add3A_577, %mul3A_582 : vector<16xf32>
        %add3A_584 = arith.constant 9 : i32
        %add3A_585 = vector.broadcast %add3A_584 : i32 to vector<16xi32>
        %add3A_586 = arith.addi %broadcast_in_dim3A_1, %add3A_585 : vector<16xi32>
        tpu.vector_store_idx %arg44[%add3A_136, %add3A_586], %add3A_583 : memref<256x128xf32, #tpu.memory_space<vmem>>[vector<16xi32>, vector<16xi32>], vector<16xf32>,
        %mul3A_587 = arith.constant 7.812500e-02 : f32
        %mul3A_588 = vector.broadcast %mul3A_587 : f32 to vector<16xf32>
        %mul3A_589 = arith.mulf %get3A_130, %mul3A_588 : vector<16xf32>
        %mul3A_590 = arith.constant 7.812500e-02 : f32
        %mul3A_591 = vector.broadcast %mul3A_590 : f32 to vector<16xf32>
        %mul3A_592 = arith.mulf %get3A_134, %mul3A_591 : vector<16xf32>
        %convert_element_type3A_593 = arith.fptosi %mul3A_589 : vector<16xf32> to vector<16xi32>
        %convert_element_type3A_594 = arith.fptosi %mul3A_592 : vector<16xf32> to vector<16xi32>
        %convert_element_type3A_595 = arith.sitofp %convert_element_type3A_593 : vector<16xi32> to vector<16xf32>
        %sub3A_596 = arith.subf %mul3A_589, %convert_element_type3A_595 : vector<16xf32>
        %convert_element_type3A_597 = arith.sitofp %convert_element_type3A_594 : vector<16xi32> to vector<16xf32>
        %sub3A_598 = arith.subf %mul3A_592, %convert_element_type3A_597 : vector<16xf32>
        %mul3A_599 = arith.constant 80 : i32
        %mul3A_600 = vector.broadcast %mul3A_599 : i32 to vector<16xi32>
        %mul3A_601 = arith.muli %convert_element_type3A_593, %mul3A_600 : vector<16xi32>
        %add3A_602 = arith.addi %mul3A_601, %convert_element_type3A_594 : vector<16xi32>
        %add3A_603 = arith.constant 0 : i32
        %add3A_604 = vector.broadcast %add3A_603 : i32 to vector<16xi32>
        %add3A_605 = arith.addi %add3A_602, %add3A_604 : vector<16xi32>
        %add3A_606 = arith.constant 1 : i32
        %add3A_607 = vector.broadcast %add3A_606 : i32 to vector<16xi32>
        %add3A_608 = arith.addi %add3A_605, %add3A_607 : vector<16xi32>
        %add3A_609 = arith.constant 80 : i32
        %add3A_610 = vector.broadcast %add3A_609 : i32 to vector<16xi32>
        %add3A_611 = arith.addi %add3A_605, %add3A_610 : vector<16xi32>
        %add3A_612 = arith.constant 80 : i32
        %add3A_613 = vector.broadcast %add3A_612 : i32 to vector<16xi32>
        %add3A_614 = arith.addi %add3A_605, %add3A_613 : vector<16xi32>
        %add3A_615 = arith.constant 1 : i32
        %add3A_616 = vector.broadcast %add3A_615 : i32 to vector<16xi32>
        %add3A_617 = arith.addi %add3A_614, %add3A_616 : vector<16xi32>
        %gather3A_618 = tpu.vector_load_idx %arg50[%add3A_605] : memref<6561xi32, #tpu.memory_space<vmem>>[vector<16xi32>], vector<16xi32>,
        %shift_left3A_619 = arith.constant 16 : i32
        %shift_left3A_620 = vector.broadcast %shift_left3A_619 : i32 to vector<16xi32>
        %shift_left3A_621 = arith.shli %gather3A_618, %shift_left3A_620 : vector<16xi32>
        %bitcast3A_622 = vector.bitcast %shift_left3A_621 : vector<16xi32> to vector<16xf32>
        %and3A_623 = arith.constant -65536 : i32
        %and3A_624 = vector.broadcast %and3A_623 : i32 to vector<16xi32>
        %and3A_625 = arith.andi %gather3A_618, %and3A_624 : vector<16xi32>
        %bitcast3A_626 = vector.bitcast %and3A_625 : vector<16xi32> to vector<16xf32>
        %gather3A_627 = tpu.vector_load_idx %arg50[%add3A_608] : memref<6561xi32, #tpu.memory_space<vmem>>[vector<16xi32>], vector<16xi32>,
        %shift_left3A_628 = arith.constant 16 : i32
        %shift_left3A_629 = vector.broadcast %shift_left3A_628 : i32 to vector<16xi32>
        %shift_left3A_630 = arith.shli %gather3A_627, %shift_left3A_629 : vector<16xi32>
        %bitcast3A_631 = vector.bitcast %shift_left3A_630 : vector<16xi32> to vector<16xf32>
        %and3A_632 = arith.constant -65536 : i32
        %and3A_633 = vector.broadcast %and3A_632 : i32 to vector<16xi32>
        %and3A_634 = arith.andi %gather3A_627, %and3A_633 : vector<16xi32>
        %bitcast3A_635 = vector.bitcast %and3A_634 : vector<16xi32> to vector<16xf32>
        %gather3A_636 = tpu.vector_load_idx %arg50[%add3A_611] : memref<6561xi32, #tpu.memory_space<vmem>>[vector<16xi32>], vector<16xi32>,
        %shift_left3A_637 = arith.constant 16 : i32
        %shift_left3A_638 = vector.broadcast %shift_left3A_637 : i32 to vector<16xi32>
        %shift_left3A_639 = arith.shli %gather3A_636, %shift_left3A_638 : vector<16xi32>
        %bitcast3A_640 = vector.bitcast %shift_left3A_639 : vector<16xi32> to vector<16xf32>
        %and3A_641 = arith.constant -65536 : i32
        %and3A_642 = vector.broadcast %and3A_641 : i32 to vector<16xi32>
        %and3A_643 = arith.andi %gather3A_636, %and3A_642 : vector<16xi32>
        %bitcast3A_644 = vector.bitcast %and3A_643 : vector<16xi32> to vector<16xf32>
        %gather3A_645 = tpu.vector_load_idx %arg50[%add3A_617] : memref<6561xi32, #tpu.memory_space<vmem>>[vector<16xi32>], vector<16xi32>,
        %shift_left3A_646 = arith.constant 16 : i32
        %shift_left3A_647 = vector.broadcast %shift_left3A_646 : i32 to vector<16xi32>
        %shift_left3A_648 = arith.shli %gather3A_645, %shift_left3A_647 : vector<16xi32>
        %bitcast3A_649 = vector.bitcast %shift_left3A_648 : vector<16xi32> to vector<16xf32>
        %and3A_650 = arith.constant -65536 : i32
        %and3A_651 = vector.broadcast %and3A_650 : i32 to vector<16xi32>
        %and3A_652 = arith.andi %gather3A_645, %and3A_651 : vector<16xi32>
        %bitcast3A_653 = vector.bitcast %and3A_652 : vector<16xi32> to vector<16xf32>
        %sub3A_654 = arith.subf %bitcast3A_631, %bitcast3A_622 : vector<16xf32>
        %mul3A_655 = arith.mulf %sub3A_654, %sub3A_598 : vector<16xf32>
        %add3A_656 = arith.addf %bitcast3A_622, %mul3A_655 : vector<16xf32>
        %sub3A_657 = arith.subf %bitcast3A_649, %bitcast3A_640 : vector<16xf32>
        %mul3A_658 = arith.mulf %sub3A_657, %sub3A_598 : vector<16xf32>
        %add3A_659 = arith.addf %bitcast3A_640, %mul3A_658 : vector<16xf32>
        %sub3A_660 = arith.subf %add3A_659, %add3A_656 : vector<16xf32>
        %mul3A_661 = arith.mulf %sub3A_660, %sub3A_596 : vector<16xf32>
        %add3A_662 = arith.addf %add3A_656, %mul3A_661 : vector<16xf32>
        %add3A_663 = arith.constant 10 : i32
        %add3A_664 = vector.broadcast %add3A_663 : i32 to vector<16xi32>
        %add3A_665 = arith.addi %broadcast_in_dim3A_1, %add3A_664 : vector<16xi32>
        tpu.vector_store_idx %arg44[%add3A_136, %add3A_665], %add3A_662 : memref<256x128xf32, #tpu.memory_space<vmem>>[vector<16xi32>, vector<16xi32>], vector<16xf32>,
        %sub3A_666 = arith.subf %bitcast3A_635, %bitcast3A_626 : vector<16xf32>
        %mul3A_667 = arith.mulf %sub3A_666, %sub3A_598 : vector<16xf32>
        %add3A_668 = arith.addf %bitcast3A_626, %mul3A_667 : vector<16xf32>
        %sub3A_669 = arith.subf %bitcast3A_653, %bitcast3A_644 : vector<16xf32>
        %mul3A_670 = arith.mulf %sub3A_669, %sub3A_598 : vector<16xf32>
        %add3A_671 = arith.addf %bitcast3A_644, %mul3A_670 : vector<16xf32>
        %sub3A_672 = arith.subf %add3A_671, %add3A_668 : vector<16xf32>
        %mul3A_673 = arith.mulf %sub3A_672, %sub3A_596 : vector<16xf32>
        %add3A_674 = arith.addf %add3A_668, %mul3A_673 : vector<16xf32>
        %add3A_675 = arith.constant 11 : i32
        %add3A_676 = vector.broadcast %add3A_675 : i32 to vector<16xi32>
        %add3A_677 = arith.addi %broadcast_in_dim3A_1, %add3A_676 : vector<16xi32>
        tpu.vector_store_idx %arg44[%add3A_136, %add3A_677], %add3A_674 : memref<256x128xf32, #tpu.memory_space<vmem>>[vector<16xi32>, vector<16xi32>], vector<16xf32>,
        %mul3A_678 = arith.constant 0.108398438 : f32
        %mul3A_679 = vector.broadcast %mul3A_678 : f32 to vector<16xf32>
        %mul3A_680 = arith.mulf %get3A_130, %mul3A_679 : vector<16xf32>
        %mul3A_681 = arith.constant 0.108398438 : f32
        %mul3A_682 = vector.broadcast %mul3A_681 : f32 to vector<16xf32>
        %mul3A_683 = arith.mulf %get3A_134, %mul3A_682 : vector<16xf32>
        %convert_element_type3A_684 = arith.fptosi %mul3A_680 : vector<16xf32> to vector<16xi32>
        %convert_element_type3A_685 = arith.fptosi %mul3A_683 : vector<16xf32> to vector<16xi32>
        %convert_element_type3A_686 = arith.sitofp %convert_element_type3A_684 : vector<16xi32> to vector<16xf32>
        %sub3A_687 = arith.subf %mul3A_680, %convert_element_type3A_686 : vector<16xf32>
        %convert_element_type3A_688 = arith.sitofp %convert_element_type3A_685 : vector<16xi32> to vector<16xf32>
        %sub3A_689 = arith.subf %mul3A_683, %convert_element_type3A_688 : vector<16xf32>
        %mul3A_690 = arith.constant 111 : i32
        %mul3A_691 = vector.broadcast %mul3A_690 : i32 to vector<16xi32>
        %mul3A_692 = arith.muli %convert_element_type3A_684, %mul3A_691 : vector<16xi32>
        %add3A_693 = arith.addi %mul3A_692, %convert_element_type3A_685 : vector<16xi32>
        %add3A_694 = arith.constant 0 : i32
        %add3A_695 = vector.broadcast %add3A_694 : i32 to vector<16xi32>
        %add3A_696 = arith.addi %add3A_693, %add3A_695 : vector<16xi32>
        %add3A_697 = arith.constant 1 : i32
        %add3A_698 = vector.broadcast %add3A_697 : i32 to vector<16xi32>
        %add3A_699 = arith.addi %add3A_696, %add3A_698 : vector<16xi32>
        %add3A_700 = arith.constant 111 : i32
        %add3A_701 = vector.broadcast %add3A_700 : i32 to vector<16xi32>
        %add3A_702 = arith.addi %add3A_696, %add3A_701 : vector<16xi32>
        %add3A_703 = arith.constant 111 : i32
        %add3A_704 = vector.broadcast %add3A_703 : i32 to vector<16xi32>
        %add3A_705 = arith.addi %add3A_696, %add3A_704 : vector<16xi32>
        %add3A_706 = arith.constant 1 : i32
        %add3A_707 = vector.broadcast %add3A_706 : i32 to vector<16xi32>
        %add3A_708 = arith.addi %add3A_705, %add3A_707 : vector<16xi32>
        %gather3A_709 = tpu.vector_load_idx %arg51[%add3A_696] : memref<12544xi32, #tpu.memory_space<vmem>>[vector<16xi32>], vector<16xi32>,
        %shift_left3A_710 = arith.constant 16 : i32
        %shift_left3A_711 = vector.broadcast %shift_left3A_710 : i32 to vector<16xi32>
        %shift_left3A_712 = arith.shli %gather3A_709, %shift_left3A_711 : vector<16xi32>
        %bitcast3A_713 = vector.bitcast %shift_left3A_712 : vector<16xi32> to vector<16xf32>
        %and3A_714 = arith.constant -65536 : i32
        %and3A_715 = vector.broadcast %and3A_714 : i32 to vector<16xi32>
        %and3A_716 = arith.andi %gather3A_709, %and3A_715 : vector<16xi32>
        %bitcast3A_717 = vector.bitcast %and3A_716 : vector<16xi32> to vector<16xf32>
        %gather3A_718 = tpu.vector_load_idx %arg51[%add3A_699] : memref<12544xi32, #tpu.memory_space<vmem>>[vector<16xi32>], vector<16xi32>,
        %shift_left3A_719 = arith.constant 16 : i32
        %shift_left3A_720 = vector.broadcast %shift_left3A_719 : i32 to vector<16xi32>
        %shift_left3A_721 = arith.shli %gather3A_718, %shift_left3A_720 : vector<16xi32>
        %bitcast3A_722 = vector.bitcast %shift_left3A_721 : vector<16xi32> to vector<16xf32>
        %and3A_723 = arith.constant -65536 : i32
        %and3A_724 = vector.broadcast %and3A_723 : i32 to vector<16xi32>
        %and3A_725 = arith.andi %gather3A_718, %and3A_724 : vector<16xi32>
        %bitcast3A_726 = vector.bitcast %and3A_725 : vector<16xi32> to vector<16xf32>
        %gather3A_727 = tpu.vector_load_idx %arg51[%add3A_702] : memref<12544xi32, #tpu.memory_space<vmem>>[vector<16xi32>], vector<16xi32>,
        %shift_left3A_728 = arith.constant 16 : i32
        %shift_left3A_729 = vector.broadcast %shift_left3A_728 : i32 to vector<16xi32>
        %shift_left3A_730 = arith.shli %gather3A_727, %shift_left3A_729 : vector<16xi32>
        %bitcast3A_731 = vector.bitcast %shift_left3A_730 : vector<16xi32> to vector<16xf32>
        %and3A_732 = arith.constant -65536 : i32
        %and3A_733 = vector.broadcast %and3A_732 : i32 to vector<16xi32>
        %and3A_734 = arith.andi %gather3A_727, %and3A_733 : vector<16xi32>
        %bitcast3A_735 = vector.bitcast %and3A_734 : vector<16xi32> to vector<16xf32>
        %gather3A_736 = tpu.vector_load_idx %arg51[%add3A_708] : memref<12544xi32, #tpu.memory_space<vmem>>[vector<16xi32>], vector<16xi32>,
        %shift_left3A_737 = arith.constant 16 : i32
        %shift_left3A_738 = vector.broadcast %shift_left3A_737 : i32 to vector<16xi32>
        %shift_left3A_739 = arith.shli %gather3A_736, %shift_left3A_738 : vector<16xi32>
        %bitcast3A_740 = vector.bitcast %shift_left3A_739 : vector<16xi32> to vector<16xf32>
        %and3A_741 = arith.constant -65536 : i32
        %and3A_742 = vector.broadcast %and3A_741 : i32 to vector<16xi32>
        %and3A_743 = arith.andi %gather3A_736, %and3A_742 : vector<16xi32>
        %bitcast3A_744 = vector.bitcast %and3A_743 : vector<16xi32> to vector<16xf32>
        %sub3A_745 = arith.subf %bitcast3A_722, %bitcast3A_713 : vector<16xf32>
        %mul3A_746 = arith.mulf %sub3A_745, %sub3A_689 : vector<16xf32>
        %add3A_747 = arith.addf %bitcast3A_713, %mul3A_746 : vector<16xf32>
        %sub3A_748 = arith.subf %bitcast3A_740, %bitcast3A_731 : vector<16xf32>
        %mul3A_749 = arith.mulf %sub3A_748, %sub3A_689 : vector<16xf32>
        %add3A_750 = arith.addf %bitcast3A_731, %mul3A_749 : vector<16xf32>
        %sub3A_751 = arith.subf %add3A_750, %add3A_747 : vector<16xf32>
        %mul3A_752 = arith.mulf %sub3A_751, %sub3A_687 : vector<16xf32>
        %add3A_753 = arith.addf %add3A_747, %mul3A_752 : vector<16xf32>
        %add3A_754 = arith.constant 12 : i32
        %add3A_755 = vector.broadcast %add3A_754 : i32 to vector<16xi32>
        %add3A_756 = arith.addi %broadcast_in_dim3A_1, %add3A_755 : vector<16xi32>
        tpu.vector_store_idx %arg44[%add3A_136, %add3A_756], %add3A_753 : memref<256x128xf32, #tpu.memory_space<vmem>>[vector<16xi32>, vector<16xi32>], vector<16xf32>,
        %sub3A_757 = arith.subf %bitcast3A_726, %bitcast3A_717 : vector<16xf32>
        %mul3A_758 = arith.mulf %sub3A_757, %sub3A_689 : vector<16xf32>
        %add3A_759 = arith.addf %bitcast3A_717, %mul3A_758 : vector<16xf32>
        %sub3A_760 = arith.subf %bitcast3A_744, %bitcast3A_735 : vector<16xf32>
        %mul3A_761 = arith.mulf %sub3A_760, %sub3A_689 : vector<16xf32>
        %add3A_762 = arith.addf %bitcast3A_735, %mul3A_761 : vector<16xf32>
        %sub3A_763 = arith.subf %add3A_762, %add3A_759 : vector<16xf32>
        %mul3A_764 = arith.mulf %sub3A_763, %sub3A_687 : vector<16xf32>
        %add3A_765 = arith.addf %add3A_759, %mul3A_764 : vector<16xf32>
        %add3A_766 = arith.constant 13 : i32
        %add3A_767 = vector.broadcast %add3A_766 : i32 to vector<16xi32>
        %add3A_768 = arith.addi %broadcast_in_dim3A_1, %add3A_767 : vector<16xi32>
        tpu.vector_store_idx %arg44[%add3A_136, %add3A_768], %add3A_765 : memref<256x128xf32, #tpu.memory_space<vmem>>[vector<16xi32>, vector<16xi32>], vector<16xf32>,
        %mul3A_769 = arith.constant 0.149414063 : f32
        %mul3A_770 = vector.broadcast %mul3A_769 : f32 to vector<16xf32>
        %mul3A_771 = arith.mulf %get3A_130, %mul3A_770 : vector<16xf32>
        %mul3A_772 = arith.constant 0.149414063 : f32
        %mul3A_773 = vector.broadcast %mul3A_772 : f32 to vector<16xf32>
        %mul3A_774 = arith.mulf %get3A_134, %mul3A_773 : vector<16xf32>
        %convert_element_type3A_775 = arith.fptosi %mul3A_771 : vector<16xf32> to vector<16xi32>
        %convert_element_type3A_776 = arith.fptosi %mul3A_774 : vector<16xf32> to vector<16xi32>
        %convert_element_type3A_777 = arith.sitofp %convert_element_type3A_775 : vector<16xi32> to vector<16xf32>
        %sub3A_778 = arith.subf %mul3A_771, %convert_element_type3A_777 : vector<16xf32>
        %convert_element_type3A_779 = arith.sitofp %convert_element_type3A_776 : vector<16xi32> to vector<16xf32>
        %sub3A_780 = arith.subf %mul3A_774, %convert_element_type3A_779 : vector<16xf32>
        %mul3A_781 = arith.constant 153 : i32
        %mul3A_782 = vector.broadcast %mul3A_781 : i32 to vector<16xi32>
        %mul3A_783 = arith.muli %convert_element_type3A_775, %mul3A_782 : vector<16xi32>
        %add3A_784 = arith.addi %mul3A_783, %convert_element_type3A_776 : vector<16xi32>
        %add3A_785 = arith.constant 0 : i32
        %add3A_786 = vector.broadcast %add3A_785 : i32 to vector<16xi32>
        %add3A_787 = arith.addi %add3A_784, %add3A_786 : vector<16xi32>
        %add3A_788 = arith.constant 1 : i32
        %add3A_789 = vector.broadcast %add3A_788 : i32 to vector<16xi32>
        %add3A_790 = arith.addi %add3A_787, %add3A_789 : vector<16xi32>
        %add3A_791 = arith.constant 153 : i32
        %add3A_792 = vector.broadcast %add3A_791 : i32 to vector<16xi32>
        %add3A_793 = arith.addi %add3A_787, %add3A_792 : vector<16xi32>
        %add3A_794 = arith.constant 153 : i32
        %add3A_795 = vector.broadcast %add3A_794 : i32 to vector<16xi32>
        %add3A_796 = arith.addi %add3A_787, %add3A_795 : vector<16xi32>
        %add3A_797 = arith.constant 1 : i32
        %add3A_798 = vector.broadcast %add3A_797 : i32 to vector<16xi32>
        %add3A_799 = arith.addi %add3A_796, %add3A_798 : vector<16xi32>
        %gather3A_800 = tpu.vector_load_idx %arg52[%add3A_787] : memref<23716xi32, #tpu.memory_space<vmem>>[vector<16xi32>], vector<16xi32>,
        %shift_left3A_801 = arith.constant 16 : i32
        %shift_left3A_802 = vector.broadcast %shift_left3A_801 : i32 to vector<16xi32>
        %shift_left3A_803 = arith.shli %gather3A_800, %shift_left3A_802 : vector<16xi32>
        %bitcast3A_804 = vector.bitcast %shift_left3A_803 : vector<16xi32> to vector<16xf32>
        %and3A_805 = arith.constant -65536 : i32
        %and3A_806 = vector.broadcast %and3A_805 : i32 to vector<16xi32>
        %and3A_807 = arith.andi %gather3A_800, %and3A_806 : vector<16xi32>
        %bitcast3A_808 = vector.bitcast %and3A_807 : vector<16xi32> to vector<16xf32>
        %gather3A_809 = tpu.vector_load_idx %arg52[%add3A_790] : memref<23716xi32, #tpu.memory_space<vmem>>[vector<16xi32>], vector<16xi32>,
        %shift_left3A_810 = arith.constant 16 : i32
        %shift_left3A_811 = vector.broadcast %shift_left3A_810 : i32 to vector<16xi32>
        %shift_left3A_812 = arith.shli %gather3A_809, %shift_left3A_811 : vector<16xi32>
        %bitcast3A_813 = vector.bitcast %shift_left3A_812 : vector<16xi32> to vector<16xf32>
        %and3A_814 = arith.constant -65536 : i32
        %and3A_815 = vector.broadcast %and3A_814 : i32 to vector<16xi32>
        %and3A_816 = arith.andi %gather3A_809, %and3A_815 : vector<16xi32>
        %bitcast3A_817 = vector.bitcast %and3A_816 : vector<16xi32> to vector<16xf32>
        %gather3A_818 = tpu.vector_load_idx %arg52[%add3A_793] : memref<23716xi32, #tpu.memory_space<vmem>>[vector<16xi32>], vector<16xi32>,
        %shift_left3A_819 = arith.constant 16 : i32
        %shift_left3A_820 = vector.broadcast %shift_left3A_819 : i32 to vector<16xi32>
        %shift_left3A_821 = arith.shli %gather3A_818, %shift_left3A_820 : vector<16xi32>
        %bitcast3A_822 = vector.bitcast %shift_left3A_821 : vector<16xi32> to vector<16xf32>
        %and3A_823 = arith.constant -65536 : i32
        %and3A_824 = vector.broadcast %and3A_823 : i32 to vector<16xi32>
        %and3A_825 = arith.andi %gather3A_818, %and3A_824 : vector<16xi32>
        %bitcast3A_826 = vector.bitcast %and3A_825 : vector<16xi32> to vector<16xf32>
        %gather3A_827 = tpu.vector_load_idx %arg52[%add3A_799] : memref<23716xi32, #tpu.memory_space<vmem>>[vector<16xi32>], vector<16xi32>,
        %shift_left3A_828 = arith.constant 16 : i32
        %shift_left3A_829 = vector.broadcast %shift_left3A_828 : i32 to vector<16xi32>
        %shift_left3A_830 = arith.shli %gather3A_827, %shift_left3A_829 : vector<16xi32>
        %bitcast3A_831 = vector.bitcast %shift_left3A_830 : vector<16xi32> to vector<16xf32>
        %and3A_832 = arith.constant -65536 : i32
        %and3A_833 = vector.broadcast %and3A_832 : i32 to vector<16xi32>
        %and3A_834 = arith.andi %gather3A_827, %and3A_833 : vector<16xi32>
        %bitcast3A_835 = vector.bitcast %and3A_834 : vector<16xi32> to vector<16xf32>
        %sub3A_836 = arith.subf %bitcast3A_813, %bitcast3A_804 : vector<16xf32>
        %mul3A_837 = arith.mulf %sub3A_836, %sub3A_780 : vector<16xf32>
        %add3A_838 = arith.addf %bitcast3A_804, %mul3A_837 : vector<16xf32>
        %sub3A_839 = arith.subf %bitcast3A_831, %bitcast3A_822 : vector<16xf32>
        %mul3A_840 = arith.mulf %sub3A_839, %sub3A_780 : vector<16xf32>
        %add3A_841 = arith.addf %bitcast3A_822, %mul3A_840 : vector<16xf32>
        %sub3A_842 = arith.subf %add3A_841, %add3A_838 : vector<16xf32>
        %mul3A_843 = arith.mulf %sub3A_842, %sub3A_778 : vector<16xf32>
        %add3A_844 = arith.addf %add3A_838, %mul3A_843 : vector<16xf32>
        %add3A_845 = arith.constant 14 : i32
        %add3A_846 = vector.broadcast %add3A_845 : i32 to vector<16xi32>
        %add3A_847 = arith.addi %broadcast_in_dim3A_1, %add3A_846 : vector<16xi32>
        tpu.vector_store_idx %arg44[%add3A_136, %add3A_847], %add3A_844 : memref<256x128xf32, #tpu.memory_space<vmem>>[vector<16xi32>, vector<16xi32>], vector<16xf32>,
        %sub3A_848 = arith.subf %bitcast3A_817, %bitcast3A_808 : vector<16xf32>
        %mul3A_849 = arith.mulf %sub3A_848, %sub3A_780 : vector<16xf32>
        %add3A_850 = arith.addf %bitcast3A_808, %mul3A_849 : vector<16xf32>
        %sub3A_851 = arith.subf %bitcast3A_835, %bitcast3A_826 : vector<16xf32>
        %mul3A_852 = arith.mulf %sub3A_851, %sub3A_780 : vector<16xf32>
        %add3A_853 = arith.addf %bitcast3A_826, %mul3A_852 : vector<16xf32>
        %sub3A_854 = arith.subf %add3A_853, %add3A_850 : vector<16xf32>
        %mul3A_855 = arith.mulf %sub3A_854, %sub3A_778 : vector<16xf32>
        %add3A_856 = arith.addf %add3A_850, %mul3A_855 : vector<16xf32>
        %add3A_857 = arith.constant 15 : i32
        %add3A_858 = vector.broadcast %add3A_857 : i32 to vector<16xi32>
        %add3A_859 = arith.addi %broadcast_in_dim3A_1, %add3A_858 : vector<16xi32>
        tpu.vector_store_idx %arg44[%add3A_136, %add3A_859], %add3A_856 : memref<256x128xf32, #tpu.memory_space<vmem>>[vector<16xi32>, vector<16xi32>], vector<16xf32>,
      }
      %scan3A_58 = arith.constant 16 : i32
      %dma_wait3A_59 = arith.constant 0 : i32
      %dma_wait3A_60 = tpu.memref_slice %arg53[%dma_wait3A_59] : memref<298080xi32, #tpu.memory_space<vmem_shared>> -> memref<298080xi32, #tpu.memory_space<vmem_shared>>
      tpu.wait_indirect_dma semaphore(%arg54 : memref<!tpu.dma_semaphore, #tpu.memory_space<semaphore_mem>>) src(%dma_wait3A_60 : memref<298080xi32, #tpu.memory_space<vmem_shared>>) dst(%arg28 : memref<1024xi32, #tpu.memory_space<vmem>>)
      %scan3A_61 = arith.constant 0 : i32
      %scan3A_62 = arith.constant 0 : i32
      %scan3A_63 = arith.constant 16 : i32
      %scan3A_64 = arith.addi %scan3A_62, %scan3A_63 : i32
      %scan3A_65 = arith.constant 1 : i32
      scf.for %scan3A_127 = %scan3A_62 to %scan3A_64 step %scan3A_65  : i32 {
        %mul3A_128 = arith.constant 16 : i32
        %mul3A_129 = arith.muli %scan3A_127, %mul3A_128 : i32
        %get3A = arith.index_cast %mul3A_129 : i32 to index
        %get3A_130 = tpu.vector_load %arg36[%get3A] {strides = array<i32>} : memref<512xf32, #tpu.memory_space<vmem>>, vector<16xf32>,
        %add3A_131 = arith.constant 256 : i32
        %add3A_132 = arith.addi %add3A_131, %mul3A_129 : i32
        %get3A_133 = arith.index_cast %add3A_132 : i32 to index
        %get3A_134 = tpu.vector_load %arg36[%get3A_133] {strides = array<i32>} : memref<512xf32, #tpu.memory_space<vmem>>, vector<16xf32>,
        %add3A_135 = vector.broadcast %mul3A_129 : i32 to vector<16xi32>
        %add3A_136 = arith.addi %add3A_135, %iota3A : vector<16xi32>
        %mul3A_137 = arith.constant 4 : i32
        %mul3A_138 = vector.broadcast %mul3A_137 : i32 to vector<16xi32>
        %mul3A_139 = arith.muli %add3A_136, %mul3A_138 : vector<16xi32>
        %add3A_140 = arith.constant 0 : i32
        %add3A_141 = vector.broadcast %add3A_140 : i32 to vector<16xi32>
        %add3A_142 = arith.addi %mul3A_139, %add3A_141 : vector<16xi32>
        %gather3A = tpu.vector_load_idx %arg28[%add3A_142] : memref<1024xi32, #tpu.memory_space<vmem>>[vector<16xi32>], vector<16xi32>,
        %shift_left3A = arith.constant 16 : i32
        %shift_left3A_143 = vector.broadcast %shift_left3A : i32 to vector<16xi32>
        %shift_left3A_144 = arith.shli %gather3A, %shift_left3A_143 : vector<16xi32>
        %bitcast3A = vector.bitcast %shift_left3A_144 : vector<16xi32> to vector<16xf32>
        %and3A = arith.constant -65536 : i32
        %and3A_145 = vector.broadcast %and3A : i32 to vector<16xi32>
        %and3A_146 = arith.andi %gather3A, %and3A_145 : vector<16xi32>
        %bitcast3A_147 = vector.bitcast %and3A_146 : vector<16xi32> to vector<16xf32>
        %add3A_148 = arith.constant 1 : i32
        %add3A_149 = vector.broadcast %add3A_148 : i32 to vector<16xi32>
        %add3A_150 = arith.addi %mul3A_139, %add3A_149 : vector<16xi32>
        %gather3A_151 = tpu.vector_load_idx %arg28[%add3A_150] : memref<1024xi32, #tpu.memory_space<vmem>>[vector<16xi32>], vector<16xi32>,
        %shift_left3A_152 = arith.constant 16 : i32
        %shift_left3A_153 = vector.broadcast %shift_left3A_152 : i32 to vector<16xi32>
        %shift_left3A_154 = arith.shli %gather3A_151, %shift_left3A_153 : vector<16xi32>
        %bitcast3A_155 = vector.bitcast %shift_left3A_154 : vector<16xi32> to vector<16xf32>
        %and3A_156 = arith.constant -65536 : i32
        %and3A_157 = vector.broadcast %and3A_156 : i32 to vector<16xi32>
        %and3A_158 = arith.andi %gather3A_151, %and3A_157 : vector<16xi32>
        %bitcast3A_159 = vector.bitcast %and3A_158 : vector<16xi32> to vector<16xf32>
        %add3A_160 = arith.constant 2 : i32
        %add3A_161 = vector.broadcast %add3A_160 : i32 to vector<16xi32>
        %add3A_162 = arith.addi %mul3A_139, %add3A_161 : vector<16xi32>
        %gather3A_163 = tpu.vector_load_idx %arg28[%add3A_162] : memref<1024xi32, #tpu.memory_space<vmem>>[vector<16xi32>], vector<16xi32>,
        %shift_left3A_164 = arith.constant 16 : i32
        %shift_left3A_165 = vector.broadcast %shift_left3A_164 : i32 to vector<16xi32>
        %shift_left3A_166 = arith.shli %gather3A_163, %shift_left3A_165 : vector<16xi32>
        %bitcast3A_167 = vector.bitcast %shift_left3A_166 : vector<16xi32> to vector<16xf32>
        %and3A_168 = arith.constant -65536 : i32
        %and3A_169 = vector.broadcast %and3A_168 : i32 to vector<16xi32>
        %and3A_170 = arith.andi %gather3A_163, %and3A_169 : vector<16xi32>
        %bitcast3A_171 = vector.bitcast %and3A_170 : vector<16xi32> to vector<16xf32>
        %add3A_172 = arith.constant 3 : i32
        %add3A_173 = vector.broadcast %add3A_172 : i32 to vector<16xi32>
        %add3A_174 = arith.addi %mul3A_139, %add3A_173 : vector<16xi32>
        %gather3A_175 = tpu.vector_load_idx %arg28[%add3A_174] : memref<1024xi32, #tpu.memory_space<vmem>>[vector<16xi32>], vector<16xi32>,
        %shift_left3A_176 = arith.constant 16 : i32
        %shift_left3A_177 = vector.broadcast %shift_left3A_176 : i32 to vector<16xi32>
        %shift_left3A_178 = arith.shli %gather3A_175, %shift_left3A_177 : vector<16xi32>
        %bitcast3A_179 = vector.bitcast %shift_left3A_178 : vector<16xi32> to vector<16xf32>
        %and3A_180 = arith.constant -65536 : i32
        %and3A_181 = vector.broadcast %and3A_180 : i32 to vector<16xi32>
        %and3A_182 = arith.andi %gather3A_175, %and3A_181 : vector<16xi32>
        %bitcast3A_183 = vector.bitcast %and3A_182 : vector<16xi32> to vector<16xf32>
        %add3A_184 = vector.broadcast %mul3A_129 : i32 to vector<16xi32>
        %add3A_185 = arith.addi %add3A_184, %iota3A : vector<16xi32>
        %sub3A = arith.subf %bitcast3A_155, %bitcast3A : vector<16xf32>
        %mul3A_186 = arith.mulf %sub3A, %get3A_134 : vector<16xf32>
        %add3A_187 = arith.addf %bitcast3A, %mul3A_186 : vector<16xf32>
        %sub3A_188 = arith.subf %bitcast3A_179, %bitcast3A_167 : vector<16xf32>
        %mul3A_189 = arith.mulf %sub3A_188, %get3A_134 : vector<16xf32>
        %add3A_190 = arith.addf %bitcast3A_167, %mul3A_189 : vector<16xf32>
        %sub3A_191 = arith.subf %add3A_190, %add3A_187 : vector<16xf32>
        %mul3A_192 = arith.mulf %sub3A_191, %get3A_130 : vector<16xf32>
        %add3A_193 = arith.addf %add3A_187, %mul3A_192 : vector<16xf32>
        %add3A_194 = arith.constant 16 : i32
        %add3A_195 = vector.broadcast %add3A_194 : i32 to vector<16xi32>
        %add3A_196 = arith.addi %broadcast_in_dim3A_1, %add3A_195 : vector<16xi32>
        tpu.vector_store_idx %arg44[%add3A_185, %add3A_196], %add3A_193 : memref<256x128xf32, #tpu.memory_space<vmem>>[vector<16xi32>, vector<16xi32>], vector<16xf32>,
        %sub3A_197 = arith.subf %bitcast3A_159, %bitcast3A_147 : vector<16xf32>
        %mul3A_198 = arith.mulf %sub3A_197, %get3A_134 : vector<16xf32>
        %add3A_199 = arith.addf %bitcast3A_147, %mul3A_198 : vector<16xf32>
        %sub3A_200 = arith.subf %bitcast3A_183, %bitcast3A_171 : vector<16xf32>
        %mul3A_201 = arith.mulf %sub3A_200, %get3A_134 : vector<16xf32>
        %add3A_202 = arith.addf %bitcast3A_171, %mul3A_201 : vector<16xf32>
        %sub3A_203 = arith.subf %add3A_202, %add3A_199 : vector<16xf32>
        %mul3A_204 = arith.mulf %sub3A_203, %get3A_130 : vector<16xf32>
        %add3A_205 = arith.addf %add3A_199, %mul3A_204 : vector<16xf32>
        %add3A_206 = arith.constant 17 : i32
        %add3A_207 = vector.broadcast %add3A_206 : i32 to vector<16xi32>
        %add3A_208 = arith.addi %broadcast_in_dim3A_1, %add3A_207 : vector<16xi32>
        tpu.vector_store_idx %arg44[%add3A_185, %add3A_208], %add3A_205 : memref<256x128xf32, #tpu.memory_space<vmem>>[vector<16xi32>, vector<16xi32>], vector<16xf32>,
      }
      %scan3A_66 = arith.constant 16 : i32
      %dma_wait3A_67 = arith.constant 0 : i32
      %dma_wait3A_68 = tpu.memref_slice %arg53[%dma_wait3A_67] : memref<298080xi32, #tpu.memory_space<vmem_shared>> -> memref<298080xi32, #tpu.memory_space<vmem_shared>>
      tpu.wait_indirect_dma semaphore(%arg55 : memref<!tpu.dma_semaphore, #tpu.memory_space<semaphore_mem>>) src(%dma_wait3A_68 : memref<298080xi32, #tpu.memory_space<vmem_shared>>) dst(%arg29 : memref<1024xi32, #tpu.memory_space<vmem>>)
      %scan3A_69 = arith.constant 0 : i32
      %scan3A_70 = arith.constant 0 : i32
      %scan3A_71 = arith.constant 16 : i32
      %scan3A_72 = arith.addi %scan3A_70, %scan3A_71 : i32
      %scan3A_73 = arith.constant 1 : i32
      scf.for %scan3A_127 = %scan3A_70 to %scan3A_72 step %scan3A_73  : i32 {
        %mul3A_128 = arith.constant 16 : i32
        %mul3A_129 = arith.muli %scan3A_127, %mul3A_128 : i32
        %get3A = arith.index_cast %mul3A_129 : i32 to index
        %get3A_130 = tpu.vector_load %arg37[%get3A] {strides = array<i32>} : memref<512xf32, #tpu.memory_space<vmem>>, vector<16xf32>,
        %add3A_131 = arith.constant 256 : i32
        %add3A_132 = arith.addi %add3A_131, %mul3A_129 : i32
        %get3A_133 = arith.index_cast %add3A_132 : i32 to index
        %get3A_134 = tpu.vector_load %arg37[%get3A_133] {strides = array<i32>} : memref<512xf32, #tpu.memory_space<vmem>>, vector<16xf32>,
        %add3A_135 = vector.broadcast %mul3A_129 : i32 to vector<16xi32>
        %add3A_136 = arith.addi %add3A_135, %iota3A : vector<16xi32>
        %mul3A_137 = arith.constant 4 : i32
        %mul3A_138 = vector.broadcast %mul3A_137 : i32 to vector<16xi32>
        %mul3A_139 = arith.muli %add3A_136, %mul3A_138 : vector<16xi32>
        %add3A_140 = arith.constant 0 : i32
        %add3A_141 = vector.broadcast %add3A_140 : i32 to vector<16xi32>
        %add3A_142 = arith.addi %mul3A_139, %add3A_141 : vector<16xi32>
        %gather3A = tpu.vector_load_idx %arg29[%add3A_142] : memref<1024xi32, #tpu.memory_space<vmem>>[vector<16xi32>], vector<16xi32>,
        %shift_left3A = arith.constant 16 : i32
        %shift_left3A_143 = vector.broadcast %shift_left3A : i32 to vector<16xi32>
        %shift_left3A_144 = arith.shli %gather3A, %shift_left3A_143 : vector<16xi32>
        %bitcast3A = vector.bitcast %shift_left3A_144 : vector<16xi32> to vector<16xf32>
        %and3A = arith.constant -65536 : i32
        %and3A_145 = vector.broadcast %and3A : i32 to vector<16xi32>
        %and3A_146 = arith.andi %gather3A, %and3A_145 : vector<16xi32>
        %bitcast3A_147 = vector.bitcast %and3A_146 : vector<16xi32> to vector<16xf32>
        %add3A_148 = arith.constant 1 : i32
        %add3A_149 = vector.broadcast %add3A_148 : i32 to vector<16xi32>
        %add3A_150 = arith.addi %mul3A_139, %add3A_149 : vector<16xi32>
        %gather3A_151 = tpu.vector_load_idx %arg29[%add3A_150] : memref<1024xi32, #tpu.memory_space<vmem>>[vector<16xi32>], vector<16xi32>,
        %shift_left3A_152 = arith.constant 16 : i32
        %shift_left3A_153 = vector.broadcast %shift_left3A_152 : i32 to vector<16xi32>
        %shift_left3A_154 = arith.shli %gather3A_151, %shift_left3A_153 : vector<16xi32>
        %bitcast3A_155 = vector.bitcast %shift_left3A_154 : vector<16xi32> to vector<16xf32>
        %and3A_156 = arith.constant -65536 : i32
        %and3A_157 = vector.broadcast %and3A_156 : i32 to vector<16xi32>
        %and3A_158 = arith.andi %gather3A_151, %and3A_157 : vector<16xi32>
        %bitcast3A_159 = vector.bitcast %and3A_158 : vector<16xi32> to vector<16xf32>
        %add3A_160 = arith.constant 2 : i32
        %add3A_161 = vector.broadcast %add3A_160 : i32 to vector<16xi32>
        %add3A_162 = arith.addi %mul3A_139, %add3A_161 : vector<16xi32>
        %gather3A_163 = tpu.vector_load_idx %arg29[%add3A_162] : memref<1024xi32, #tpu.memory_space<vmem>>[vector<16xi32>], vector<16xi32>,
        %shift_left3A_164 = arith.constant 16 : i32
        %shift_left3A_165 = vector.broadcast %shift_left3A_164 : i32 to vector<16xi32>
        %shift_left3A_166 = arith.shli %gather3A_163, %shift_left3A_165 : vector<16xi32>
        %bitcast3A_167 = vector.bitcast %shift_left3A_166 : vector<16xi32> to vector<16xf32>
        %and3A_168 = arith.constant -65536 : i32
        %and3A_169 = vector.broadcast %and3A_168 : i32 to vector<16xi32>
        %and3A_170 = arith.andi %gather3A_163, %and3A_169 : vector<16xi32>
        %bitcast3A_171 = vector.bitcast %and3A_170 : vector<16xi32> to vector<16xf32>
        %add3A_172 = arith.constant 3 : i32
        %add3A_173 = vector.broadcast %add3A_172 : i32 to vector<16xi32>
        %add3A_174 = arith.addi %mul3A_139, %add3A_173 : vector<16xi32>
        %gather3A_175 = tpu.vector_load_idx %arg29[%add3A_174] : memref<1024xi32, #tpu.memory_space<vmem>>[vector<16xi32>], vector<16xi32>,
        %shift_left3A_176 = arith.constant 16 : i32
        %shift_left3A_177 = vector.broadcast %shift_left3A_176 : i32 to vector<16xi32>
        %shift_left3A_178 = arith.shli %gather3A_175, %shift_left3A_177 : vector<16xi32>
        %bitcast3A_179 = vector.bitcast %shift_left3A_178 : vector<16xi32> to vector<16xf32>
        %and3A_180 = arith.constant -65536 : i32
        %and3A_181 = vector.broadcast %and3A_180 : i32 to vector<16xi32>
        %and3A_182 = arith.andi %gather3A_175, %and3A_181 : vector<16xi32>
        %bitcast3A_183 = vector.bitcast %and3A_182 : vector<16xi32> to vector<16xf32>
        %add3A_184 = vector.broadcast %mul3A_129 : i32 to vector<16xi32>
        %add3A_185 = arith.addi %add3A_184, %iota3A : vector<16xi32>
        %sub3A = arith.subf %bitcast3A_155, %bitcast3A : vector<16xf32>
        %mul3A_186 = arith.mulf %sub3A, %get3A_134 : vector<16xf32>
        %add3A_187 = arith.addf %bitcast3A, %mul3A_186 : vector<16xf32>
        %sub3A_188 = arith.subf %bitcast3A_179, %bitcast3A_167 : vector<16xf32>
        %mul3A_189 = arith.mulf %sub3A_188, %get3A_134 : vector<16xf32>
        %add3A_190 = arith.addf %bitcast3A_167, %mul3A_189 : vector<16xf32>
        %sub3A_191 = arith.subf %add3A_190, %add3A_187 : vector<16xf32>
        %mul3A_192 = arith.mulf %sub3A_191, %get3A_130 : vector<16xf32>
        %add3A_193 = arith.addf %add3A_187, %mul3A_192 : vector<16xf32>
        %add3A_194 = arith.constant 18 : i32
        %add3A_195 = vector.broadcast %add3A_194 : i32 to vector<16xi32>
        %add3A_196 = arith.addi %broadcast_in_dim3A_1, %add3A_195 : vector<16xi32>
        tpu.vector_store_idx %arg44[%add3A_185, %add3A_196], %add3A_193 : memref<256x128xf32, #tpu.memory_space<vmem>>[vector<16xi32>, vector<16xi32>], vector<16xf32>,
        %sub3A_197 = arith.subf %bitcast3A_159, %bitcast3A_147 : vector<16xf32>
        %mul3A_198 = arith.mulf %sub3A_197, %get3A_134 : vector<16xf32>
        %add3A_199 = arith.addf %bitcast3A_147, %mul3A_198 : vector<16xf32>
        %sub3A_200 = arith.subf %bitcast3A_183, %bitcast3A_171 : vector<16xf32>
        %mul3A_201 = arith.mulf %sub3A_200, %get3A_134 : vector<16xf32>
        %add3A_202 = arith.addf %bitcast3A_171, %mul3A_201 : vector<16xf32>
        %sub3A_203 = arith.subf %add3A_202, %add3A_199 : vector<16xf32>
        %mul3A_204 = arith.mulf %sub3A_203, %get3A_130 : vector<16xf32>
        %add3A_205 = arith.addf %add3A_199, %mul3A_204 : vector<16xf32>
        %add3A_206 = arith.constant 19 : i32
        %add3A_207 = vector.broadcast %add3A_206 : i32 to vector<16xi32>
        %add3A_208 = arith.addi %broadcast_in_dim3A_1, %add3A_207 : vector<16xi32>
        tpu.vector_store_idx %arg44[%add3A_185, %add3A_208], %add3A_205 : memref<256x128xf32, #tpu.memory_space<vmem>>[vector<16xi32>, vector<16xi32>], vector<16xf32>,
      }
      %scan3A_74 = arith.constant 16 : i32
      %dma_wait3A_75 = arith.constant 0 : i32
      %dma_wait3A_76 = tpu.memref_slice %arg53[%dma_wait3A_75] : memref<298080xi32, #tpu.memory_space<vmem_shared>> -> memref<298080xi32, #tpu.memory_space<vmem_shared>>
      tpu.wait_indirect_dma semaphore(%arg56 : memref<!tpu.dma_semaphore, #tpu.memory_space<semaphore_mem>>) src(%dma_wait3A_76 : memref<298080xi32, #tpu.memory_space<vmem_shared>>) dst(%arg30 : memref<1024xi32, #tpu.memory_space<vmem>>)
      %scan3A_77 = arith.constant 0 : i32
      %scan3A_78 = arith.constant 0 : i32
      %scan3A_79 = arith.constant 16 : i32
      %scan3A_80 = arith.addi %scan3A_78, %scan3A_79 : i32
      %scan3A_81 = arith.constant 1 : i32
      scf.for %scan3A_127 = %scan3A_78 to %scan3A_80 step %scan3A_81  : i32 {
        %mul3A_128 = arith.constant 16 : i32
        %mul3A_129 = arith.muli %scan3A_127, %mul3A_128 : i32
        %get3A = arith.index_cast %mul3A_129 : i32 to index
        %get3A_130 = tpu.vector_load %arg38[%get3A] {strides = array<i32>} : memref<512xf32, #tpu.memory_space<vmem>>, vector<16xf32>,
        %add3A_131 = arith.constant 256 : i32
        %add3A_132 = arith.addi %add3A_131, %mul3A_129 : i32
        %get3A_133 = arith.index_cast %add3A_132 : i32 to index
        %get3A_134 = tpu.vector_load %arg38[%get3A_133] {strides = array<i32>} : memref<512xf32, #tpu.memory_space<vmem>>, vector<16xf32>,
        %add3A_135 = vector.broadcast %mul3A_129 : i32 to vector<16xi32>
        %add3A_136 = arith.addi %add3A_135, %iota3A : vector<16xi32>
        %mul3A_137 = arith.constant 4 : i32
        %mul3A_138 = vector.broadcast %mul3A_137 : i32 to vector<16xi32>
        %mul3A_139 = arith.muli %add3A_136, %mul3A_138 : vector<16xi32>
        %add3A_140 = arith.constant 0 : i32
        %add3A_141 = vector.broadcast %add3A_140 : i32 to vector<16xi32>
        %add3A_142 = arith.addi %mul3A_139, %add3A_141 : vector<16xi32>
        %gather3A = tpu.vector_load_idx %arg30[%add3A_142] : memref<1024xi32, #tpu.memory_space<vmem>>[vector<16xi32>], vector<16xi32>,
        %shift_left3A = arith.constant 16 : i32
        %shift_left3A_143 = vector.broadcast %shift_left3A : i32 to vector<16xi32>
        %shift_left3A_144 = arith.shli %gather3A, %shift_left3A_143 : vector<16xi32>
        %bitcast3A = vector.bitcast %shift_left3A_144 : vector<16xi32> to vector<16xf32>
        %and3A = arith.constant -65536 : i32
        %and3A_145 = vector.broadcast %and3A : i32 to vector<16xi32>
        %and3A_146 = arith.andi %gather3A, %and3A_145 : vector<16xi32>
        %bitcast3A_147 = vector.bitcast %and3A_146 : vector<16xi32> to vector<16xf32>
        %add3A_148 = arith.constant 1 : i32
        %add3A_149 = vector.broadcast %add3A_148 : i32 to vector<16xi32>
        %add3A_150 = arith.addi %mul3A_139, %add3A_149 : vector<16xi32>
        %gather3A_151 = tpu.vector_load_idx %arg30[%add3A_150] : memref<1024xi32, #tpu.memory_space<vmem>>[vector<16xi32>], vector<16xi32>,
        %shift_left3A_152 = arith.constant 16 : i32
        %shift_left3A_153 = vector.broadcast %shift_left3A_152 : i32 to vector<16xi32>
        %shift_left3A_154 = arith.shli %gather3A_151, %shift_left3A_153 : vector<16xi32>
        %bitcast3A_155 = vector.bitcast %shift_left3A_154 : vector<16xi32> to vector<16xf32>
        %and3A_156 = arith.constant -65536 : i32
        %and3A_157 = vector.broadcast %and3A_156 : i32 to vector<16xi32>
        %and3A_158 = arith.andi %gather3A_151, %and3A_157 : vector<16xi32>
        %bitcast3A_159 = vector.bitcast %and3A_158 : vector<16xi32> to vector<16xf32>
        %add3A_160 = arith.constant 2 : i32
        %add3A_161 = vector.broadcast %add3A_160 : i32 to vector<16xi32>
        %add3A_162 = arith.addi %mul3A_139, %add3A_161 : vector<16xi32>
        %gather3A_163 = tpu.vector_load_idx %arg30[%add3A_162] : memref<1024xi32, #tpu.memory_space<vmem>>[vector<16xi32>], vector<16xi32>,
        %shift_left3A_164 = arith.constant 16 : i32
        %shift_left3A_165 = vector.broadcast %shift_left3A_164 : i32 to vector<16xi32>
        %shift_left3A_166 = arith.shli %gather3A_163, %shift_left3A_165 : vector<16xi32>
        %bitcast3A_167 = vector.bitcast %shift_left3A_166 : vector<16xi32> to vector<16xf32>
        %and3A_168 = arith.constant -65536 : i32
        %and3A_169 = vector.broadcast %and3A_168 : i32 to vector<16xi32>
        %and3A_170 = arith.andi %gather3A_163, %and3A_169 : vector<16xi32>
        %bitcast3A_171 = vector.bitcast %and3A_170 : vector<16xi32> to vector<16xf32>
        %add3A_172 = arith.constant 3 : i32
        %add3A_173 = vector.broadcast %add3A_172 : i32 to vector<16xi32>
        %add3A_174 = arith.addi %mul3A_139, %add3A_173 : vector<16xi32>
        %gather3A_175 = tpu.vector_load_idx %arg30[%add3A_174] : memref<1024xi32, #tpu.memory_space<vmem>>[vector<16xi32>], vector<16xi32>,
        %shift_left3A_176 = arith.constant 16 : i32
        %shift_left3A_177 = vector.broadcast %shift_left3A_176 : i32 to vector<16xi32>
        %shift_left3A_178 = arith.shli %gather3A_175, %shift_left3A_177 : vector<16xi32>
        %bitcast3A_179 = vector.bitcast %shift_left3A_178 : vector<16xi32> to vector<16xf32>
        %and3A_180 = arith.constant -65536 : i32
        %and3A_181 = vector.broadcast %and3A_180 : i32 to vector<16xi32>
        %and3A_182 = arith.andi %gather3A_175, %and3A_181 : vector<16xi32>
        %bitcast3A_183 = vector.bitcast %and3A_182 : vector<16xi32> to vector<16xf32>
        %add3A_184 = vector.broadcast %mul3A_129 : i32 to vector<16xi32>
        %add3A_185 = arith.addi %add3A_184, %iota3A : vector<16xi32>
        %sub3A = arith.subf %bitcast3A_155, %bitcast3A : vector<16xf32>
        %mul3A_186 = arith.mulf %sub3A, %get3A_134 : vector<16xf32>
        %add3A_187 = arith.addf %bitcast3A, %mul3A_186 : vector<16xf32>
        %sub3A_188 = arith.subf %bitcast3A_179, %bitcast3A_167 : vector<16xf32>
        %mul3A_189 = arith.mulf %sub3A_188, %get3A_134 : vector<16xf32>
        %add3A_190 = arith.addf %bitcast3A_167, %mul3A_189 : vector<16xf32>
        %sub3A_191 = arith.subf %add3A_190, %add3A_187 : vector<16xf32>
        %mul3A_192 = arith.mulf %sub3A_191, %get3A_130 : vector<16xf32>
        %add3A_193 = arith.addf %add3A_187, %mul3A_192 : vector<16xf32>
        %add3A_194 = arith.constant 20 : i32
        %add3A_195 = vector.broadcast %add3A_194 : i32 to vector<16xi32>
        %add3A_196 = arith.addi %broadcast_in_dim3A_1, %add3A_195 : vector<16xi32>
        tpu.vector_store_idx %arg44[%add3A_185, %add3A_196], %add3A_193 : memref<256x128xf32, #tpu.memory_space<vmem>>[vector<16xi32>, vector<16xi32>], vector<16xf32>,
        %sub3A_197 = arith.subf %bitcast3A_159, %bitcast3A_147 : vector<16xf32>
        %mul3A_198 = arith.mulf %sub3A_197, %get3A_134 : vector<16xf32>
        %add3A_199 = arith.addf %bitcast3A_147, %mul3A_198 : vector<16xf32>
        %sub3A_200 = arith.subf %bitcast3A_183, %bitcast3A_171 : vector<16xf32>
        %mul3A_201 = arith.mulf %sub3A_200, %get3A_134 : vector<16xf32>
        %add3A_202 = arith.addf %bitcast3A_171, %mul3A_201 : vector<16xf32>
        %sub3A_203 = arith.subf %add3A_202, %add3A_199 : vector<16xf32>
        %mul3A_204 = arith.mulf %sub3A_203, %get3A_130 : vector<16xf32>
        %add3A_205 = arith.addf %add3A_199, %mul3A_204 : vector<16xf32>
        %add3A_206 = arith.constant 21 : i32
        %add3A_207 = vector.broadcast %add3A_206 : i32 to vector<16xi32>
        %add3A_208 = arith.addi %broadcast_in_dim3A_1, %add3A_207 : vector<16xi32>
        tpu.vector_store_idx %arg44[%add3A_185, %add3A_208], %add3A_205 : memref<256x128xf32, #tpu.memory_space<vmem>>[vector<16xi32>, vector<16xi32>], vector<16xf32>,
      }
      %scan3A_82 = arith.constant 16 : i32
      %dma_wait3A_83 = arith.constant 0 : i32
      %dma_wait3A_84 = tpu.memref_slice %arg12[%dma_wait3A_83] : memref<315844xi32, #tpu.memory_space<hbm>> -> memref<315844xi32, #tpu.memory_space<hbm>>
      tpu.wait_indirect_dma semaphore(%arg57 : memref<!tpu.dma_semaphore, #tpu.memory_space<semaphore_mem>>) src(%dma_wait3A_84 : memref<315844xi32, #tpu.memory_space<hbm>>) dst(%arg31 : memref<1024xi32, #tpu.memory_space<vmem>>)
      %scan3A_85 = arith.constant 0 : i32
      %scan3A_86 = arith.constant 0 : i32
      %scan3A_87 = arith.constant 16 : i32
      %scan3A_88 = arith.addi %scan3A_86, %scan3A_87 : i32
      %scan3A_89 = arith.constant 1 : i32
      scf.for %scan3A_127 = %scan3A_86 to %scan3A_88 step %scan3A_89  : i32 {
        %mul3A_128 = arith.constant 16 : i32
        %mul3A_129 = arith.muli %scan3A_127, %mul3A_128 : i32
        %get3A = arith.index_cast %mul3A_129 : i32 to index
        %get3A_130 = tpu.vector_load %arg39[%get3A] {strides = array<i32>} : memref<512xf32, #tpu.memory_space<vmem>>, vector<16xf32>,
        %add3A_131 = arith.constant 256 : i32
        %add3A_132 = arith.addi %add3A_131, %mul3A_129 : i32
        %get3A_133 = arith.index_cast %add3A_132 : i32 to index
        %get3A_134 = tpu.vector_load %arg39[%get3A_133] {strides = array<i32>} : memref<512xf32, #tpu.memory_space<vmem>>, vector<16xf32>,
        %add3A_135 = vector.broadcast %mul3A_129 : i32 to vector<16xi32>
        %add3A_136 = arith.addi %add3A_135, %iota3A : vector<16xi32>
        %mul3A_137 = arith.constant 4 : i32
        %mul3A_138 = vector.broadcast %mul3A_137 : i32 to vector<16xi32>
        %mul3A_139 = arith.muli %add3A_136, %mul3A_138 : vector<16xi32>
        %add3A_140 = arith.constant 0 : i32
        %add3A_141 = vector.broadcast %add3A_140 : i32 to vector<16xi32>
        %add3A_142 = arith.addi %mul3A_139, %add3A_141 : vector<16xi32>
        %gather3A = tpu.vector_load_idx %arg31[%add3A_142] : memref<1024xi32, #tpu.memory_space<vmem>>[vector<16xi32>], vector<16xi32>,
        %shift_left3A = arith.constant 16 : i32
        %shift_left3A_143 = vector.broadcast %shift_left3A : i32 to vector<16xi32>
        %shift_left3A_144 = arith.shli %gather3A, %shift_left3A_143 : vector<16xi32>
        %bitcast3A = vector.bitcast %shift_left3A_144 : vector<16xi32> to vector<16xf32>
        %and3A = arith.constant -65536 : i32
        %and3A_145 = vector.broadcast %and3A : i32 to vector<16xi32>
        %and3A_146 = arith.andi %gather3A, %and3A_145 : vector<16xi32>
        %bitcast3A_147 = vector.bitcast %and3A_146 : vector<16xi32> to vector<16xf32>
        %add3A_148 = arith.constant 1 : i32
        %add3A_149 = vector.broadcast %add3A_148 : i32 to vector<16xi32>
        %add3A_150 = arith.addi %mul3A_139, %add3A_149 : vector<16xi32>
        %gather3A_151 = tpu.vector_load_idx %arg31[%add3A_150] : memref<1024xi32, #tpu.memory_space<vmem>>[vector<16xi32>], vector<16xi32>,
        %shift_left3A_152 = arith.constant 16 : i32
        %shift_left3A_153 = vector.broadcast %shift_left3A_152 : i32 to vector<16xi32>
        %shift_left3A_154 = arith.shli %gather3A_151, %shift_left3A_153 : vector<16xi32>
        %bitcast3A_155 = vector.bitcast %shift_left3A_154 : vector<16xi32> to vector<16xf32>
        %and3A_156 = arith.constant -65536 : i32
        %and3A_157 = vector.broadcast %and3A_156 : i32 to vector<16xi32>
        %and3A_158 = arith.andi %gather3A_151, %and3A_157 : vector<16xi32>
        %bitcast3A_159 = vector.bitcast %and3A_158 : vector<16xi32> to vector<16xf32>
        %add3A_160 = arith.constant 2 : i32
        %add3A_161 = vector.broadcast %add3A_160 : i32 to vector<16xi32>
        %add3A_162 = arith.addi %mul3A_139, %add3A_161 : vector<16xi32>
        %gather3A_163 = tpu.vector_load_idx %arg31[%add3A_162] : memref<1024xi32, #tpu.memory_space<vmem>>[vector<16xi32>], vector<16xi32>,
        %shift_left3A_164 = arith.constant 16 : i32
        %shift_left3A_165 = vector.broadcast %shift_left3A_164 : i32 to vector<16xi32>
        %shift_left3A_166 = arith.shli %gather3A_163, %shift_left3A_165 : vector<16xi32>
        %bitcast3A_167 = vector.bitcast %shift_left3A_166 : vector<16xi32> to vector<16xf32>
        %and3A_168 = arith.constant -65536 : i32
        %and3A_169 = vector.broadcast %and3A_168 : i32 to vector<16xi32>
        %and3A_170 = arith.andi %gather3A_163, %and3A_169 : vector<16xi32>
        %bitcast3A_171 = vector.bitcast %and3A_170 : vector<16xi32> to vector<16xf32>
        %add3A_172 = arith.constant 3 : i32
        %add3A_173 = vector.broadcast %add3A_172 : i32 to vector<16xi32>
        %add3A_174 = arith.addi %mul3A_139, %add3A_173 : vector<16xi32>
        %gather3A_175 = tpu.vector_load_idx %arg31[%add3A_174] : memref<1024xi32, #tpu.memory_space<vmem>>[vector<16xi32>], vector<16xi32>,
        %shift_left3A_176 = arith.constant 16 : i32
        %shift_left3A_177 = vector.broadcast %shift_left3A_176 : i32 to vector<16xi32>
        %shift_left3A_178 = arith.shli %gather3A_175, %shift_left3A_177 : vector<16xi32>
        %bitcast3A_179 = vector.bitcast %shift_left3A_178 : vector<16xi32> to vector<16xf32>
        %and3A_180 = arith.constant -65536 : i32
        %and3A_181 = vector.broadcast %and3A_180 : i32 to vector<16xi32>
        %and3A_182 = arith.andi %gather3A_175, %and3A_181 : vector<16xi32>
        %bitcast3A_183 = vector.bitcast %and3A_182 : vector<16xi32> to vector<16xf32>
        %add3A_184 = vector.broadcast %mul3A_129 : i32 to vector<16xi32>
        %add3A_185 = arith.addi %add3A_184, %iota3A : vector<16xi32>
        %sub3A = arith.subf %bitcast3A_155, %bitcast3A : vector<16xf32>
        %mul3A_186 = arith.mulf %sub3A, %get3A_134 : vector<16xf32>
        %add3A_187 = arith.addf %bitcast3A, %mul3A_186 : vector<16xf32>
        %sub3A_188 = arith.subf %bitcast3A_179, %bitcast3A_167 : vector<16xf32>
        %mul3A_189 = arith.mulf %sub3A_188, %get3A_134 : vector<16xf32>
        %add3A_190 = arith.addf %bitcast3A_167, %mul3A_189 : vector<16xf32>
        %sub3A_191 = arith.subf %add3A_190, %add3A_187 : vector<16xf32>
        %mul3A_192 = arith.mulf %sub3A_191, %get3A_130 : vector<16xf32>
        %add3A_193 = arith.addf %add3A_187, %mul3A_192 : vector<16xf32>
        %add3A_194 = arith.constant 22 : i32
        %add3A_195 = vector.broadcast %add3A_194 : i32 to vector<16xi32>
        %add3A_196 = arith.addi %broadcast_in_dim3A_1, %add3A_195 : vector<16xi32>
        tpu.vector_store_idx %arg44[%add3A_185, %add3A_196], %add3A_193 : memref<256x128xf32, #tpu.memory_space<vmem>>[vector<16xi32>, vector<16xi32>], vector<16xf32>,
        %sub3A_197 = arith.subf %bitcast3A_159, %bitcast3A_147 : vector<16xf32>
        %mul3A_198 = arith.mulf %sub3A_197, %get3A_134 : vector<16xf32>
        %add3A_199 = arith.addf %bitcast3A_147, %mul3A_198 : vector<16xf32>
        %sub3A_200 = arith.subf %bitcast3A_183, %bitcast3A_171 : vector<16xf32>
        %mul3A_201 = arith.mulf %sub3A_200, %get3A_134 : vector<16xf32>
        %add3A_202 = arith.addf %bitcast3A_171, %mul3A_201 : vector<16xf32>
        %sub3A_203 = arith.subf %add3A_202, %add3A_199 : vector<16xf32>
        %mul3A_204 = arith.mulf %sub3A_203, %get3A_130 : vector<16xf32>
        %add3A_205 = arith.addf %add3A_199, %mul3A_204 : vector<16xf32>
        %add3A_206 = arith.constant 23 : i32
        %add3A_207 = vector.broadcast %add3A_206 : i32 to vector<16xi32>
        %add3A_208 = arith.addi %broadcast_in_dim3A_1, %add3A_207 : vector<16xi32>
        tpu.vector_store_idx %arg44[%add3A_185, %add3A_208], %add3A_205 : memref<256x128xf32, #tpu.memory_space<vmem>>[vector<16xi32>, vector<16xi32>], vector<16xf32>,
      }
      %scan3A_90 = arith.constant 16 : i32
      %dma_wait3A_91 = arith.constant 0 : i32
      %dma_wait3A_92 = tpu.memref_slice %arg13[%dma_wait3A_91] : memref<524288xi32, #tpu.memory_space<hbm>> -> memref<524288xi32, #tpu.memory_space<hbm>>
      tpu.wait_indirect_dma semaphore(%arg58 : memref<!tpu.dma_semaphore, #tpu.memory_space<semaphore_mem>>) src(%dma_wait3A_92 : memref<524288xi32, #tpu.memory_space<hbm>>) dst(%arg32 : memref<1024xi32, #tpu.memory_space<vmem>>)
      %scan3A_93 = arith.constant 0 : i32
      %scan3A_94 = arith.constant 0 : i32
      %scan3A_95 = arith.constant 16 : i32
      %scan3A_96 = arith.addi %scan3A_94, %scan3A_95 : i32
      %scan3A_97 = arith.constant 1 : i32
      scf.for %scan3A_127 = %scan3A_94 to %scan3A_96 step %scan3A_97  : i32 {
        %mul3A_128 = arith.constant 16 : i32
        %mul3A_129 = arith.muli %scan3A_127, %mul3A_128 : i32
        %get3A = arith.index_cast %mul3A_129 : i32 to index
        %get3A_130 = tpu.vector_load %arg40[%get3A] {strides = array<i32>} : memref<512xf32, #tpu.memory_space<vmem>>, vector<16xf32>,
        %add3A_131 = arith.constant 256 : i32
        %add3A_132 = arith.addi %add3A_131, %mul3A_129 : i32
        %get3A_133 = arith.index_cast %add3A_132 : i32 to index
        %get3A_134 = tpu.vector_load %arg40[%get3A_133] {strides = array<i32>} : memref<512xf32, #tpu.memory_space<vmem>>, vector<16xf32>,
        %add3A_135 = vector.broadcast %mul3A_129 : i32 to vector<16xi32>
        %add3A_136 = arith.addi %add3A_135, %iota3A : vector<16xi32>
        %mul3A_137 = arith.constant 4 : i32
        %mul3A_138 = vector.broadcast %mul3A_137 : i32 to vector<16xi32>
        %mul3A_139 = arith.muli %add3A_136, %mul3A_138 : vector<16xi32>
        %add3A_140 = arith.constant 0 : i32
        %add3A_141 = vector.broadcast %add3A_140 : i32 to vector<16xi32>
        %add3A_142 = arith.addi %mul3A_139, %add3A_141 : vector<16xi32>
        %gather3A = tpu.vector_load_idx %arg32[%add3A_142] : memref<1024xi32, #tpu.memory_space<vmem>>[vector<16xi32>], vector<16xi32>,
        %shift_left3A = arith.constant 16 : i32
        %shift_left3A_143 = vector.broadcast %shift_left3A : i32 to vector<16xi32>
        %shift_left3A_144 = arith.shli %gather3A, %shift_left3A_143 : vector<16xi32>
        %bitcast3A = vector.bitcast %shift_left3A_144 : vector<16xi32> to vector<16xf32>
        %and3A = arith.constant -65536 : i32
        %and3A_145 = vector.broadcast %and3A : i32 to vector<16xi32>
        %and3A_146 = arith.andi %gather3A, %and3A_145 : vector<16xi32>
        %bitcast3A_147 = vector.bitcast %and3A_146 : vector<16xi32> to vector<16xf32>
        %add3A_148 = arith.constant 1 : i32
        %add3A_149 = vector.broadcast %add3A_148 : i32 to vector<16xi32>
        %add3A_150 = arith.addi %mul3A_139, %add3A_149 : vector<16xi32>
        %gather3A_151 = tpu.vector_load_idx %arg32[%add3A_150] : memref<1024xi32, #tpu.memory_space<vmem>>[vector<16xi32>], vector<16xi32>,
        %shift_left3A_152 = arith.constant 16 : i32
        %shift_left3A_153 = vector.broadcast %shift_left3A_152 : i32 to vector<16xi32>
        %shift_left3A_154 = arith.shli %gather3A_151, %shift_left3A_153 : vector<16xi32>
        %bitcast3A_155 = vector.bitcast %shift_left3A_154 : vector<16xi32> to vector<16xf32>
        %and3A_156 = arith.constant -65536 : i32
        %and3A_157 = vector.broadcast %and3A_156 : i32 to vector<16xi32>
        %and3A_158 = arith.andi %gather3A_151, %and3A_157 : vector<16xi32>
        %bitcast3A_159 = vector.bitcast %and3A_158 : vector<16xi32> to vector<16xf32>
        %add3A_160 = arith.constant 2 : i32
        %add3A_161 = vector.broadcast %add3A_160 : i32 to vector<16xi32>
        %add3A_162 = arith.addi %mul3A_139, %add3A_161 : vector<16xi32>
        %gather3A_163 = tpu.vector_load_idx %arg32[%add3A_162] : memref<1024xi32, #tpu.memory_space<vmem>>[vector<16xi32>], vector<16xi32>,
        %shift_left3A_164 = arith.constant 16 : i32
        %shift_left3A_165 = vector.broadcast %shift_left3A_164 : i32 to vector<16xi32>
        %shift_left3A_166 = arith.shli %gather3A_163, %shift_left3A_165 : vector<16xi32>
        %bitcast3A_167 = vector.bitcast %shift_left3A_166 : vector<16xi32> to vector<16xf32>
        %and3A_168 = arith.constant -65536 : i32
        %and3A_169 = vector.broadcast %and3A_168 : i32 to vector<16xi32>
        %and3A_170 = arith.andi %gather3A_163, %and3A_169 : vector<16xi32>
        %bitcast3A_171 = vector.bitcast %and3A_170 : vector<16xi32> to vector<16xf32>
        %add3A_172 = arith.constant 3 : i32
        %add3A_173 = vector.broadcast %add3A_172 : i32 to vector<16xi32>
        %add3A_174 = arith.addi %mul3A_139, %add3A_173 : vector<16xi32>
        %gather3A_175 = tpu.vector_load_idx %arg32[%add3A_174] : memref<1024xi32, #tpu.memory_space<vmem>>[vector<16xi32>], vector<16xi32>,
        %shift_left3A_176 = arith.constant 16 : i32
        %shift_left3A_177 = vector.broadcast %shift_left3A_176 : i32 to vector<16xi32>
        %shift_left3A_178 = arith.shli %gather3A_175, %shift_left3A_177 : vector<16xi32>
        %bitcast3A_179 = vector.bitcast %shift_left3A_178 : vector<16xi32> to vector<16xf32>
        %and3A_180 = arith.constant -65536 : i32
        %and3A_181 = vector.broadcast %and3A_180 : i32 to vector<16xi32>
        %and3A_182 = arith.andi %gather3A_175, %and3A_181 : vector<16xi32>
        %bitcast3A_183 = vector.bitcast %and3A_182 : vector<16xi32> to vector<16xf32>
        %add3A_184 = vector.broadcast %mul3A_129 : i32 to vector<16xi32>
        %add3A_185 = arith.addi %add3A_184, %iota3A : vector<16xi32>
        %sub3A = arith.subf %bitcast3A_155, %bitcast3A : vector<16xf32>
        %mul3A_186 = arith.mulf %sub3A, %get3A_134 : vector<16xf32>
        %add3A_187 = arith.addf %bitcast3A, %mul3A_186 : vector<16xf32>
        %sub3A_188 = arith.subf %bitcast3A_179, %bitcast3A_167 : vector<16xf32>
        %mul3A_189 = arith.mulf %sub3A_188, %get3A_134 : vector<16xf32>
        %add3A_190 = arith.addf %bitcast3A_167, %mul3A_189 : vector<16xf32>
        %sub3A_191 = arith.subf %add3A_190, %add3A_187 : vector<16xf32>
        %mul3A_192 = arith.mulf %sub3A_191, %get3A_130 : vector<16xf32>
        %add3A_193 = arith.addf %add3A_187, %mul3A_192 : vector<16xf32>
        %add3A_194 = arith.constant 24 : i32
        %add3A_195 = vector.broadcast %add3A_194 : i32 to vector<16xi32>
        %add3A_196 = arith.addi %broadcast_in_dim3A_1, %add3A_195 : vector<16xi32>
        tpu.vector_store_idx %arg44[%add3A_185, %add3A_196], %add3A_193 : memref<256x128xf32, #tpu.memory_space<vmem>>[vector<16xi32>, vector<16xi32>], vector<16xf32>,
        %sub3A_197 = arith.subf %bitcast3A_159, %bitcast3A_147 : vector<16xf32>
        %mul3A_198 = arith.mulf %sub3A_197, %get3A_134 : vector<16xf32>
        %add3A_199 = arith.addf %bitcast3A_147, %mul3A_198 : vector<16xf32>
        %sub3A_200 = arith.subf %bitcast3A_183, %bitcast3A_171 : vector<16xf32>
        %mul3A_201 = arith.mulf %sub3A_200, %get3A_134 : vector<16xf32>
        %add3A_202 = arith.addf %bitcast3A_171, %mul3A_201 : vector<16xf32>
        %sub3A_203 = arith.subf %add3A_202, %add3A_199 : vector<16xf32>
        %mul3A_204 = arith.mulf %sub3A_203, %get3A_130 : vector<16xf32>
        %add3A_205 = arith.addf %add3A_199, %mul3A_204 : vector<16xf32>
        %add3A_206 = arith.constant 25 : i32
        %add3A_207 = vector.broadcast %add3A_206 : i32 to vector<16xi32>
        %add3A_208 = arith.addi %broadcast_in_dim3A_1, %add3A_207 : vector<16xi32>
        tpu.vector_store_idx %arg44[%add3A_185, %add3A_208], %add3A_205 : memref<256x128xf32, #tpu.memory_space<vmem>>[vector<16xi32>, vector<16xi32>], vector<16xf32>,
      }
      %scan3A_98 = arith.constant 16 : i32
      %dma_wait3A_99 = arith.constant 0 : i32
      %dma_wait3A_100 = tpu.memref_slice %arg14[%dma_wait3A_99] : memref<524288xi32, #tpu.memory_space<hbm>> -> memref<524288xi32, #tpu.memory_space<hbm>>
      tpu.wait_indirect_dma semaphore(%arg59 : memref<!tpu.dma_semaphore, #tpu.memory_space<semaphore_mem>>) src(%dma_wait3A_100 : memref<524288xi32, #tpu.memory_space<hbm>>) dst(%arg33 : memref<1024xi32, #tpu.memory_space<vmem>>)
      %scan3A_101 = arith.constant 0 : i32
      %scan3A_102 = arith.constant 0 : i32
      %scan3A_103 = arith.constant 16 : i32
      %scan3A_104 = arith.addi %scan3A_102, %scan3A_103 : i32
      %scan3A_105 = arith.constant 1 : i32
      scf.for %scan3A_127 = %scan3A_102 to %scan3A_104 step %scan3A_105  : i32 {
        %mul3A_128 = arith.constant 16 : i32
        %mul3A_129 = arith.muli %scan3A_127, %mul3A_128 : i32
        %get3A = arith.index_cast %mul3A_129 : i32 to index
        %get3A_130 = tpu.vector_load %arg41[%get3A] {strides = array<i32>} : memref<512xf32, #tpu.memory_space<vmem>>, vector<16xf32>,
        %add3A_131 = arith.constant 256 : i32
        %add3A_132 = arith.addi %add3A_131, %mul3A_129 : i32
        %get3A_133 = arith.index_cast %add3A_132 : i32 to index
        %get3A_134 = tpu.vector_load %arg41[%get3A_133] {strides = array<i32>} : memref<512xf32, #tpu.memory_space<vmem>>, vector<16xf32>,
        %add3A_135 = vector.broadcast %mul3A_129 : i32 to vector<16xi32>
        %add3A_136 = arith.addi %add3A_135, %iota3A : vector<16xi32>
        %mul3A_137 = arith.constant 4 : i32
        %mul3A_138 = vector.broadcast %mul3A_137 : i32 to vector<16xi32>
        %mul3A_139 = arith.muli %add3A_136, %mul3A_138 : vector<16xi32>
        %add3A_140 = arith.constant 0 : i32
        %add3A_141 = vector.broadcast %add3A_140 : i32 to vector<16xi32>
        %add3A_142 = arith.addi %mul3A_139, %add3A_141 : vector<16xi32>
        %gather3A = tpu.vector_load_idx %arg33[%add3A_142] : memref<1024xi32, #tpu.memory_space<vmem>>[vector<16xi32>], vector<16xi32>,
        %shift_left3A = arith.constant 16 : i32
        %shift_left3A_143 = vector.broadcast %shift_left3A : i32 to vector<16xi32>
        %shift_left3A_144 = arith.shli %gather3A, %shift_left3A_143 : vector<16xi32>
        %bitcast3A = vector.bitcast %shift_left3A_144 : vector<16xi32> to vector<16xf32>
        %and3A = arith.constant -65536 : i32
        %and3A_145 = vector.broadcast %and3A : i32 to vector<16xi32>
        %and3A_146 = arith.andi %gather3A, %and3A_145 : vector<16xi32>
        %bitcast3A_147 = vector.bitcast %and3A_146 : vector<16xi32> to vector<16xf32>
        %add3A_148 = arith.constant 1 : i32
        %add3A_149 = vector.broadcast %add3A_148 : i32 to vector<16xi32>
        %add3A_150 = arith.addi %mul3A_139, %add3A_149 : vector<16xi32>
        %gather3A_151 = tpu.vector_load_idx %arg33[%add3A_150] : memref<1024xi32, #tpu.memory_space<vmem>>[vector<16xi32>], vector<16xi32>,
        %shift_left3A_152 = arith.constant 16 : i32
        %shift_left3A_153 = vector.broadcast %shift_left3A_152 : i32 to vector<16xi32>
        %shift_left3A_154 = arith.shli %gather3A_151, %shift_left3A_153 : vector<16xi32>
        %bitcast3A_155 = vector.bitcast %shift_left3A_154 : vector<16xi32> to vector<16xf32>
        %and3A_156 = arith.constant -65536 : i32
        %and3A_157 = vector.broadcast %and3A_156 : i32 to vector<16xi32>
        %and3A_158 = arith.andi %gather3A_151, %and3A_157 : vector<16xi32>
        %bitcast3A_159 = vector.bitcast %and3A_158 : vector<16xi32> to vector<16xf32>
        %add3A_160 = arith.constant 2 : i32
        %add3A_161 = vector.broadcast %add3A_160 : i32 to vector<16xi32>
        %add3A_162 = arith.addi %mul3A_139, %add3A_161 : vector<16xi32>
        %gather3A_163 = tpu.vector_load_idx %arg33[%add3A_162] : memref<1024xi32, #tpu.memory_space<vmem>>[vector<16xi32>], vector<16xi32>,
        %shift_left3A_164 = arith.constant 16 : i32
        %shift_left3A_165 = vector.broadcast %shift_left3A_164 : i32 to vector<16xi32>
        %shift_left3A_166 = arith.shli %gather3A_163, %shift_left3A_165 : vector<16xi32>
        %bitcast3A_167 = vector.bitcast %shift_left3A_166 : vector<16xi32> to vector<16xf32>
        %and3A_168 = arith.constant -65536 : i32
        %and3A_169 = vector.broadcast %and3A_168 : i32 to vector<16xi32>
        %and3A_170 = arith.andi %gather3A_163, %and3A_169 : vector<16xi32>
        %bitcast3A_171 = vector.bitcast %and3A_170 : vector<16xi32> to vector<16xf32>
        %add3A_172 = arith.constant 3 : i32
        %add3A_173 = vector.broadcast %add3A_172 : i32 to vector<16xi32>
        %add3A_174 = arith.addi %mul3A_139, %add3A_173 : vector<16xi32>
        %gather3A_175 = tpu.vector_load_idx %arg33[%add3A_174] : memref<1024xi32, #tpu.memory_space<vmem>>[vector<16xi32>], vector<16xi32>,
        %shift_left3A_176 = arith.constant 16 : i32
        %shift_left3A_177 = vector.broadcast %shift_left3A_176 : i32 to vector<16xi32>
        %shift_left3A_178 = arith.shli %gather3A_175, %shift_left3A_177 : vector<16xi32>
        %bitcast3A_179 = vector.bitcast %shift_left3A_178 : vector<16xi32> to vector<16xf32>
        %and3A_180 = arith.constant -65536 : i32
        %and3A_181 = vector.broadcast %and3A_180 : i32 to vector<16xi32>
        %and3A_182 = arith.andi %gather3A_175, %and3A_181 : vector<16xi32>
        %bitcast3A_183 = vector.bitcast %and3A_182 : vector<16xi32> to vector<16xf32>
        %add3A_184 = vector.broadcast %mul3A_129 : i32 to vector<16xi32>
        %add3A_185 = arith.addi %add3A_184, %iota3A : vector<16xi32>
        %sub3A = arith.subf %bitcast3A_155, %bitcast3A : vector<16xf32>
        %mul3A_186 = arith.mulf %sub3A, %get3A_134 : vector<16xf32>
        %add3A_187 = arith.addf %bitcast3A, %mul3A_186 : vector<16xf32>
        %sub3A_188 = arith.subf %bitcast3A_179, %bitcast3A_167 : vector<16xf32>
        %mul3A_189 = arith.mulf %sub3A_188, %get3A_134 : vector<16xf32>
        %add3A_190 = arith.addf %bitcast3A_167, %mul3A_189 : vector<16xf32>
        %sub3A_191 = arith.subf %add3A_190, %add3A_187 : vector<16xf32>
        %mul3A_192 = arith.mulf %sub3A_191, %get3A_130 : vector<16xf32>
        %add3A_193 = arith.addf %add3A_187, %mul3A_192 : vector<16xf32>
        %add3A_194 = arith.constant 26 : i32
        %add3A_195 = vector.broadcast %add3A_194 : i32 to vector<16xi32>
        %add3A_196 = arith.addi %broadcast_in_dim3A_1, %add3A_195 : vector<16xi32>
        tpu.vector_store_idx %arg44[%add3A_185, %add3A_196], %add3A_193 : memref<256x128xf32, #tpu.memory_space<vmem>>[vector<16xi32>, vector<16xi32>], vector<16xf32>,
        %sub3A_197 = arith.subf %bitcast3A_159, %bitcast3A_147 : vector<16xf32>
        %mul3A_198 = arith.mulf %sub3A_197, %get3A_134 : vector<16xf32>
        %add3A_199 = arith.addf %bitcast3A_147, %mul3A_198 : vector<16xf32>
        %sub3A_200 = arith.subf %bitcast3A_183, %bitcast3A_171 : vector<16xf32>
        %mul3A_201 = arith.mulf %sub3A_200, %get3A_134 : vector<16xf32>
        %add3A_202 = arith.addf %bitcast3A_171, %mul3A_201 : vector<16xf32>
        %sub3A_203 = arith.subf %add3A_202, %add3A_199 : vector<16xf32>
        %mul3A_204 = arith.mulf %sub3A_203, %get3A_130 : vector<16xf32>
        %add3A_205 = arith.addf %add3A_199, %mul3A_204 : vector<16xf32>
        %add3A_206 = arith.constant 27 : i32
        %add3A_207 = vector.broadcast %add3A_206 : i32 to vector<16xi32>
        %add3A_208 = arith.addi %broadcast_in_dim3A_1, %add3A_207 : vector<16xi32>
        tpu.vector_store_idx %arg44[%add3A_185, %add3A_208], %add3A_205 : memref<256x128xf32, #tpu.memory_space<vmem>>[vector<16xi32>, vector<16xi32>], vector<16xf32>,
      }
      %scan3A_106 = arith.constant 16 : i32
      %dma_wait3A_107 = arith.constant 0 : i32
      %dma_wait3A_108 = tpu.memref_slice %arg15[%dma_wait3A_107] : memref<524288xi32, #tpu.memory_space<hbm>> -> memref<524288xi32, #tpu.memory_space<hbm>>
      tpu.wait_indirect_dma semaphore(%arg60 : memref<!tpu.dma_semaphore, #tpu.memory_space<semaphore_mem>>) src(%dma_wait3A_108 : memref<524288xi32, #tpu.memory_space<hbm>>) dst(%arg34 : memref<1024xi32, #tpu.memory_space<vmem>>)
      %scan3A_109 = arith.constant 0 : i32
      %scan3A_110 = arith.constant 0 : i32
      %scan3A_111 = arith.constant 16 : i32
      %scan3A_112 = arith.addi %scan3A_110, %scan3A_111 : i32
      %scan3A_113 = arith.constant 1 : i32
      scf.for %scan3A_127 = %scan3A_110 to %scan3A_112 step %scan3A_113  : i32 {
        %mul3A_128 = arith.constant 16 : i32
        %mul3A_129 = arith.muli %scan3A_127, %mul3A_128 : i32
        %get3A = arith.index_cast %mul3A_129 : i32 to index
        %get3A_130 = tpu.vector_load %arg42[%get3A] {strides = array<i32>} : memref<512xf32, #tpu.memory_space<vmem>>, vector<16xf32>,
        %add3A_131 = arith.constant 256 : i32
        %add3A_132 = arith.addi %add3A_131, %mul3A_129 : i32
        %get3A_133 = arith.index_cast %add3A_132 : i32 to index
        %get3A_134 = tpu.vector_load %arg42[%get3A_133] {strides = array<i32>} : memref<512xf32, #tpu.memory_space<vmem>>, vector<16xf32>,
        %add3A_135 = vector.broadcast %mul3A_129 : i32 to vector<16xi32>
        %add3A_136 = arith.addi %add3A_135, %iota3A : vector<16xi32>
        %mul3A_137 = arith.constant 4 : i32
        %mul3A_138 = vector.broadcast %mul3A_137 : i32 to vector<16xi32>
        %mul3A_139 = arith.muli %add3A_136, %mul3A_138 : vector<16xi32>
        %add3A_140 = arith.constant 0 : i32
        %add3A_141 = vector.broadcast %add3A_140 : i32 to vector<16xi32>
        %add3A_142 = arith.addi %mul3A_139, %add3A_141 : vector<16xi32>
        %gather3A = tpu.vector_load_idx %arg34[%add3A_142] : memref<1024xi32, #tpu.memory_space<vmem>>[vector<16xi32>], vector<16xi32>,
        %shift_left3A = arith.constant 16 : i32
        %shift_left3A_143 = vector.broadcast %shift_left3A : i32 to vector<16xi32>
        %shift_left3A_144 = arith.shli %gather3A, %shift_left3A_143 : vector<16xi32>
        %bitcast3A = vector.bitcast %shift_left3A_144 : vector<16xi32> to vector<16xf32>
        %and3A = arith.constant -65536 : i32
        %and3A_145 = vector.broadcast %and3A : i32 to vector<16xi32>
        %and3A_146 = arith.andi %gather3A, %and3A_145 : vector<16xi32>
        %bitcast3A_147 = vector.bitcast %and3A_146 : vector<16xi32> to vector<16xf32>
        %add3A_148 = arith.constant 1 : i32
        %add3A_149 = vector.broadcast %add3A_148 : i32 to vector<16xi32>
        %add3A_150 = arith.addi %mul3A_139, %add3A_149 : vector<16xi32>
        %gather3A_151 = tpu.vector_load_idx %arg34[%add3A_150] : memref<1024xi32, #tpu.memory_space<vmem>>[vector<16xi32>], vector<16xi32>,
        %shift_left3A_152 = arith.constant 16 : i32
        %shift_left3A_153 = vector.broadcast %shift_left3A_152 : i32 to vector<16xi32>
        %shift_left3A_154 = arith.shli %gather3A_151, %shift_left3A_153 : vector<16xi32>
        %bitcast3A_155 = vector.bitcast %shift_left3A_154 : vector<16xi32> to vector<16xf32>
        %and3A_156 = arith.constant -65536 : i32
        %and3A_157 = vector.broadcast %and3A_156 : i32 to vector<16xi32>
        %and3A_158 = arith.andi %gather3A_151, %and3A_157 : vector<16xi32>
        %bitcast3A_159 = vector.bitcast %and3A_158 : vector<16xi32> to vector<16xf32>
        %add3A_160 = arith.constant 2 : i32
        %add3A_161 = vector.broadcast %add3A_160 : i32 to vector<16xi32>
        %add3A_162 = arith.addi %mul3A_139, %add3A_161 : vector<16xi32>
        %gather3A_163 = tpu.vector_load_idx %arg34[%add3A_162] : memref<1024xi32, #tpu.memory_space<vmem>>[vector<16xi32>], vector<16xi32>,
        %shift_left3A_164 = arith.constant 16 : i32
        %shift_left3A_165 = vector.broadcast %shift_left3A_164 : i32 to vector<16xi32>
        %shift_left3A_166 = arith.shli %gather3A_163, %shift_left3A_165 : vector<16xi32>
        %bitcast3A_167 = vector.bitcast %shift_left3A_166 : vector<16xi32> to vector<16xf32>
        %and3A_168 = arith.constant -65536 : i32
        %and3A_169 = vector.broadcast %and3A_168 : i32 to vector<16xi32>
        %and3A_170 = arith.andi %gather3A_163, %and3A_169 : vector<16xi32>
        %bitcast3A_171 = vector.bitcast %and3A_170 : vector<16xi32> to vector<16xf32>
        %add3A_172 = arith.constant 3 : i32
        %add3A_173 = vector.broadcast %add3A_172 : i32 to vector<16xi32>
        %add3A_174 = arith.addi %mul3A_139, %add3A_173 : vector<16xi32>
        %gather3A_175 = tpu.vector_load_idx %arg34[%add3A_174] : memref<1024xi32, #tpu.memory_space<vmem>>[vector<16xi32>], vector<16xi32>,
        %shift_left3A_176 = arith.constant 16 : i32
        %shift_left3A_177 = vector.broadcast %shift_left3A_176 : i32 to vector<16xi32>
        %shift_left3A_178 = arith.shli %gather3A_175, %shift_left3A_177 : vector<16xi32>
        %bitcast3A_179 = vector.bitcast %shift_left3A_178 : vector<16xi32> to vector<16xf32>
        %and3A_180 = arith.constant -65536 : i32
        %and3A_181 = vector.broadcast %and3A_180 : i32 to vector<16xi32>
        %and3A_182 = arith.andi %gather3A_175, %and3A_181 : vector<16xi32>
        %bitcast3A_183 = vector.bitcast %and3A_182 : vector<16xi32> to vector<16xf32>
        %add3A_184 = vector.broadcast %mul3A_129 : i32 to vector<16xi32>
        %add3A_185 = arith.addi %add3A_184, %iota3A : vector<16xi32>
        %sub3A = arith.subf %bitcast3A_155, %bitcast3A : vector<16xf32>
        %mul3A_186 = arith.mulf %sub3A, %get3A_134 : vector<16xf32>
        %add3A_187 = arith.addf %bitcast3A, %mul3A_186 : vector<16xf32>
        %sub3A_188 = arith.subf %bitcast3A_179, %bitcast3A_167 : vector<16xf32>
        %mul3A_189 = arith.mulf %sub3A_188, %get3A_134 : vector<16xf32>
        %add3A_190 = arith.addf %bitcast3A_167, %mul3A_189 : vector<16xf32>
        %sub3A_191 = arith.subf %add3A_190, %add3A_187 : vector<16xf32>
        %mul3A_192 = arith.mulf %sub3A_191, %get3A_130 : vector<16xf32>
        %add3A_193 = arith.addf %add3A_187, %mul3A_192 : vector<16xf32>
        %add3A_194 = arith.constant 28 : i32
        %add3A_195 = vector.broadcast %add3A_194 : i32 to vector<16xi32>
        %add3A_196 = arith.addi %broadcast_in_dim3A_1, %add3A_195 : vector<16xi32>
        tpu.vector_store_idx %arg44[%add3A_185, %add3A_196], %add3A_193 : memref<256x128xf32, #tpu.memory_space<vmem>>[vector<16xi32>, vector<16xi32>], vector<16xf32>,
        %sub3A_197 = arith.subf %bitcast3A_159, %bitcast3A_147 : vector<16xf32>
        %mul3A_198 = arith.mulf %sub3A_197, %get3A_134 : vector<16xf32>
        %add3A_199 = arith.addf %bitcast3A_147, %mul3A_198 : vector<16xf32>
        %sub3A_200 = arith.subf %bitcast3A_183, %bitcast3A_171 : vector<16xf32>
        %mul3A_201 = arith.mulf %sub3A_200, %get3A_134 : vector<16xf32>
        %add3A_202 = arith.addf %bitcast3A_171, %mul3A_201 : vector<16xf32>
        %sub3A_203 = arith.subf %add3A_202, %add3A_199 : vector<16xf32>
        %mul3A_204 = arith.mulf %sub3A_203, %get3A_130 : vector<16xf32>
        %add3A_205 = arith.addf %add3A_199, %mul3A_204 : vector<16xf32>
        %add3A_206 = arith.constant 29 : i32
        %add3A_207 = vector.broadcast %add3A_206 : i32 to vector<16xi32>
        %add3A_208 = arith.addi %broadcast_in_dim3A_1, %add3A_207 : vector<16xi32>
        tpu.vector_store_idx %arg44[%add3A_185, %add3A_208], %add3A_205 : memref<256x128xf32, #tpu.memory_space<vmem>>[vector<16xi32>, vector<16xi32>], vector<16xf32>,
      }
      %scan3A_114 = arith.constant 16 : i32
      %dma_wait3A_115 = arith.constant 0 : i32
      %dma_wait3A_116 = tpu.memref_slice %arg16[%dma_wait3A_115] : memref<524288xi32, #tpu.memory_space<hbm>> -> memref<524288xi32, #tpu.memory_space<hbm>>
      tpu.wait_indirect_dma semaphore(%arg61 : memref<!tpu.dma_semaphore, #tpu.memory_space<semaphore_mem>>) src(%dma_wait3A_116 : memref<524288xi32, #tpu.memory_space<hbm>>) dst(%arg35 : memref<1024xi32, #tpu.memory_space<vmem>>)
      %scan3A_117 = arith.constant 0 : i32
      %scan3A_118 = arith.constant 0 : i32
      %scan3A_119 = arith.constant 16 : i32
      %scan3A_120 = arith.addi %scan3A_118, %scan3A_119 : i32
      %scan3A_121 = arith.constant 1 : i32
      scf.for %scan3A_127 = %scan3A_118 to %scan3A_120 step %scan3A_121  : i32 {
        %mul3A_128 = arith.constant 16 : i32
        %mul3A_129 = arith.muli %scan3A_127, %mul3A_128 : i32
        %get3A = arith.index_cast %mul3A_129 : i32 to index
        %get3A_130 = tpu.vector_load %arg43[%get3A] {strides = array<i32>} : memref<512xf32, #tpu.memory_space<vmem>>, vector<16xf32>,
        %add3A_131 = arith.constant 256 : i32
        %add3A_132 = arith.addi %add3A_131, %mul3A_129 : i32
        %get3A_133 = arith.index_cast %add3A_132 : i32 to index
        %get3A_134 = tpu.vector_load %arg43[%get3A_133] {strides = array<i32>} : memref<512xf32, #tpu.memory_space<vmem>>, vector<16xf32>,
        %add3A_135 = vector.broadcast %mul3A_129 : i32 to vector<16xi32>
        %add3A_136 = arith.addi %add3A_135, %iota3A : vector<16xi32>
        %mul3A_137 = arith.constant 4 : i32
        %mul3A_138 = vector.broadcast %mul3A_137 : i32 to vector<16xi32>
        %mul3A_139 = arith.muli %add3A_136, %mul3A_138 : vector<16xi32>
        %add3A_140 = arith.constant 0 : i32
        %add3A_141 = vector.broadcast %add3A_140 : i32 to vector<16xi32>
        %add3A_142 = arith.addi %mul3A_139, %add3A_141 : vector<16xi32>
        %gather3A = tpu.vector_load_idx %arg35[%add3A_142] : memref<1024xi32, #tpu.memory_space<vmem>>[vector<16xi32>], vector<16xi32>,
        %shift_left3A = arith.constant 16 : i32
        %shift_left3A_143 = vector.broadcast %shift_left3A : i32 to vector<16xi32>
        %shift_left3A_144 = arith.shli %gather3A, %shift_left3A_143 : vector<16xi32>
        %bitcast3A = vector.bitcast %shift_left3A_144 : vector<16xi32> to vector<16xf32>
        %and3A = arith.constant -65536 : i32
        %and3A_145 = vector.broadcast %and3A : i32 to vector<16xi32>
        %and3A_146 = arith.andi %gather3A, %and3A_145 : vector<16xi32>
        %bitcast3A_147 = vector.bitcast %and3A_146 : vector<16xi32> to vector<16xf32>
        %add3A_148 = arith.constant 1 : i32
        %add3A_149 = vector.broadcast %add3A_148 : i32 to vector<16xi32>
        %add3A_150 = arith.addi %mul3A_139, %add3A_149 : vector<16xi32>
        %gather3A_151 = tpu.vector_load_idx %arg35[%add3A_150] : memref<1024xi32, #tpu.memory_space<vmem>>[vector<16xi32>], vector<16xi32>,
        %shift_left3A_152 = arith.constant 16 : i32
        %shift_left3A_153 = vector.broadcast %shift_left3A_152 : i32 to vector<16xi32>
        %shift_left3A_154 = arith.shli %gather3A_151, %shift_left3A_153 : vector<16xi32>
        %bitcast3A_155 = vector.bitcast %shift_left3A_154 : vector<16xi32> to vector<16xf32>
        %and3A_156 = arith.constant -65536 : i32
        %and3A_157 = vector.broadcast %and3A_156 : i32 to vector<16xi32>
        %and3A_158 = arith.andi %gather3A_151, %and3A_157 : vector<16xi32>
        %bitcast3A_159 = vector.bitcast %and3A_158 : vector<16xi32> to vector<16xf32>
        %add3A_160 = arith.constant 2 : i32
        %add3A_161 = vector.broadcast %add3A_160 : i32 to vector<16xi32>
        %add3A_162 = arith.addi %mul3A_139, %add3A_161 : vector<16xi32>
        %gather3A_163 = tpu.vector_load_idx %arg35[%add3A_162] : memref<1024xi32, #tpu.memory_space<vmem>>[vector<16xi32>], vector<16xi32>,
        %shift_left3A_164 = arith.constant 16 : i32
        %shift_left3A_165 = vector.broadcast %shift_left3A_164 : i32 to vector<16xi32>
        %shift_left3A_166 = arith.shli %gather3A_163, %shift_left3A_165 : vector<16xi32>
        %bitcast3A_167 = vector.bitcast %shift_left3A_166 : vector<16xi32> to vector<16xf32>
        %and3A_168 = arith.constant -65536 : i32
        %and3A_169 = vector.broadcast %and3A_168 : i32 to vector<16xi32>
        %and3A_170 = arith.andi %gather3A_163, %and3A_169 : vector<16xi32>
        %bitcast3A_171 = vector.bitcast %and3A_170 : vector<16xi32> to vector<16xf32>
        %add3A_172 = arith.constant 3 : i32
        %add3A_173 = vector.broadcast %add3A_172 : i32 to vector<16xi32>
        %add3A_174 = arith.addi %mul3A_139, %add3A_173 : vector<16xi32>
        %gather3A_175 = tpu.vector_load_idx %arg35[%add3A_174] : memref<1024xi32, #tpu.memory_space<vmem>>[vector<16xi32>], vector<16xi32>,
        %shift_left3A_176 = arith.constant 16 : i32
        %shift_left3A_177 = vector.broadcast %shift_left3A_176 : i32 to vector<16xi32>
        %shift_left3A_178 = arith.shli %gather3A_175, %shift_left3A_177 : vector<16xi32>
        %bitcast3A_179 = vector.bitcast %shift_left3A_178 : vector<16xi32> to vector<16xf32>
        %and3A_180 = arith.constant -65536 : i32
        %and3A_181 = vector.broadcast %and3A_180 : i32 to vector<16xi32>
        %and3A_182 = arith.andi %gather3A_175, %and3A_181 : vector<16xi32>
        %bitcast3A_183 = vector.bitcast %and3A_182 : vector<16xi32> to vector<16xf32>
        %add3A_184 = vector.broadcast %mul3A_129 : i32 to vector<16xi32>
        %add3A_185 = arith.addi %add3A_184, %iota3A : vector<16xi32>
        %sub3A = arith.subf %bitcast3A_155, %bitcast3A : vector<16xf32>
        %mul3A_186 = arith.mulf %sub3A, %get3A_134 : vector<16xf32>
        %add3A_187 = arith.addf %bitcast3A, %mul3A_186 : vector<16xf32>
        %sub3A_188 = arith.subf %bitcast3A_179, %bitcast3A_167 : vector<16xf32>
        %mul3A_189 = arith.mulf %sub3A_188, %get3A_134 : vector<16xf32>
        %add3A_190 = arith.addf %bitcast3A_167, %mul3A_189 : vector<16xf32>
        %sub3A_191 = arith.subf %add3A_190, %add3A_187 : vector<16xf32>
        %mul3A_192 = arith.mulf %sub3A_191, %get3A_130 : vector<16xf32>
        %add3A_193 = arith.addf %add3A_187, %mul3A_192 : vector<16xf32>
        %add3A_194 = arith.constant 30 : i32
        %add3A_195 = vector.broadcast %add3A_194 : i32 to vector<16xi32>
        %add3A_196 = arith.addi %broadcast_in_dim3A_1, %add3A_195 : vector<16xi32>
        tpu.vector_store_idx %arg44[%add3A_185, %add3A_196], %add3A_193 : memref<256x128xf32, #tpu.memory_space<vmem>>[vector<16xi32>, vector<16xi32>], vector<16xf32>,
        %sub3A_197 = arith.subf %bitcast3A_159, %bitcast3A_147 : vector<16xf32>
        %mul3A_198 = arith.mulf %sub3A_197, %get3A_134 : vector<16xf32>
        %add3A_199 = arith.addf %bitcast3A_147, %mul3A_198 : vector<16xf32>
        %sub3A_200 = arith.subf %bitcast3A_183, %bitcast3A_171 : vector<16xf32>
        %mul3A_201 = arith.mulf %sub3A_200, %get3A_134 : vector<16xf32>
        %add3A_202 = arith.addf %bitcast3A_171, %mul3A_201 : vector<16xf32>
        %sub3A_203 = arith.subf %add3A_202, %add3A_199 : vector<16xf32>
        %mul3A_204 = arith.mulf %sub3A_203, %get3A_130 : vector<16xf32>
        %add3A_205 = arith.addf %add3A_199, %mul3A_204 : vector<16xf32>
        %add3A_206 = arith.constant 31 : i32
        %add3A_207 = vector.broadcast %add3A_206 : i32 to vector<16xi32>
        %add3A_208 = arith.addi %broadcast_in_dim3A_1, %add3A_207 : vector<16xi32>
        tpu.vector_store_idx %arg44[%add3A_185, %add3A_208], %add3A_205 : memref<256x128xf32, #tpu.memory_space<vmem>>[vector<16xi32>, vector<16xi32>], vector<16xf32>,
      }
      %scan3A_122 = arith.constant 16 : i32
      %dma_start3A_123 = arith.constant 0 : i32
      %dma_start3A_124 = tpu.memref_slice %arg17[%add3A_19, %dma_start3A_123] : memref<1048576x128xf32, #tpu.memory_space<hbm>> -> memref<256x128xf32, #tpu.memory_space<hbm>>
      %dma_start3A_125 = arith.constant 0 : i32
      %dma_start3A_126 = tpu.memref_slice %arg17[%add3A_19, %dma_start3A_125] : memref<1048576x128xf32, #tpu.memory_space<hbm>> -> memref<256x128xf32, #tpu.memory_space<hbm>>
      tpu.enqueue_dma source(%arg44 : memref<256x128xf32, #tpu.memory_space<vmem>>) target(%dma_start3A_126 : memref<256x128xf32, #tpu.memory_space<hbm>>) target_semaphore(%arg62 : memref<!tpu.dma_semaphore, #tpu.memory_space<semaphore_mem>>)
    }
    %scan3A_8 = arith.constant 128 : i32
    %dma_wait3A = arith.constant 0 : i32
    %dma_wait3A_9 = arith.constant 0 : i32
    %dma_wait3A_10 = tpu.memref_slice %arg17[%dma_wait3A, %dma_wait3A_9] : memref<1048576x128xf32, #tpu.memory_space<hbm>> -> memref<256x128xf32, #tpu.memory_space<hbm>>
    %dma_wait3A_11 = arith.constant 0 : i32
    %dma_wait3A_12 = arith.constant 0 : i32
    %dma_wait3A_13 = tpu.memref_slice %arg17[%dma_wait3A_11, %dma_wait3A_12] : memref<1048576x128xf32, #tpu.memory_space<hbm>> -> memref<256x128xf32, #tpu.memory_space<hbm>>
    tpu.wait_dma2 semaphore(%arg62 : memref<!tpu.dma_semaphore, #tpu.memory_space<semaphore_mem>>) src(%arg44 : memref<256x128xf32, #tpu.memory_space<vmem>>) dst(%dma_wait3A_13 : memref<256x128xf32, #tpu.memory_space<hbm>>)
    return
  }
}

</mosaic_0001>

<sc_bundles>
// kernel: ngp_sc.3.cloned.1.call-start
scs
__scs_entry_jumppad:
0x0: {  	(pc) =	sbr.rel $0x88, $3  }
0x1: {  	(tag) =	ssettag $0x0;
	lr =	simm.s32 $0x1  }
0x2: {  	[smem:$0x3F90] =	sst lr;
	_ =	strace $0xD0000000  }
0x3: {  	_ = 	snop  }
0x4: {  	_ = 	snop  }
0x5: {  	_ = 	snop  }
0x6: {  	_ = 	snop  }
0x7: {  	_ = 	snop  }
__scs_overlays_trampoline_lowered:
0x8: {  	[smem:$0x3F9F] =	sst s0  }
0x9: {  	[smem:$0x3FA0] =	sst s1  }
0xa: {  	[smem:$0x3FA1] =	sst s2  }
0xb: {  	[smem:$0x3FA2] =	sst s3  }
0xc: {  	[smem:$0x3FA3] =	sst s4  }
0xd: {  	[smem:$0x3FA4] =	sst s5  }
0xe: {  	[smem:$0x3FA5] =	sst s6  }
0xf: {  	[smem:$0x3FA6] =	sst s7  }
0x10: {  	[smem:$0x3FA7] =	sst s8  }
0x11: {  	[smem:$0x3FA8] =	sst s9;
	s0 =	simm.s32 @!p0 $0x0  }
0x12: {  	s1 =	sld [smem:$0x3F8E];
	s0 =	simm.s32 @p0 $0x1  }
0x13: {  	[smem:$0x3FA9] =	sst s0;
	s0 =	simm.s32 @!p1 $0x0  }
0x14: {  	s2 =	sld [smem:$0x3F8D];
	s0 =	simm.s32 @p1 $0x1  }
0x15: {  	[smem:$0x3FAA] =	sst s0;
	s0 =	simm.s32 @!p2 $0x0  }
0x16: {  	s3 =	sld [smem:$0x3FDB];
	s0 =	simm.s32 @p2 $0x1  }
0x17: {  	s4 =	simm.s32 $0x1BF5;
	[smem:$0x3FAC] =	sst s0  }
0x18: {  	s0 =	sld [smem:$0x3F8F];
	_ =	swait.ge [sflag:s4], $0x0  }
0x19: {  	s7 =	sld [smem:$0x3F90]  }
0x1a: {  	s8 =	sadd.s32 $0xFFFFE003, lr  }
0x1b: {  	s9 =	sadd.s32 $0xFFFFFEF7, lr;
	s5 =	simm.s32 $0xFFFFFFFF;
	p2 =	slt.u32 s8, $0xFFFFF086  }
0x1c: {  	p1 =	slt.u32 s9, $0xF7A;
	s5 =	simm.s32 @!p2 $0x0  }
0x1d: {  	s5 =	simm.s32 @p1 $0x1;
	p0 =	seq.s32 s7, s2  }
0x1e: {  	s7 =	smul.u32 @!p0 $0xF7A, s2;
	p2 =	seq.s32 @!p0 s5, $0x0  }
0x1f: {  	s9 =	smul.u32 $0xF7A, s1;
	s8 =	simm.s32 @!p0 $0x1BF5;
	p2 =	por !p2, p0  }
0x20: {  	[sflag:s8] =	ssyncset.s32 @!p0 $0xFFFFF086;
	s6 =	sadd.s32 @!p0 s3, s7;
	s7 =	simm.s32 @!p0 $0x108  }
0x21: {  	s3 =	sadd.s32 s3, s9;
	s6 =	sadd.s32 @!p0 $0x88, s6;
	s7 =	simm.s32 @p2 $0x1082  }
0x22: {  	[simem:s7], [sflag:s8] =	dma.local @!p0 [hbm:s6], $0xF7A  }
0x23: {  	s9 =	sor.u32 $0xD0000000, s2;
	s6 =	simm.s32 $0x108;
	_ =	swait.ge @!p0 [sflag:s8], $0x0  }
0x24: {  	s3 =	sadd.s32 $0x88, s3;
	s6 =	simm.s32 @!p1 $0x1082;
	[sflag:s4] =	ssyncset.s32 $0xFFFFF086  }
0x25: {  	[simem:s6], [sflag:s4] =	dma.local [hbm:s3], $0xF7A  }
0x26: {  	[smem:$0x3F90] =	sst s1;
	(tag) =	ssettag s2;
	_ =	strace s9  }
0x27: {  	s1 =	sld [smem:$0x3FA0]  }
0x28: {  	s2 =	sld [smem:$0x3FA1]  }
0x29: {  	s4 =	sld [smem:$0x3FA3]  }
0x2a: {  	p0 =	seq.s32 s5, $0x0;
	s5 =	sld [smem:$0x3FA4]  }
0x2b: {  	s6 =	sld [smem:$0x3FA5]  }
0x2c: {  	s7 =	sld [smem:$0x3FA6]  }
0x2d: {  	s3 =	simm.s32 $0x108;
	s8 =	sld [smem:$0x3FA7]  }
0x2e: {  	s3 =	simm.s32 @!p0 $0x1082;
	s9 =	sld [smem:$0x3FA8]  }
0x2f: {  	lr =	sadd.s32 s0, s3;
	s0 =	sld [smem:$0x3F9F]  }
0x30: {  	s3 =	sld [smem:$0x3FA2]  }
0x31: {  	[smem:$0x3FAB] =	sst s10  }
0x32: {  	s10 =	sld [smem:$0x3FA9];
	_ =	sdelay $0x3  }
0x33: {  	p0 =	seq.s32 s10, $0x1;
	s10 =	sld [smem:$0x3FAB];
	_ =	sdelay $0x3  }
0x34: {  	[smem:$0x3FAB] =	sst s10  }
0x35: {  	s10 =	sld [smem:$0x3FAA];
	_ =	sdelay $0x3  }
0x36: {  	p1 =	seq.s32 s10, $0x1;
	s10 =	sld [smem:$0x3FAB];
	_ =	sdelay $0x3  }
0x37: {  	[smem:$0x3FAB] =	sst s10  }
0x38: {  	s10 =	sld [smem:$0x3FAC]  }
0x39: {  	_ = 	snop;
	(pc) =	sbr.ind lr, $3  }
0x3a: {  	_ = 	snop  }
0x3b: {  	_ = 	snop  }
0x3c: {  	p2 =	seq.s32 s10, $0x1;
	s10 =	sld [smem:$0x3FAB]  }
0x3d: {  	_ =	shalt  }
0x3e: {  	_ =	shalt  }
0x3f: {  	_ =	shalt  }
0x40: {  	_ =	shalt  }
0x41: {  	_ =	shalt  }
0x42: {  	_ =	shalt  }
0x43: {  	_ =	shalt  }
0x44: {  	_ =	shalt  }
0x45: {  	_ =	shalt  }
0x46: {  	_ =	shalt  }
0x47: {  	_ =	shalt  }
0x48: {  	_ =	shalt  }
0x49: {  	_ =	shalt  }
0x4a: {  	_ =	shalt  }
0x4b: {  	_ =	shalt  }
0x4c: {  	_ =	shalt  }
0x4d: {  	_ =	shalt  }
0x4e: {  	_ =	shalt  }
0x4f: {  	_ =	shalt  }
0x50: {  	_ =	shalt  }
0x51: {  	_ =	shalt  }
0x52: {  	_ =	shalt  }
0x53: {  	_ =	shalt  }
0x54: {  	_ =	shalt  }
0x55: {  	_ =	shalt  }
0x56: {  	_ =	shalt  }
0x57: {  	_ =	shalt  }
0x58: {  	_ =	shalt  }
0x59: {  	_ =	shalt  }
0x5a: {  	_ =	shalt  }
0x5b: {  	_ =	shalt  }
0x5c: {  	_ =	shalt  }
0x5d: {  	_ =	shalt  }
0x5e: {  	_ =	shalt  }
0x5f: {  	_ =	shalt  }
0x60: {  	_ =	shalt  }
0x61: {  	_ =	shalt  }
0x62: {  	_ =	shalt  }
0x63: {  	_ =	shalt  }
0x64: {  	_ =	shalt  }
0x65: {  	_ =	shalt  }
0x66: {  	_ =	shalt  }
0x67: {  	_ =	shalt  }
0x68: {  	_ =	shalt  }
0x69: {  	_ =	shalt  }
0x6a: {  	_ =	shalt  }
0x6b: {  	_ =	shalt  }
0x6c: {  	_ =	shalt  }
0x6d: {  	_ =	shalt  }
0x6e: {  	_ =	shalt  }
0x6f: {  	_ =	shalt  }
0x70: {  	_ =	shalt  }
0x71: {  	_ =	shalt  }
0x72: {  	_ =	shalt  }
0x73: {  	_ =	shalt  }
0x74: {  	_ =	shalt  }
0x75: {  	_ =	shalt  }
0x76: {  	_ =	shalt  }
0x77: {  	_ =	shalt  }
0x78: {  	_ =	shalt  }
0x79: {  	_ =	shalt  }
0x7a: {  	_ =	shalt  }
0x7b: {  	_ =	shalt  }
0x7c: {  	_ =	shalt  }
0x7d: {  	_ =	shalt  }
0x7e: {  	_ =	shalt  }
0x7f: {  	_ =	shalt  }
0x80: {  	_ =	shalt  }
0x81: {  	_ =	shalt  }
0x82: {  	_ =	shalt  }
0x83: {  	_ =	shalt  }
0x84: {  	_ =	shalt  }
0x85: {  	_ =	shalt  }
0x86: {  	_ =	shalt  }
0x87: {  	_ =	shalt  }
.Lfunc_end0:
.L_simem_size_0:
called_computation.1_lowered:
.L_overlay_start_0:
0x88: {  	s2 =	sld [smem:$0x3FD9]  }
0x89: {  	s3 =	sld [smem:$0x3FFE];
	_ =	sdelay $0x1  }
0x8a: {  	s1 =	srdreg.scid  }
0x8b: {  	s0 =	sand.u32 $0x1, s1  }
0x8c: {  	s17 =	sshll.u32 s0, $0xA;
	s2 =	sadd.s32 s3, s2  }
0x8d: {  	s2 =	sadd.s32 s2, s17  }
0x8e: {  	[smem:$0x3FB7] =	sst s2  }
0x8f: {  	_ = 	snop  }
0x90: {  	s2 =	sld [smem:$0x3FD0];
	(tm) =	ssettm $0x1  }
0x91: {  	s18 =	sld [smem:$0x3FFB];
	_ =	sdelay $0x3  }
0x92: {  	_ =	strace s18  }
0x93: {  	s3 =	sld [smem:$0x3FFC];
	_ =	sdelay $0x3  }
0x94: {  	_ =	strace s3  }
0x95: {  	s3 =	sld [smem:$0x3FFD];
	_ =	sdelay $0x3  }
0x96: {  	_ =	strace s3  }
0x97: {  	_ =	strace $0x8FFFFFFF  }
0x98: {  	s19 =	sld [smem:$0x3FDB];
	_ =	sdelay $0x1  }
0x99: {  	s4 =	simm.s32 $_scs_section_size  }
0x9a: {  	s5 =	simm.s32 $_size__tile_overlayer_lowered;
	s6 =	simm.s32 $_tile_overlayer_lowered  }
0x9b: {  	s22 =	simm.s32 $0x1BFF;
	s21 =	sshll.u32 s6, $0x1;
	s3 =	sadd.s32 s4, s19  }
0x9c: {  	s7 =	simm.s32 $0x0;
	s20 =	sshll.u32 s5, $0x1;
	s5 =	sadd.s32 s21, s3  }
0x9d: {  	[timem:s7], [sflag:s22] =	dma.local [hbm:s5], s20  }
0x9e: {  	_ =	swait.ge [sflag:s22], s20  }
0x9f: {  	s4 =	ssub.s32 $0x0, s20;
	[sflag:s22] =	ssyncset.done $0x0  }
0xa0: {  	[sflag:s22] =	ssyncadd.s32 s4;
	_ =	sdelay $0x1  }
0xa1: {  	s23 =	simm.s32 $0x1B8B  }
0xa2: {  	_ =	swait.ge [sflag:s23], $0x1  }
0xa3: {  	[sflag:s23] =	ssyncset.done $0x0  }
0xa4: {  	s25 =	simm.s32 $0x1B8E;
	s24 =	sld [smem:$0x3FFE];
	[sflag:s23] =	ssyncadd.s32 $0xFFFFFFFF  }
0xa5: {  	s26 =	simm.s32 $execute0_lowered;
	[smem:$0x3FD2] =	sst s25  }
0xa6: {  	s5 =	sshll.u32 s26, $0x1;
	_ =	strace $0x80000046;
	[dreg:$0x1] =	wrdreg $0xFFFFFFFF  }
0xa7: {  	s28 =	simm.s32 $_size_execute0_lowered;
	s3 =	sadd.s32 s3, s5;
	[dreg:$0x0] =	wrdreg $0x0  }
0xa8: {  	s5 =	sshll.u32 s28, $0x1;
	[dreg:$0x2] =	wrdreg s3  }
0xa9: {  	[dreg:$0x3] =	wrdreg s5  }
0xaa: {  	[dreg:$0x4] =	wrdreg $0xC0  }
0xab: {  	_ =	task [dreg:s7], $0x5FFFF  }
0xac: {  	[dreg:$0x1] =	wrdreg $0xFFFFFFFF  }
0xad: {  	[dreg:$0x0] =	wrdreg $0x60  }
0xae: {  	[dreg:$0x2] =	wrdreg s2  }
0xaf: {  	[dreg:$0x3] =	wrdreg s24  }
0xb0: {  	[dreg:$0x4] =	wrdreg $0x199800  }
0xb1: {  	[dreg:$0x5] =	wrdreg $0x9  }
0xb2: {  	_ =	task.clear_ibuf [dreg:s7], $0x6FFFF;
	_ =	strace $0x90000046  }
0xb3: {  	s29 =	simm.s32 $0x9;
	_ =	strace $0x80000048  }
0xb4: {  	_ =	swait.ge [sflag:s29], $0x1  }
0xb5: {  	[sflag:s29] =	ssyncadd.s32 $0xFFFFFFFF  }
0xb6: {  	_ =	strace $0x90000048  }
0xb7: {  	_ =	sfence  }
0xb8: {  	s30 =	sld [smem:$0x0];
	_ =	sdelay $0x2  }
0xb9: {  	s31 =	sshll.u32 s1, $0xD;
	s1 =	sshrl.u32 s1, $0x2  }
0xba: {  	s3 =	sand.u32 $0x4000, s31;
	s1 =	sadd.s32 s1, s30  }
0xbb: {  	s0 =	sor.u32 s3, s0;
	s1 =	sshll.u32 s1, $0x11  }
0xbc: {  	s0 =	sor.u32 s1, s0  }
0xbd: {  	s0 =	sadd.s32 $0x8F2B, s0  }
0xbe: {  	[sflag:s0] =	ssyncadd.remote.s32 $0x1  }
0xbf: {  	_ =	sfence.sel $0xFFFF  }
0xc0: {  	[dreg:$0x0] =	wrdreg $0xFFFFFFFF;
	(pc) =	sbr.abs _section_cstart, $3  }
0xc1: {  	[dreg:$0x1] =	wrdreg $0xFFFFFFFF  }
0xc2: {  	_ =	task.clear_ibuf [dreg:s7], $0x2FFFF;
	_ =	strace $0x9FFFFFFF  }
0xc3: {  	(tm) =	ssettm $0x7FFFFFFF  }
tec
execute0_lowered:
.L_overlay_start_1:
0x0: {  	(tag) =	ssettag $0x1  }
0x1: {  	s2 =	rddreg [dreg:$0x1];
	s0 =	simm.s32 $0x0  }
0x2: {  	s19 =	srdreg.scid;
	s24 =	stileid.u32;
	s28 =	simm.s32 $0xF180  }
0x3: {  	s29 =	simm.s32 $0x10B80;
	[smem:$0x7FF] =	sst s0;
	s10 =	sadd.s32 $0x200, s2  }
0x4: {  	s11 =	sadd.s32 $0x400, s2;
	_ =	strace $0x80000047;
	[dreg:$0x4] =	wrdreg s10  }
0x5: {  	s30 =	simm.s32 $0x13C80;
	s12 =	sadd.s32 $0x600, s2;
	[dreg:$0x5] =	wrdreg s11  }
0x6: {  	s31 =	simm.s32 $0x400;
	s13 =	sadd.s32 $0x800, s2;
	[dreg:$0x6] =	wrdreg s12  }
0x7: {  	s5 =	simm.s32 $0x1000;
	s14 =	sadd.s32 $0xA00, s2;
	[dreg:$0x7] =	wrdreg s13  }
0x8: {  	s6 =	simm.s32 $0x1400;
	s15 =	sadd.s32 $0xE00, s2;
	[dreg:$0x8] =	wrdreg s14  }
0x9: {  	s7 =	simm.s32 $0x1800;
	s16 =	sadd.s32 $0x1600, s2;
	[dreg:$0x9] =	wrdreg s15  }
0xa: {  	s8 =	simm.s32 $0x1C00;
	s17 =	sadd.s32 $0x2200, s2;
	[dreg:$0xa] =	wrdreg s16  }
0xb: {  	s9 =	simm.s32 $0x2000;
	s18 =	sadd.s32 $0xB800, s2;
	[dreg:$0xb] =	wrdreg s17  }
0xc: {  	s4 =	simm.s32 $0x3800;
	s1 =	sadd.s32 $0x15400, s2;
	[dreg:$0xc] =	wrdreg s18  }
0xd: {  	s20 =	sadd.s32 $0x25400, s2;
	s0 =	sand.u32 $0x1, s19;
	[dreg:$0xd] =	wrdreg s1  }
0xe: {  	s21 =	sadd.s32 $0x35400, s2;
	s22 =	sadd.s32 $0x45400, s2;
	[dreg:$0xe] =	wrdreg s20  }
0xf: {  	s2 =	sadd.s32 $0x55400, s2;
	s25 =	sshll.u32 s24, $0x10;
	[dreg:$0xf] =	wrdreg s21  }
0x10: {  	p0 =	sne.s32 s24, $0x0;
	s24 =	simm.s32 $0xD800;
	[dreg:$0x10] =	wrdreg s22  }
0x11: {  	s23 =	ssub.s32 $0x2, s0;
	[dreg:$0x11] =	wrdreg s2;
	s0 =	sshll.u32 s0, $0xF  }
0x12: {  	s21 =	simm.s32 $0xD400;
	s2 =	simm.s32 $0xC00;
	s10 =	simm.s32 $0x2400  }
0x13: {  	s11 =	simm.s32 $0x2800;
	s12 =	simm.s32 $0x2C00;
	s20 =	simm.s32 $0x3000  }
0x14: {  	s13 =	simm.s32 $0x3C00;
	s14 =	simm.s32 $0x4000;
	s15 =	simm.s32 $0x5400  }
0x15: {  	s17 =	simm.s32 $0x0;
	s3 =	sshrl.u32 s23, $0x1;
	s0 =	sor.u32 s0, s25  }
0x16: {  	s25 =	simm.s32 $0xDC00;
	s1 =	ssub.s32 s23, s3;
	[dreg:$0x12] =	wrdreg s0  }
0x17: {  	v0 =	vlaneseq.u32;
	s23 =	simm.s32 $0xD580;
	s0 =	simm.s32 $0x800;
	s26 =	smax.u32 s1, $0x1  }
0x18: {  	v1 =	vmul.u32 $0x2, v0;
	v2 =	vmul.u32 $0x4, v0;
	v3 =	vmul.u32 $0x80, v0;
	s1 =	simm.s32 $0x3400;
	[dreg:$0x13] =	wrdreg s26;
	s26 =	simm.s32 $0xE380  }
.LBB2_1:
0x19: {  	[dreg:$0x14] =	wrdreg s17  }
0x1a: {  	s3 =	rddreg [dreg:$0x1];
	s16 =	simm.s32 $0x0;
	s17 =	simm.s32 $0xA  }
0x1b: {  	[tilespmem:s21], [sflag:$0xA] =	stream.linear.gather [hbm4b:s3+s16], $0x180, $0x38;
	[tilespmem:$0x1E248] =	vst v63  }
0x1c: {  	_ =	swait.ge [sflag:s17], $0x180  }
0x1d: {  	[sflag:s17] =	ssyncset.done $0x0  }
0x1e: {  	s22 =	rddreg [dreg:$0x4];
	[sflag:s17] =	ssyncadd.s32 $0xFFFFFE80  }
0x1f: {  	[tilespmem:s23], [sflag:$0xA] =	stream.linear.gather [hbm4b:s22+s16], $0x280, $0x38;
	[tilespmem:$0x1E248] =	vst v63  }
0x20: {  	_ =	swait.ge [sflag:s17], $0x280  }
0x21: {  	[sflag:s17] =	ssyncset.done $0x0  }
0x22: {  	s18 =	rddreg [dreg:$0x5];
	[sflag:s17] =	ssyncadd.s32 $0xFFFFFD80  }
0x23: {  	[tilespmem:s24], [sflag:$0xA] =	stream.linear.gather [hbm4b:s18+s16], $0x400, $0x38;
	[tilespmem:$0x1E248] =	vst v63  }
0x24: {  	_ =	swait.ge [sflag:s17], $0x400  }
0x25: {  	[sflag:s17] =	ssyncset.done $0x0  }
0x26: {  	s19 =	rddreg [dreg:$0x6];
	[sflag:s17] =	ssyncadd.s32 $0xFFFFFC00  }
0x27: {  	[tilespmem:s25], [sflag:$0xA] =	stream.linear.gather [hbm4b:s19+s16], $0x780, $0x38;
	[tilespmem:$0x1E248] =	vst v63  }
0x28: {  	_ =	swait.ge [sflag:s17], $0x780  }
0x29: {  	[sflag:s17] =	ssyncset.done $0x0  }
0x2a: {  	s22 =	rddreg [dreg:$0x7];
	[sflag:s17] =	ssyncadd.s32 $0xFFFFF880  }
0x2b: {  	[tilespmem:s26], [sflag:$0xA] =	stream.linear.gather [hbm4b:s22+s16], $0xE00, $0x38;
	[tilespmem:$0x1E248] =	vst v63  }
0x2c: {  	_ =	swait.ge [sflag:s17], $0xE00  }
0x2d: {  	[sflag:s17] =	ssyncset.done $0x0  }
0x2e: {  	s18 =	rddreg [dreg:$0x8];
	[sflag:s17] =	ssyncadd.s32 $0xFFFFF200  }
0x2f: {  	[tilespmem:s28], [sflag:$0xA] =	stream.linear.gather [hbm4b:s18+s16], $0x1A00, $0x38;
	[tilespmem:$0x1E248] =	vst v63  }
0x30: {  	_ =	swait.ge [sflag:s17], $0x1A00  }
0x31: {  	[sflag:s17] =	ssyncset.done $0x0  }
0x32: {  	s19 =	rddreg [dreg:$0x9];
	[sflag:s17] =	ssyncadd.s32 $0xFFFFE600  }
0x33: {  	[tilespmem:s29], [sflag:$0xA] =	stream.linear.gather [hbm4b:s19+s16], $0x3100, $0x38;
	[tilespmem:$0x1E248] =	vst v63  }
0x34: {  	_ =	swait.ge [sflag:s17], $0x3100  }
0x35: {  	[sflag:s17] =	ssyncset.done $0x0  }
0x36: {  	s22 =	rddreg [dreg:$0xa];
	[sflag:s17] =	ssyncadd.s32 $0xFFFFCF00  }
0x37: {  	[tilespmem:s30], [sflag:$0xA] =	stream.linear.gather [hbm4b:s22+s16], $0x5D00, $0x38;
	[tilespmem:$0x1E248] =	vst v63  }
0x38: {  	_ =	swait.ge [sflag:s17], $0x5D00  }
0x39: {  	[sflag:s17] =	ssyncset.done $0x0  }
0x3a: {  	[sflag:s17] =	ssyncadd.s32 $0xFFFFA300  }
0x3b: {  	s3 =	rddreg [dreg:$0x2]  }
0x3c: {  	s16 =	simm.s32 @!p0 $0x1C0A;
	s17 =	rddreg [dreg:$0xb];
	s3 =	sshrl.u32 @!p0 s3, $0x3  }
0x3d: {  	[spmem:s3], [sflag:s16] =	dma.local @!p0 [hbm:s17], $0x9190  }
0x3e: {  	s3 =	simm.s32 @!p0 $0xA  }
0x3f: {  	_ =	swait.ge @!p0 [sflag:s3], $0x9190  }
0x40: {  	[sflag:s3] =	ssyncset.done @!p0 $0x0  }
0x41: {  	[sflag:s3] =	ssyncadd.s32 @!p0 $0xFFFF6E70  }
0x42: {  	s19 =	simm.s32 $0x0;
	[bflag:$0x0] =	sbarrier.arrive $0xFFFF  }
.LBB2_2:
0x43: {  	[dreg:$0x15] =	wrdreg s19  }
0x44: {  	s3 =	sshll.u32 s19, $0x8;
	s16 =	simm.s32 $0x0;
	s17 =	rddreg [dreg:$0x12]  }
0x45: {  	s19 =	rddreg [dreg:$0x0];
	s3 =	sadd.s32 s17, s3;
	v4 =	vmov s16  }
0x46: {  	[dreg:$0x16] =	wrdreg s3;
	s3 =	sshrl.u32 s3, $0x2;
	v4 =	vshll.u32 v4, $0x1  }
0x47: {  	s22 =	simm.s32 $0xA;
	s3 =	sadd.s32 s19, s3;
	v4 =	vor.u32 v1, v4  }
0x48: {  	[tilespmem:s16], [sflag:$0xA] =	stream.linear.gather [hbm4b:s3+s16], $0x200, $0x38;
	[tilespmem:$0x1E248] =	vst v63  }
0x49: {  	_ =	swait.ge [sflag:s22], $0x200  }
0x4a: {  	[sflag:s22] =	ssyncset.done $0x0  }
0x4b: {  	[sflag:s22] =	ssyncadd.s32 $0xFFFFFE00  }
0x4c: {  	v5 =	vld.idx.msk [tilespmem:v4+s16+$0x0], $0xffff  }
0x4d: {  	v4 =	vor.u32 $0x1, v4;
	_ =	sdelay $0x2  }
0x4e: {  	s18 =	simm.s32 $0x200  }
0x4f: {  	s17 =	simm.s32 $0x10;
	[tilespmem:s18+$0x0] =	vst v5  }
0x50: {  	s3 =	simm.s32 $0x20;
	s22 =	simm.s32 $0x0;
	v5 =	vmov s17;
	v4 =	vld.idx.msk [tilespmem:v4+s16+$0x0], $0xffff  }
.LBB2_3:
0x51: {  	p1 =	sne.s32 s3, $0xF0;
	v5 =	vshll.u32 v5, $0x1  }
0x52: {  	v5 =	vor.u32 v1, v5;
	_ =	sdelay $0x2  }
0x53: {  	s19 =	sand.u32 $0xF0, s22;
	s22 =	smov.u32 s17;
	s17 =	smov.u32 s3  }
0x54: {  	[tilespmem:s19+$0x300] =	vst v4  }
0x55: {  	v4 =	vld.idx.msk [tilespmem:v5+s16+$0x0], $0xffff;
	_ =	sdelay $0x1  }
0x56: {  	v6 =	vor.u32 $0x1, v5  }
.Ltmp0:
0x57: {  	(pc) =	sbr.rel @p1 .LBB2_3-.Ltmp0, $4  }
0x58: {  	_ = 	snop  }
0x59: {  	s18 =	sadd.s32 $0x10, s18  }
0x5a: {  	[tilespmem:s18+$0x0] =	vst v4  }
0x5b: {  	s3 =	sadd.s32 $0x10, s3;
	v5 =	vmov s17;
	v4 =	vld.idx.msk [tilespmem:v6+s16+$0x0], $0xffff  }
0x5c: {  	v5 =	vshll.u32 v5, $0x1  }
0x5d: {  	v5 =	vor.u32 v1, v5;
	_ =	sdelay $0x2  }
0x5e: {  	s3 =	sand.u32 $0xF0, s22  }
0x5f: {  	[tilespmem:s3+$0x300] =	vst v4  }
0x60: {  	v4 =	vld.idx.msk [tilespmem:v5+s16+$0x0], $0xffff  }
0x61: {  	v5 =	vor.u32 $0x1, v5;
	_ =	sdelay $0x2  }
0x62: {  	s19 =	sadd.s32 $0x10, s18  }
0x63: {  	[tilespmem:s19+$0x0] =	vst v4  }
0x64: {  	v4 =	vld.idx.msk [tilespmem:v5+s16+$0x0], $0xffff;
	_ =	sdelay $0x3  }
0x65: {  	s22 =	sand.u32 $0xF0, s17  }
0x66: {  	s17 =	simm.s32 $0x0;
	[tilespmem:s22+$0x300] =	vst v4  }
0x67: {  	v10 =	vld [tilespmem:s17+$0x200]  }
0x68: {  	v12 =	vld [tilespmem:s17+$0x300];
	_ =	sdelay $0x3  }
0x69: {  	v6 =	vmul.f32 $2.070312500e-01, v10  }
0x6a: {  	v11 =	vmul.f32 $2.871093750e-01, v10;
	v7 =	vmul.f32 $2.070312500e-01, v12  }
0x6b: {  	v13 =	vmul.f32 $2.871093750e-01, v12;
	v23 =	vmul.f32 $7.578125000e-01, v10  }
0x6c: {  	v5 =	vtrunc.f32 v6;
	v15 =	vtrunc.f32 v11  }
0x6d: {  	v4 =	vmov s16;
	v14 =	vcvt.f32.s32 v5;
	v5 =	vtrunc.f32 v7  }
0x6e: {  	v4 =	vshll.u32 v4, $0x2;
	v17 =	vtrunc.f32 v13;
	v16 =	vcvt.f32.s32 v5  }
0x6f: {  	v4 =	vor.u32 v2, v4;
	v17 =	vcvt.f32.s32 v17;
	v18 =	vcvt.s32.f32 v14  }
0x70: {  	v15 =	vcvt.f32.s32 v15;
	v5 =	vor.u32 $0x1, v4;
	v19 =	vcvt.s32.f32 v16  }
0x71: {  	v14 =	vmul.u32 $0xD4, v14;
	v20 =	vcvt.s32.f32 v17;
	v18 =	vsub.f32 v6, v18  }
0x72: {  	v21 =	vcvt.s32.f32 v15;
	v6 =	vor.u32 $0x2, v4;
	v19 =	vsub.f32 v7, v19  }
0x73: {  	v15 =	vmul.u32 $0x126, v15;
	v13 =	vsub.f32 v13, v20;
	v7 =	vor.u32 $0x3, v4;
	[tilespmem:s17+$0x4400] =	vst v18  }
0x74: {  	v14 =	vadd.s32 v16, v14;
	v11 =	vsub.f32 v11, v21;
	v18 =	vmul.f32 $3.964843750e-01, v10;
	[tilespmem:s17+$0x4500] =	vst v19  }
0x75: {  	v15 =	vadd.s32 v17, v15;
	v17 =	vmul.f32 $5.478515630e-01, v12;
	v16 =	vadd.s32 $0x1, v14;
	[tilespmem:v4+s31+$0x0] =	vst.idx.msk $0xffff, v14  }
0x76: {  	v21 =	vadd.s32 $0xD4, v14;
	v19 =	vmul.f32 $3.964843750e-01, v12;
	v20 =	vtrunc.f32 v18;
	[tilespmem:v5+s31+$0x0] =	vst.idx.msk $0xffff, v16  }
0x77: {  	v22 =	vtrunc.f32 v17;
	v14 =	vadd.s32 $0xD5, v14;
	v16 =	vcvt.f32.s32 v20;
	[tilespmem:v6+s31+$0x0] =	vst.idx.msk $0xffff, v21  }
0x78: {  	v9 =	vadd.f32 v10, v10;
	v20 =	vmul.f32 $5.478515630e-01, v10;
	v21 =	vtrunc.f32 v19;
	[tilespmem:v7+s31+$0x0] =	vst.idx.msk $0xffff, v14  }
0x79: {  	v8 =	vadd.f32 v12, v12;
	v14 =	vcvt.s32.f32 v16;
	v21 =	vcvt.f32.s32 v21;
	[tilespmem:s17+$0x4600] =	vst v11  }
0x7a: {  	v16 =	vmul.u32 $0x196, v16;
	v11 =	vtrunc.f32 v20;
	[tilespmem:s17+$0x4700] =	vst v13;
	v13 =	vadd.s32 $0xB140, v15  }
0x7b: {  	v14 =	vsub.f32 v18, v14;
	v18 =	vadd.s32 $0xB141, v15;
	[tilespmem:v4+s0+$0x0] =	vst.idx.msk $0xffff, v13;
	v11 =	vcvt.f32.s32 v11  }
0x7c: {  	v13 =	vcvt.f32.s32 v22;
	v22 =	vadd.s32 $0xB266, v15;
	[tilespmem:v5+s0+$0x0] =	vst.idx.msk $0xffff, v18;
	v18 =	vcvt.s32.f32 v21  }
0x7d: {  	v24 =	vmul.f32 $1.046875000e+00, v12;
	v16 =	vadd.s32 v21, v16;
	v15 =	vadd.s32 $0xB267, v15;
	[tilespmem:v6+s0+$0x0] =	vst.idx.msk $0xffff, v22  }
0x7e: {  	v21 =	vcvt.s32.f32 v11;
	v22 =	vcvt.s32.f32 v13;
	[tilespmem:v7+s0+$0x0] =	vst.idx.msk $0xffff, v15;
	v15 =	vsub.f32 v19, v18  }
0x7f: {  	v11 =	vmul.u32 $0x231, v11;
	v18 =	vtrunc.f32 v23;
	v19 =	vmul.f32 $7.578125000e-01, v12;
	[tilespmem:s17+$0x4800] =	vst v14  }
0x80: {  	v14 =	vsub.f32 v20, v21;
	v18 =	vcvt.f32.s32 v18;
	[tilespmem:s17+$0x4900] =	vst v15;
	v15 =	vadd.s32 $0x20540, v16  }
0x81: {  	v17 =	vsub.f32 v17, v22;
	v20 =	vadd.s32 $0x20541, v16;
	v21 =	vmul.f32 $1.046875000e+00, v10;
	[tilespmem:v4+s2+$0x0] =	vst.idx.msk $0xffff, v15  }
0x82: {  	v22 =	vadd.s32 $0x206D6, v16;
	v15 =	vcvt.s32.f32 v18;
	[tilespmem:v5+s2+$0x0] =	vst.idx.msk $0xffff, v20;
	v20 =	vtrunc.f32 v19  }
0x83: {  	v13 =	vadd.s32 v13, v11;
	v11 =	vadd.s32 $0x206D7, v16;
	[tilespmem:v6+s2+$0x0] =	vst.idx.msk $0xffff, v22;
	v16 =	vcvt.f32.s32 v20  }
0x84: {  	v15 =	vsub.f32 v23, v15;
	v20 =	vtrunc.f32 v24;
	[tilespmem:v7+s2+$0x0] =	vst.idx.msk $0xffff, v11;
	v11 =	vtrunc.f32 v21  }
0x85: {  	v23 =	vadd.s32 $0x231, v13;
	v20 =	vcvt.f32.s32 v20;
	[tilespmem:s17+$0x4A00] =	vst v14;
	v14 =	vcvt.s32.f32 v16  }
0x86: {  	v16 =	vmul.u32 $0x9E3779B1, v16;
	v22 =	vcvt.f32.s32 v11;
	[tilespmem:s17+$0x4B00] =	vst v17;
	v17 =	vadd.s32 $0x1, v18  }
0x87: {  	v11 =	vmul.f32 $1.447265630e+00, v10;
	v10 =	vadd.s32 $0x1, v13;
	[tilespmem:v4+s5+$0x0] =	vst.idx.msk $0xffff, v13;
	v14 =	vsub.f32 v19, v14  }
0x88: {  	v19 =	vadd.s32 $0x9E3779B1, v16;
	[tilespmem:v5+s5+$0x0] =	vst.idx.msk $0xffff, v10;
	v25 =	vxor.u32 v18, v16;
	v10 =	vadd.s32 $0x232, v13  }
0x89: {  	v13 =	vcvt.s32.f32 v22;
	v18 =	vxor.u32 v18, v19;
	[tilespmem:v6+s5+$0x0] =	vst.idx.msk $0xffff, v23;
	v23 =	vxor.u32 v17, v16  }
0x8a: {  	v19 =	vxor.u32 v17, v19;
	v17 =	vcvt.s32.f32 v20;
	v20 =	vmul.u32 $0x9E3779B1, v20;
	[tilespmem:v7+s5+$0x0] =	vst.idx.msk $0xffff, v10  }
0x8b: {  	v10 =	vmul.f32 $1.447265630e+00, v12;
	v12 =	vtrunc.f32 v11;
	v16 =	vsub.f32 v21, v13;
	[tilespmem:s17+$0x4C00] =	vst v15  }
0x8c: {  	v18 =	vand.u32 $0x7FFFF, v18;
	v23 =	vand.u32 $0x7FFFF, v23;
	[tilespmem:s17+$0x4D00] =	vst v14;
	v14 =	vand.u32 $0x7FFFF, v25  }
0x8d: {  	v15 =	vadd.s32 $0x1, v22;
	v13 =	vsub.f32 v24, v17;
	v21 =	vadd.s32 $0x9E3779B1, v20;
	[tilespmem:v4+s6+$0x0] =	vst.idx.msk $0xffff, v14  }
0x8e: {  	v17 =	vxor.u32 v22, v20;
	v14 =	vxor.u32 v15, v20;
	v20 =	vand.u32 $0x7FFFF, v19;
	[tilespmem:v5+s6+$0x0] =	vst.idx.msk $0xffff, v18  }
0x8f: {  	s18 =	simm.s32 $0x40;
	v15 =	vxor.u32 v15, v21;
	v19 =	vtrunc.f32 v10;
	v18 =	vxor.u32 v22, v21;
	[tilespmem:v6+s6+$0x0] =	vst.idx.msk $0xffff, v23  }
.LBB2_5:
0x90: {  	p1 =	sne.s32 s18, $0x3C0  }
0x91: {  	[tilespmem:v7+s6+$0x0] =	vst.idx.msk $0xffff, v20;
	v20 =	vtrunc.f32 v9;
	v21 =	vtrunc.f32 v8;
	s16 =	sadd.s32 $0x10, s16;
	s3 =	smov.u32 s18;
	s18 =	sadd.s32 $0x40, s18  }
0x92: {  	v12 =	vcvt.f32.s32 v12;
	[tilespmem:s17+$0x4E00] =	vst v16;
	v16 =	vcvt.f32.s32 v20  }
0x93: {  	[tilespmem:s17+$0x4F00] =	vst v13;
	v13 =	vand.u32 $0x7FFFF, v17;
	v17 =	vcvt.f32.s32 v19;
	v19 =	vcvt.f32.s32 v21  }
0x94: {  	v18 =	vand.u32 $0x7FFFF, v18;
	[tilespmem:v4+s7+$0x0] =	vst.idx.msk $0xffff, v13;
	v13 =	vcvt.s32.f32 v12;
	v20 =	vcvt.s32.f32 v16  }
0x95: {  	v14 =	vand.u32 $0x7FFFF, v14;
	[tilespmem:v5+s7+$0x0] =	vst.idx.msk $0xffff, v18;
	v18 =	vcvt.s32.f32 v17;
	v21 =	vcvt.s32.f32 v19  }
0x96: {  	v15 =	vand.u32 $0x7FFFF, v15;
	[tilespmem:v6+s7+$0x0] =	vst.idx.msk $0xffff, v14;
	v11 =	vsub.f32 v11, v13;
	v13 =	vmul.u32 $0x9E3779B1, v17  }
0x97: {  	v14 =	vadd.s32 $0x1, v12;
	v9 =	vsub.f32 v9, v20;
	[tilespmem:v7+s7+$0x0] =	vst.idx.msk $0xffff, v15;
	v10 =	vsub.f32 v10, v18  }
0x98: {  	[tilespmem:s17+$0x5000] =	vst v11;
	v11 =	vadd.s32 $0x9E3779B1, v13;
	v15 =	vxor.u32 v12, v13;
	v13 =	vxor.u32 v14, v13  }
0x99: {  	s3 =	sshra.s32 s3, $0x2;
	[tilespmem:s17+$0x5100] =	vst v10;
	v10 =	vand.u32 $0x7FFFF, v15;
	v12 =	vxor.u32 v12, v11;
	v11 =	vxor.u32 v14, v11  }
0x9a: {  	v8 =	vsub.f32 v8, v21;
	v12 =	vand.u32 $0x7FFFF, v12;
	[tilespmem:v4+s8+$0x0] =	vst.idx.msk $0xffff, v10;
	v10 =	vmul.u32 $0x9E3779B1, v19  }
0x9b: {  	v13 =	vand.u32 $0x7FFFF, v13;
	[tilespmem:v5+s8+$0x0] =	vst.idx.msk $0xffff, v12;
	v12 =	vadd.s32 $0x1, v16  }
0x9c: {  	v11 =	vand.u32 $0x7FFFF, v11;
	[tilespmem:v6+s8+$0x0] =	vst.idx.msk $0xffff, v13;
	v13 =	vadd.s32 $0x9E3779B1, v10;
	v14 =	vxor.u32 v16, v10  }
0x9d: {  	v10 =	vxor.u32 v12, v10;
	[tilespmem:v7+s8+$0x0] =	vst.idx.msk $0xffff, v11;
	v11 =	vxor.u32 v16, v13  }
0x9e: {  	[tilespmem:s17+$0x5200] =	vst v9;
	v9 =	vxor.u32 v12, v13  }
0x9f: {  	[tilespmem:s17+$0x5300] =	vst v8;
	v8 =	vand.u32 $0x7FFFF, v14;
	s17 =	smov.u32 s3  }
0xa0: {  	v11 =	vand.u32 $0x7FFFF, v11;
	[tilespmem:v4+s9+$0x0] =	vst.idx.msk $0xffff, v8  }
0xa1: {  	v4 =	vand.u32 $0x7FFFF, v10;
	[tilespmem:v5+s9+$0x0] =	vst.idx.msk $0xffff, v11  }
0xa2: {  	v8 =	vand.u32 $0x7FFFF, v9;
	v5 =	vmov s16;
	[tilespmem:v6+s9+$0x0] =	vst.idx.msk $0xffff, v4  }
0xa3: {  	v4 =	vshll.u32 v5, $0x2;
	[tilespmem:v7+s9+$0x0] =	vst.idx.msk $0xffff, v8  }
0xa4: {  	v11 =	vld [tilespmem:s17+$0x200]  }
0xa5: {  	v4 =	vor.u32 v2, v4;
	v10 =	vld [tilespmem:s17+$0x300];
	_ =	sdelay $0x3  }
0xa6: {  	v6 =	vmul.f32 $2.070312500e-01, v11;
	v12 =	vmul.f32 $2.871093750e-01, v11;
	v9 =	vadd.f32 v11, v11  }
0xa7: {  	v7 =	vmul.f32 $2.070312500e-01, v10;
	v13 =	vmul.f32 $2.871093750e-01, v10;
	v8 =	vadd.f32 v10, v10  }
0xa8: {  	v5 =	vtrunc.f32 v6;
	v14 =	vtrunc.f32 v12  }
0xa9: {  	v15 =	vcvt.f32.s32 v5;
	v16 =	vtrunc.f32 v7;
	v5 =	vor.u32 $0x1, v4  }
0xaa: {  	v17 =	vtrunc.f32 v13;
	v16 =	vcvt.f32.s32 v16  }
0xab: {  	v17 =	vcvt.f32.s32 v17;
	v18 =	vcvt.s32.f32 v15;
	v15 =	vmul.u32 $0xD4, v15  }
0xac: {  	v14 =	vcvt.f32.s32 v14;
	v19 =	vcvt.s32.f32 v16  }
0xad: {  	v20 =	vcvt.s32.f32 v17;
	v18 =	vsub.f32 v6, v18;
	v6 =	vor.u32 $0x2, v4  }
0xae: {  	v21 =	vcvt.s32.f32 v14;
	v14 =	vmul.u32 $0x126, v14;
	v19 =	vsub.f32 v7, v19  }
0xaf: {  	v7 =	vor.u32 $0x3, v4;
	v13 =	vsub.f32 v13, v20;
	[tilespmem:s17+$0x4400] =	vst v18;
	v18 =	vmul.f32 $3.964843750e-01, v11  }
0xb0: {  	v15 =	vadd.s32 v16, v15;
	v12 =	vsub.f32 v12, v21;
	v14 =	vadd.s32 v17, v14;
	[tilespmem:s17+$0x4500] =	vst v19  }
0xb1: {  	v17 =	vmul.f32 $3.964843750e-01, v10;
	v16 =	vadd.s32 $0x1, v15;
	[tilespmem:v4+s31+$0x0] =	vst.idx.msk $0xffff, v15;
	v19 =	vtrunc.f32 v18  }
0xb2: {  	v20 =	vadd.s32 $0xD4, v15;
	[tilespmem:v5+s31+$0x0] =	vst.idx.msk $0xffff, v16;
	v16 =	vcvt.f32.s32 v19;
	v19 =	vmul.f32 $5.478515630e-01, v11  }
0xb3: {  	v21 =	vmul.f32 $5.478515630e-01, v10;
	v15 =	vadd.s32 $0xD5, v15;
	[tilespmem:v6+s31+$0x0] =	vst.idx.msk $0xffff, v20;
	v20 =	vtrunc.f32 v17  }
0xb4: {  	[tilespmem:v7+s31+$0x0] =	vst.idx.msk $0xffff, v15;
	v15 =	vcvt.f32.s32 v20;
	v20 =	vcvt.s32.f32 v16;
	v16 =	vmul.u32 $0x196, v16  }
0xb5: {  	v22 =	vtrunc.f32 v21;
	[tilespmem:s17+$0x4600] =	vst v12;
	v12 =	vtrunc.f32 v19  }
0xb6: {  	[tilespmem:s17+$0x4700] =	vst v13;
	v13 =	vadd.s32 $0xB140, v14;
	v18 =	vsub.f32 v18, v20;
	v16 =	vadd.s32 v15, v16  }
0xb7: {  	v20 =	vadd.s32 $0xB141, v14;
	v12 =	vcvt.f32.s32 v12;
	[tilespmem:v4+s0+$0x0] =	vst.idx.msk $0xffff, v13;
	v13 =	vcvt.f32.s32 v22  }
0xb8: {  	v15 =	vcvt.s32.f32 v15;
	v22 =	vadd.s32 $0xB266, v14;
	[tilespmem:v5+s0+$0x0] =	vst.idx.msk $0xffff, v20;
	v20 =	vmul.f32 $7.578125000e-01, v11  }
0xb9: {  	v14 =	vadd.s32 $0xB267, v14;
	[tilespmem:v6+s0+$0x0] =	vst.idx.msk $0xffff, v22;
	v22 =	vcvt.s32.f32 v12;
	v23 =	vcvt.s32.f32 v13  }
0xba: {  	v12 =	vmul.u32 $0x231, v12;
	[tilespmem:v7+s0+$0x0] =	vst.idx.msk $0xffff, v14;
	v14 =	vsub.f32 v17, v15;
	v15 =	vtrunc.f32 v20  }
0xbb: {  	[tilespmem:s17+$0x4800] =	vst v18;
	v17 =	vsub.f32 v19, v22;
	v18 =	vsub.f32 v21, v23;
	v15 =	vcvt.f32.s32 v15  }
0xbc: {  	v12 =	vadd.s32 v13, v12;
	v13 =	vmul.f32 $7.578125000e-01, v10;
	[tilespmem:s17+$0x4900] =	vst v14;
	v14 =	vadd.s32 $0x20540, v16  }
0xbd: {  	v19 =	vadd.s32 $0x20541, v16;
	v21 =	vmul.f32 $1.046875000e+00, v11;
	[tilespmem:v4+s2+$0x0] =	vst.idx.msk $0xffff, v14;
	v14 =	vcvt.s32.f32 v15  }
0xbe: {  	v22 =	vadd.s32 $0x206D6, v16;
	v23 =	vmul.f32 $1.046875000e+00, v10;
	[tilespmem:v5+s2+$0x0] =	vst.idx.msk $0xffff, v19;
	v19 =	vtrunc.f32 v13  }
0xbf: {  	v16 =	vadd.s32 $0x206D7, v16;
	[tilespmem:v6+s2+$0x0] =	vst.idx.msk $0xffff, v22;
	v19 =	vcvt.f32.s32 v19;
	v14 =	vsub.f32 v20, v14  }
0xc0: {  	v20 =	vtrunc.f32 v23;
	[tilespmem:v7+s2+$0x0] =	vst.idx.msk $0xffff, v16;
	v16 =	vtrunc.f32 v21  }
0xc1: {  	[tilespmem:s17+$0x4A00] =	vst v17;
	v17 =	vcvt.s32.f32 v19;
	v19 =	vmul.u32 $0x9E3779B1, v19;
	v22 =	vcvt.f32.s32 v16  }
0xc2: {  	v11 =	vmul.f32 $1.447265630e+00, v11;
	v16 =	vadd.s32 $0x1, v15;
	[tilespmem:s17+$0x4B00] =	vst v18;
	v18 =	vcvt.f32.s32 v20  }
0xc3: {  	v20 =	vadd.s32 $0x1, v12;
	[tilespmem:v4+s5+$0x0] =	vst.idx.msk $0xffff, v12;
	v13 =	vsub.f32 v13, v17;
	v17 =	vadd.s32 $0x9E3779B1, v19  }
0xc4: {  	v24 =	vadd.s32 $0x231, v12;
	[tilespmem:v5+s5+$0x0] =	vst.idx.msk $0xffff, v20;
	v20 =	vxor.u32 v15, v19;
	v15 =	vxor.u32 v15, v17  }
0xc5: {  	v12 =	vadd.s32 $0x232, v12;
	v19 =	vxor.u32 v16, v19;
	[tilespmem:v6+s5+$0x0] =	vst.idx.msk $0xffff, v24;
	v24 =	vxor.u32 v16, v17  }
0xc6: {  	v25 =	vmul.u32 $0x9E3779B1, v18;
	v16 =	vcvt.s32.f32 v22;
	v17 =	vcvt.s32.f32 v18;
	[tilespmem:v7+s5+$0x0] =	vst.idx.msk $0xffff, v12  }
.Ltmp1:
0xc7: {  	v10 =	vmul.f32 $1.447265630e+00, v10;
	v26 =	vadd.s32 $0x1, v22;
	v12 =	vtrunc.f32 v11;
	[tilespmem:s17+$0x4C00] =	vst v14;
	(pc) =	sbr.rel @p1 .LBB2_5-.Ltmp1, $4  }
0xc8: {  	v14 =	vand.u32 $0x7FFFF, v20;
	v16 =	vsub.f32 v21, v16;
	[tilespmem:s17+$0x4D00] =	vst v13;
	v13 =	vsub.f32 v23, v17  }
0xc9: {  	v15 =	vand.u32 $0x7FFFF, v15;
	v21 =	vadd.s32 $0x9E3779B1, v25;
	v17 =	vxor.u32 v22, v25;
	[tilespmem:v4+s6+$0x0] =	vst.idx.msk $0xffff, v14  }
0xca: {  	v19 =	vand.u32 $0x7FFFF, v19;
	v18 =	vxor.u32 v22, v21;
	v14 =	vxor.u32 v26, v25;
	[tilespmem:v5+s6+$0x0] =	vst.idx.msk $0xffff, v15  }
0xcb: {  	v20 =	vand.u32 $0x7FFFF, v24;
	v15 =	vxor.u32 v26, v21;
	[tilespmem:v6+s6+$0x0] =	vst.idx.msk $0xffff, v19;
	v19 =	vtrunc.f32 v10  }
0xcc: {  	_ =	sdelay $0x3  }
0xcd: {  	[tilespmem:v7+s6+$0x0] =	vst.idx.msk $0xffff, v20  }
0xce: {  	v12 =	vcvt.f32.s32 v12;
	[tilespmem:s17+$0x4E00] =	vst v16  }
0xcf: {  	v38 =	vand.u32 $0x7FFFF, v17;
	v39 =	vcvt.f32.s32 v19;
	[tilespmem:s17+$0x4F00] =	vst v13  }
0xd0: {  	v40 =	vand.u32 $0x7FFFF, v18;
	[tilespmem:v4+s7+$0x0] =	vst.idx.msk $0xffff, v38;
	v41 =	vcvt.s32.f32 v12  }
0xd1: {  	v42 =	vtrunc.f32 v9;
	v14 =	vand.u32 $0x7FFFF, v14;
	v43 =	vcvt.s32.f32 v39;
	[tilespmem:v5+s7+$0x0] =	vst.idx.msk $0xffff, v40  }
0xd2: {  	v15 =	vand.u32 $0x7FFFF, v15;
	v44 =	vmul.u32 $0x9E3779B1, v39;
	[tilespmem:v6+s7+$0x0] =	vst.idx.msk $0xffff, v14;
	v11 =	vsub.f32 v11, v41  }
0xd3: {  	v45 =	vtrunc.f32 v8;
	v46 =	vcvt.f32.s32 v42;
	v10 =	vsub.f32 v10, v43;
	[tilespmem:v7+s7+$0x0] =	vst.idx.msk $0xffff, v15  }
0xd4: {  	v49 =	vadd.s32 $0x1, v12;
	v47 =	vadd.s32 $0x9E3779B1, v44;
	v48 =	vxor.u32 v12, v44;
	[tilespmem:s17+$0x5000] =	vst v11  }
0xd5: {  	v14 =	vcvt.f32.s32 v45;
	v50 =	vand.u32 $0x7FFFF, v48;
	v12 =	vxor.u32 v12, v47;
	[tilespmem:s17+$0x5100] =	vst v10  }
0xd6: {  	v51 =	vcvt.s32.f32 v46;
	v13 =	vxor.u32 v49, v44;
	v12 =	vand.u32 $0x7FFFF, v12;
	[tilespmem:v4+s8+$0x0] =	vst.idx.msk $0xffff, v50  }
0xd7: {  	v13 =	vand.u32 $0x7FFFF, v13;
	v52 =	vcvt.s32.f32 v14;
	v11 =	vxor.u32 v49, v47;
	[tilespmem:v5+s8+$0x0] =	vst.idx.msk $0xffff, v12  }
0xd8: {  	v53 =	vsub.f32 v9, v51;
	v54 =	vmul.u32 $0x9E3779B1, v14;
	v11 =	vand.u32 $0x7FFFF, v11;
	[tilespmem:v6+s8+$0x0] =	vst.idx.msk $0xffff, v13  }
0xd9: {  	v55 =	vsub.f32 v8, v52;
	[tilespmem:v7+s8+$0x0] =	vst.idx.msk $0xffff, v11  }
0xda: {  	v56 =	vadd.s32 $0x9E3779B1, v54;
	v57 =	vxor.u32 v46, v54;
	[tilespmem:s17+$0x5200] =	vst v53  }
0xdb: {  	v58 =	vadd.s32 $0x1, v46;
	v59 =	vxor.u32 v46, v56;
	v60 =	vand.u32 $0x7FFFF, v57;
	[tilespmem:s17+$0x5300] =	vst v55  }
0xdc: {  	v61 =	vxor.u32 v58, v54;
	v62 =	vand.u32 $0x7FFFF, v59;
	[tilespmem:v4+s9+$0x0] =	vst.idx.msk $0xffff, v60  }
0xdd: {  	v63 =	vand.u32 $0x7FFFF, v61;
	v4 =	vxor.u32 v58, v56;
	[tilespmem:v5+s9+$0x0] =	vst.idx.msk $0xffff, v62  }
0xde: {  	v4 =	vand.u32 $0x7FFFF, v4;
	[tilespmem:v6+s9+$0x0] =	vst.idx.msk $0xffff, v63  }
0xdf: {  	s3 =	rddreg [dreg:$0x2];
	[tilespmem:v7+s9+$0x0] =	vst.idx.msk $0xffff, v4  }
0xe0: {  	[tilespmem:s10], [sflag:$0x1] =	stream.indirect.gather [spmem:s3], $0x1, s31, s31, $0xb8;
	[tilespmem:$0x1E248] =	vst v63  }
0xe1: {  	_ = 	snop  }
0xe2: {  	[tilespmem:s11], [sflag:$0x2] =	stream.indirect.gather [spmem:s3], $0x1, s0, s31, $0xb8;
	[tilespmem:$0x1E248] =	vst v63  }
0xe3: {  	_ = 	snop  }
0xe4: {  	[tilespmem:s12], [sflag:$0x3] =	stream.indirect.gather [spmem:s3], $0x1, s2, s31, $0xb8;
	[tilespmem:$0x1E248] =	vst v63  }
0xe5: {  	s16 =	rddreg [dreg:$0xc]  }
0xe6: {  	[tilespmem:s20], [sflag:$0x4] =	stream.indirect.gather [hbm4b:s16+s31], $0x1, s5, s31, $0xb8;
	[tilespmem:$0x1E248] =	vst v63  }
0xe7: {  	s17 =	rddreg [dreg:$0xd]  }
0xe8: {  	[tilespmem:s1], [sflag:$0x5] =	stream.indirect.gather [hbm4b:s17+s31], $0x1, s6, s31, $0xb8;
	[tilespmem:$0x1E248] =	vst v63  }
0xe9: {  	s18 =	rddreg [dreg:$0xe]  }
0xea: {  	[tilespmem:s4], [sflag:$0x6] =	stream.indirect.gather [hbm4b:s18+s31], $0x1, s7, s31, $0xb8;
	[tilespmem:$0x1E248] =	vst v63  }
0xeb: {  	s19 =	rddreg [dreg:$0xf]  }
0xec: {  	[tilespmem:s13], [sflag:$0x7] =	stream.indirect.gather [hbm4b:s19+s31], $0x1, s8, s31, $0xb8;
	[tilespmem:$0x1E248] =	vst v63  }
0xed: {  	s19 =	rddreg [dreg:$0x15]  }
0xee: {  	s22 =	rddreg [dreg:$0x10];
	p1 =	seq.s32 s19, $0x0  }
0xef: {  	[tilespmem:s14], [sflag:$0x8] =	stream.indirect.gather [hbm4b:s22+s31], $0x1, s9, s31, $0xb8;
	[tilespmem:$0x1E248] =	vst v63  }
0xf0: {  	s3 =	simm.s32 @!p1 $0x9  }
0xf1: {  	_ =	swait.ge @!p1 [sflag:s3], $0x8000  }
0xf2: {  	[sflag:s3] =	ssyncset.done @!p1 $0x0  }
0xf3: {  	s16 =	simm.s32 $0x0;
	s17 =	simm.s32 $0x200;
	[sflag:s3] =	ssyncadd.s32 @!p1 $0xFFFF8000  }
.LBB2_7:
0xf4: {  	v6 =	vld [tilespmem:s17+$0x0];
	s3 =	sand.u32 $0xF0, s16  }
0xf5: {  	v5 =	vld [tilespmem:s3+$0x300];
	_ =	sdelay $0x3  }
0xf6: {  	v4 =	vmul.f32 $1.562500000e-02, v6  }
0xf7: {  	v7 =	vmul.f32 $1.562500000e-02, v5  }
0xf8: {  	v8 =	vtrunc.f32 v4  }
0xf9: {  	v8 =	vcvt.f32.s32 v8;
	v9 =	vtrunc.f32 v7  }
0xfa: {  	v9 =	vcvt.f32.s32 v9  }
0xfb: {  	v10 =	vshll.u32 v8, $0x4  }
0xfc: {  	v10 =	vadd.s32 v9, v10  }
0xfd: {  	v11 =	vadd.s32 $0x1, v10  }
0xfe: {  	v12 =	vadd.s32 $0x10, v10  }
0xff: {  	v13 =	vadd.s32 $0x11, v10;
	_ =	sdelay $0x1  }
0x100: {  	v10 =	vld.idx.msk [tilespmem:v10+s21+$0x0], $0xffff  }
0x101: {  	v11 =	vld.idx.msk [tilespmem:v11+s21+$0x0], $0xffff  }
0x102: {  	v12 =	vld.idx.msk [tilespmem:v12+s21+$0x0], $0xffff  }
0x103: {  	v13 =	vld.idx.msk [tilespmem:v13+s21+$0x0], $0xffff  }
0x104: {  	v9 =	vcvt.s32.f32 v9  }
0x105: {  	v60 =	vmul.f32 $2.148437500e-02, v6;
	v61 =	vmul.f32 $2.148437500e-02, v5  }
0x106: {  	v8 =	vcvt.s32.f32 v8;
	v7 =	vsub.f32 v7, v9;
	v59 =	vshll.u32 v10, $0x10  }
0x107: {  	v10 =	vand.u32 $0xFFFF0000, v10;
	v15 =	vshll.u32 v11, $0x10;
	v11 =	vand.u32 $0xFFFF0000, v11  }
0x108: {  	v16 =	vshll.u32 v12, $0x10;
	v17 =	vshll.u32 v13, $0x10;
	v12 =	vand.u32 $0xFFFF0000, v12  }
0x109: {  	v13 =	vand.u32 $0xFFFF0000, v13;
	v15 =	vsub.f32 v15, v59;
	v17 =	vsub.f32 v17, v16  }
0x10a: {  	v62 =	vtrunc.f32 v60;
	v11 =	vsub.f32 v11, v10;
	v13 =	vsub.f32 v13, v12  }
0x10b: {  	v8 =	vsub.f32 v4, v8;
	v15 =	vmul.f32 v15, v7;
	v4 =	vmul.f32 v17, v7  }
0x10c: {  	v14 =	vmov s16;
	v11 =	vmul.f32 v11, v7;
	v7 =	vmul.f32 v13, v7  }
0x10d: {  	v63 =	vcvt.f32.s32 v62;
	v9 =	vadd.f32 v59, v15;
	v4 =	vadd.f32 v16, v4  }
0x10e: {  	v14 =	vshll.u32 v14, $0x7;
	v10 =	vadd.f32 v10, v11;
	v7 =	vadd.f32 v12, v7  }
0x10f: {  	v20 =	vtrunc.f32 v61;
	v15 =	vmul.u32 $0x16, v63;
	v19 =	vsub.f32 v4, v9  }
0x110: {  	v4 =	vor.u32 v3, v14;
	v7 =	vsub.f32 v7, v10;
	v14 =	vcvt.f32.s32 v20  }
0x111: {  	v21 =	vor.u32 $0x1, v4;
	v12 =	vmul.f32 v19, v8  }
0x112: {  	v7 =	vmul.f32 v7, v8;
	v22 =	vadd.s32 v14, v15  }
0x113: {  	v23 =	vadd.s32 $0x1, v22;
	v9 =	vadd.f32 v12, v9  }
0x114: {  	v24 =	vadd.s32 $0x16, v22;
	v7 =	vadd.f32 v7, v10  }
0x115: {  	v25 =	vadd.s32 $0x17, v22;
	[tilespmem:v4+s15+$0x0] =	vst.idx.msk $0xffff, v9  }
0x116: {  	[tilespmem:v21+s15+$0x0] =	vst.idx.msk $0xffff, v7  }
0x117: {  	v7 =	vld.idx.msk [tilespmem:v22+s23+$0x0], $0xffff  }
0x118: {  	v26 =	vld.idx.msk [tilespmem:v23+s23+$0x0], $0xffff  }
0x119: {  	v10 =	vld.idx.msk [tilespmem:v24+s23+$0x0], $0xffff  }
0x11a: {  	v9 =	vld.idx.msk [tilespmem:v25+s23+$0x0], $0xffff  }
0x11b: {  	v32 =	vmul.f32 $2.929687500e-02, v6;
	v27 =	vcvt.s32.f32 v14  }
0x11c: {  	v34 =	vmul.f32 $2.929687500e-02, v5  }
0x11d: {  	v35 =	vtrunc.f32 v32;
	v12 =	vsub.f32 v61, v27;
	v28 =	vshll.u32 v7, $0x10  }
0x11e: {  	v7 =	vand.u32 $0xFFFF0000, v7;
	v29 =	vshll.u32 v26, $0x10;
	v8 =	vand.u32 $0xFFFF0000, v26  }
0x11f: {  	v30 =	vshll.u32 v10, $0x10;
	v31 =	vshll.u32 v9, $0x10;
	v10 =	vand.u32 $0xFFFF0000, v10  }
0x120: {  	v9 =	vand.u32 $0xFFFF0000, v9;
	v14 =	vsub.f32 v29, v28;
	v16 =	vsub.f32 v31, v30  }
0x121: {  	v37 =	vcvt.f32.s32 v35;
	v8 =	vsub.f32 v8, v7;
	v9 =	vsub.f32 v9, v10  }
0x122: {  	v14 =	vmul.f32 v14, v12;
	v16 =	vmul.f32 v16, v12  }
0x123: {  	v8 =	vmul.f32 v8, v12;
	v9 =	vmul.f32 v9, v12  }
0x124: {  	v11 =	vcvt.s32.f32 v63;
	v13 =	vadd.f32 v28, v14;
	v33 =	vadd.f32 v30, v16  }
0x125: {  	v40 =	vtrunc.f32 v34;
	v7 =	vadd.f32 v7, v8;
	v36 =	vadd.f32 v10, v9  }
0x126: {  	v41 =	vmul.u32 $0x1E, v37;
	v11 =	vsub.f32 v60, v11;
	v38 =	vsub.f32 v33, v13  }
0x127: {  	v39 =	vor.u32 $0x2, v4;
	v15 =	vcvt.f32.s32 v40;
	v8 =	vsub.f32 v36, v7  }
0x128: {  	v18 =	vor.u32 $0x3, v4;
	v10 =	vmul.f32 v38, v11  }
0x129: {  	v42 =	vadd.s32 v15, v41;
	v8 =	vmul.f32 v8, v11  }
0x12a: {  	v43 =	vadd.s32 $0x1, v42;
	v10 =	vadd.f32 v10, v13  }
0x12b: {  	v44 =	vadd.s32 $0x1E, v42;
	v7 =	vadd.f32 v8, v7  }
0x12c: {  	v45 =	vadd.s32 $0x1F, v42;
	[tilespmem:v39+s15+$0x0] =	vst.idx.msk $0xffff, v10  }
0x12d: {  	[tilespmem:v18+s15+$0x0] =	vst.idx.msk $0xffff, v7  }
0x12e: {  	v7 =	vld.idx.msk [tilespmem:v42+s24+$0x0], $0xffff  }
0x12f: {  	v46 =	vld.idx.msk [tilespmem:v43+s24+$0x0], $0xffff  }
0x130: {  	v8 =	vld.idx.msk [tilespmem:v44+s24+$0x0], $0xffff  }
0x131: {  	v10 =	vld.idx.msk [tilespmem:v45+s24+$0x0], $0xffff  }
0x132: {  	v52 =	vmul.f32 $4.101562500e-02, v6;
	v47 =	vcvt.s32.f32 v15  }
0x133: {  	v54 =	vmul.f32 $4.101562500e-02, v5  }
0x134: {  	v55 =	vtrunc.f32 v52;
	v12 =	vsub.f32 v34, v47;
	v48 =	vshll.u32 v7, $0x10  }
0x135: {  	v7 =	vand.u32 $0xFFFF0000, v7;
	v49 =	vshll.u32 v46, $0x10;
	v11 =	vand.u32 $0xFFFF0000, v46  }
0x136: {  	v50 =	vshll.u32 v8, $0x10;
	v51 =	vshll.u32 v10, $0x10;
	v8 =	vand.u32 $0xFFFF0000, v8  }
0x137: {  	v10 =	vand.u32 $0xFFFF0000, v10;
	v14 =	vsub.f32 v49, v48;
	v16 =	vsub.f32 v51, v50  }
0x138: {  	v56 =	vcvt.f32.s32 v55;
	v11 =	vsub.f32 v11, v7;
	v10 =	vsub.f32 v10, v8  }
0x139: {  	v14 =	vmul.f32 v14, v12;
	v16 =	vmul.f32 v16, v12  }
0x13a: {  	v11 =	vmul.f32 v11, v12;
	v10 =	vmul.f32 v10, v12  }
0x13b: {  	v9 =	vcvt.s32.f32 v37;
	v13 =	vadd.f32 v48, v14;
	v53 =	vadd.f32 v50, v16  }
0x13c: {  	v59 =	vtrunc.f32 v54;
	v7 =	vadd.f32 v7, v11;
	v8 =	vadd.f32 v8, v10  }
0x13d: {  	v60 =	vmul.u32 $0x2A, v56;
	v9 =	vsub.f32 v32, v9;
	v57 =	vsub.f32 v53, v13  }
0x13e: {  	v58 =	vor.u32 $0x4, v4;
	v15 =	vcvt.f32.s32 v59;
	v8 =	vsub.f32 v8, v7  }
0x13f: {  	v61 =	vor.u32 $0x5, v4;
	v11 =	vmul.f32 v57, v9  }
0x140: {  	v62 =	vadd.s32 v15, v60;
	v8 =	vmul.f32 v8, v9  }
0x141: {  	v63 =	vadd.s32 $0x1, v62;
	v11 =	vadd.f32 v11, v13  }
0x142: {  	v16 =	vadd.s32 $0x2A, v62;
	v7 =	vadd.f32 v8, v7  }
0x143: {  	v19 =	vadd.s32 $0x2B, v62;
	[tilespmem:v58+s15+$0x0] =	vst.idx.msk $0xffff, v11  }
0x144: {  	[tilespmem:v61+s15+$0x0] =	vst.idx.msk $0xffff, v7  }
0x145: {  	v7 =	vld.idx.msk [tilespmem:v62+s25+$0x0], $0xffff  }
0x146: {  	v20 =	vld.idx.msk [tilespmem:v63+s25+$0x0], $0xffff  }
0x147: {  	v8 =	vld.idx.msk [tilespmem:v16+s25+$0x0], $0xffff  }
0x148: {  	v26 =	vmul.f32 $5.664062500e-02, v6;
	v11 =	vld.idx.msk [tilespmem:v19+s25+$0x0], $0xffff  }
0x149: {  	v21 =	vcvt.s32.f32 v15  }
0x14a: {  	v29 =	vtrunc.f32 v26  }
0x14b: {  	v28 =	vmul.f32 $5.664062500e-02, v5;
	v12 =	vsub.f32 v54, v21;
	v22 =	vshll.u32 v7, $0x10  }
0x14c: {  	v7 =	vand.u32 $0xFFFF0000, v7;
	v23 =	vshll.u32 v20, $0x10;
	v9 =	vand.u32 $0xFFFF0000, v20  }
0x14d: {  	v24 =	vshll.u32 v8, $0x10;
	v25 =	vshll.u32 v11, $0x10;
	v8 =	vand.u32 $0xFFFF0000, v8  }
0x14e: {  	v11 =	vand.u32 $0xFFFF0000, v11;
	v14 =	vsub.f32 v23, v22;
	v16 =	vsub.f32 v25, v24  }
0x14f: {  	v30 =	vcvt.f32.s32 v29;
	v9 =	vsub.f32 v9, v7;
	v11 =	vsub.f32 v11, v8  }
0x150: {  	v14 =	vmul.f32 v14, v12;
	v16 =	vmul.f32 v16, v12  }
0x151: {  	v9 =	vmul.f32 v9, v12;
	v11 =	vmul.f32 v11, v12  }
0x152: {  	v10 =	vcvt.s32.f32 v56;
	v13 =	vadd.f32 v22, v14;
	v27 =	vadd.f32 v24, v16  }
0x153: {  	v32 =	vor.u32 $0x6, v4;
	v7 =	vadd.f32 v7, v9;
	v8 =	vadd.f32 v8, v11  }
0x154: {  	v33 =	vtrunc.f32 v28;
	v10 =	vsub.f32 v52, v10;
	v31 =	vsub.f32 v27, v13  }
0x155: {  	v34 =	vmul.u32 $0x3A, v30;
	v15 =	vcvt.f32.s32 v33;
	v8 =	vsub.f32 v8, v7  }
0x156: {  	v35 =	vor.u32 $0x7, v4;
	v11 =	vmul.f32 v31, v10  }
0x157: {  	v36 =	vadd.s32 v15, v34;
	v8 =	vmul.f32 v8, v10  }
0x158: {  	v37 =	vadd.s32 $0x1, v36;
	v11 =	vadd.f32 v11, v13  }
0x159: {  	v38 =	vadd.s32 $0x3A, v36;
	v7 =	vadd.f32 v8, v7  }
0x15a: {  	v39 =	vadd.s32 $0x3B, v36;
	[tilespmem:v32+s15+$0x0] =	vst.idx.msk $0xffff, v11  }
0x15b: {  	[tilespmem:v35+s15+$0x0] =	vst.idx.msk $0xffff, v7  }
0x15c: {  	v7 =	vld.idx.msk [tilespmem:v36+s26+$0x0], $0xffff  }
0x15d: {  	v40 =	vld.idx.msk [tilespmem:v37+s26+$0x0], $0xffff  }
0x15e: {  	v8 =	vld.idx.msk [tilespmem:v38+s26+$0x0], $0xffff  }
0x15f: {  	v46 =	vmul.f32 $7.812500000e-02, v6;
	v11 =	vld.idx.msk [tilespmem:v39+s26+$0x0], $0xffff  }
0x160: {  	v41 =	vcvt.s32.f32 v15  }
0x161: {  	v49 =	vtrunc.f32 v46  }
0x162: {  	v48 =	vmul.f32 $7.812500000e-02, v5;
	v12 =	vsub.f32 v28, v41;
	v42 =	vshll.u32 v7, $0x10  }
0x163: {  	v7 =	vand.u32 $0xFFFF0000, v7;
	v43 =	vshll.u32 v40, $0x10;
	v10 =	vand.u32 $0xFFFF0000, v40  }
0x164: {  	v44 =	vshll.u32 v8, $0x10;
	v45 =	vshll.u32 v11, $0x10;
	v8 =	vand.u32 $0xFFFF0000, v8  }
0x165: {  	v11 =	vand.u32 $0xFFFF0000, v11;
	v14 =	vsub.f32 v43, v42;
	v16 =	vsub.f32 v45, v44  }
0x166: {  	v50 =	vcvt.f32.s32 v49;
	v10 =	vsub.f32 v10, v7;
	v11 =	vsub.f32 v11, v8  }
0x167: {  	v14 =	vmul.f32 v14, v12;
	v16 =	vmul.f32 v16, v12  }
0x168: {  	v10 =	vmul.f32 v10, v12;
	v11 =	vmul.f32 v11, v12  }
0x169: {  	v9 =	vcvt.s32.f32 v30;
	v13 =	vadd.f32 v42, v14;
	v47 =	vadd.f32 v44, v16  }
0x16a: {  	v52 =	vor.u32 $0x8, v4;
	v7 =	vadd.f32 v7, v10;
	v8 =	vadd.f32 v8, v11  }
0x16b: {  	v53 =	vtrunc.f32 v48;
	v9 =	vsub.f32 v26, v9;
	v51 =	vsub.f32 v47, v13  }
0x16c: {  	v54 =	vmul.u32 $0x50, v50;
	v15 =	vcvt.f32.s32 v53;
	v8 =	vsub.f32 v8, v7  }
0x16d: {  	v55 =	vor.u32 $0x9, v4;
	v11 =	vmul.f32 v51, v9  }
0x16e: {  	v56 =	vadd.s32 v15, v54;
	v8 =	vmul.f32 v8, v9  }
0x16f: {  	v57 =	vadd.s32 $0x1, v56;
	v11 =	vadd.f32 v11, v13  }
0x170: {  	v58 =	vadd.s32 $0x50, v56;
	v7 =	vadd.f32 v8, v7  }
0x171: {  	v59 =	vadd.s32 $0x51, v56;
	[tilespmem:v52+s15+$0x0] =	vst.idx.msk $0xffff, v11  }
0x172: {  	[tilespmem:v55+s15+$0x0] =	vst.idx.msk $0xffff, v7  }
0x173: {  	v7 =	vld.idx.msk [tilespmem:v56+s28+$0x0], $0xffff  }
0x174: {  	v60 =	vld.idx.msk [tilespmem:v57+s28+$0x0], $0xffff  }
0x175: {  	v8 =	vld.idx.msk [tilespmem:v58+s28+$0x0], $0xffff  }
0x176: {  	v11 =	vld.idx.msk [tilespmem:v59+s28+$0x0], $0xffff  }
0x177: {  	v61 =	vcvt.s32.f32 v15  }
0x178: {  	v22 =	vmul.f32 $1.083984380e-01, v6  }
0x179: {  	v24 =	vmul.f32 $1.083984380e-01, v5;
	v12 =	vsub.f32 v48, v61;
	v62 =	vshll.u32 v7, $0x10  }
0x17a: {  	v7 =	vand.u32 $0xFFFF0000, v7;
	v63 =	vshll.u32 v60, $0x10;
	v9 =	vand.u32 $0xFFFF0000, v60  }
0x17b: {  	v20 =	vshll.u32 v8, $0x10;
	v21 =	vshll.u32 v11, $0x10;
	v8 =	vand.u32 $0xFFFF0000, v8  }
0x17c: {  	v11 =	vand.u32 $0xFFFF0000, v11;
	v14 =	vsub.f32 v63, v62;
	v16 =	vsub.f32 v21, v20  }
0x17d: {  	v25 =	vtrunc.f32 v22;
	v9 =	vsub.f32 v9, v7;
	v11 =	vsub.f32 v11, v8  }
0x17e: {  	v14 =	vmul.f32 v14, v12;
	v16 =	vmul.f32 v16, v12  }
0x17f: {  	v28 =	vor.u32 $0xA, v4;
	v9 =	vmul.f32 v9, v12;
	v11 =	vmul.f32 v11, v12  }
0x180: {  	v10 =	vcvt.s32.f32 v50;
	v13 =	vadd.f32 v62, v14;
	v23 =	vadd.f32 v20, v16  }
0x181: {  	v26 =	vcvt.f32.s32 v25;
	v7 =	vadd.f32 v7, v9;
	v8 =	vadd.f32 v8, v11  }
0x182: {  	v29 =	vtrunc.f32 v24;
	v10 =	vsub.f32 v46, v10;
	v27 =	vsub.f32 v23, v13  }
0x183: {  	v15 =	vcvt.f32.s32 v29;
	v30 =	vmul.u32 $0x6F, v26;
	v8 =	vsub.f32 v8, v7  }
0x184: {  	v31 =	vor.u32 $0xB, v4;
	v11 =	vmul.f32 v27, v10  }
0x185: {  	v32 =	vadd.s32 v15, v30;
	v8 =	vmul.f32 v8, v10  }
0x186: {  	v33 =	vadd.s32 $0x1, v32;
	v11 =	vadd.f32 v11, v13  }
0x187: {  	v34 =	vadd.s32 $0x6F, v32;
	v7 =	vadd.f32 v8, v7  }
0x188: {  	v35 =	vadd.s32 $0x70, v32;
	[tilespmem:v28+s15+$0x0] =	vst.idx.msk $0xffff, v11  }
0x189: {  	[tilespmem:v31+s15+$0x0] =	vst.idx.msk $0xffff, v7  }
0x18a: {  	v7 =	vld.idx.msk [tilespmem:v32+s29+$0x0], $0xffff  }
0x18b: {  	v36 =	vld.idx.msk [tilespmem:v33+s29+$0x0], $0xffff  }
0x18c: {  	v8 =	vld.idx.msk [tilespmem:v34+s29+$0x0], $0xffff  }
0x18d: {  	v11 =	vld.idx.msk [tilespmem:v35+s29+$0x0], $0xffff  }
0x18e: {  	v6 =	vmul.f32 $1.494140630e-01, v6;
	v37 =	vcvt.s32.f32 v15  }
0x18f: {  	v5 =	vmul.f32 $1.494140630e-01, v5  }
0x190: {  	v43 =	vtrunc.f32 v6;
	v12 =	vsub.f32 v24, v37;
	v38 =	vshll.u32 v7, $0x10  }
0x191: {  	v7 =	vand.u32 $0xFFFF0000, v7;
	v39 =	vshll.u32 v36, $0x10;
	v10 =	vand.u32 $0xFFFF0000, v36  }
0x192: {  	v40 =	vshll.u32 v8, $0x10;
	v41 =	vshll.u32 v11, $0x10;
	v8 =	vand.u32 $0xFFFF0000, v8  }
0x193: {  	v11 =	vand.u32 $0xFFFF0000, v11;
	v14 =	vsub.f32 v39, v38;
	v16 =	vsub.f32 v41, v40  }
0x194: {  	v44 =	vcvt.f32.s32 v43;
	v10 =	vsub.f32 v10, v7;
	v11 =	vsub.f32 v11, v8  }
0x195: {  	v14 =	vmul.f32 v14, v12;
	v16 =	vmul.f32 v16, v12  }
0x196: {  	v10 =	vmul.f32 v10, v12;
	v11 =	vmul.f32 v11, v12  }
0x197: {  	v9 =	vcvt.s32.f32 v26;
	v13 =	vadd.f32 v38, v14;
	v42 =	vadd.f32 v40, v16  }
0x198: {  	v46 =	vor.u32 $0xC, v4;
	v7 =	vadd.f32 v7, v10;
	v8 =	vadd.f32 v8, v11  }
0x199: {  	v47 =	vtrunc.f32 v5;
	v9 =	vsub.f32 v22, v9;
	v45 =	vsub.f32 v42, v13  }
0x19a: {  	v48 =	vmul.u32 $0x99, v44;
	v14 =	vcvt.f32.s32 v47;
	v8 =	vsub.f32 v8, v7  }
0x19b: {  	v49 =	vor.u32 $0xD, v4;
	v11 =	vmul.f32 v45, v9  }
0x19c: {  	v50 =	vadd.s32 v14, v48;
	v8 =	vmul.f32 v8, v9  }
0x19d: {  	v51 =	vadd.s32 $0x1, v50;
	v11 =	vadd.f32 v11, v13  }
0x19e: {  	v52 =	vadd.s32 $0x99, v50;
	v7 =	vadd.f32 v8, v7  }
0x19f: {  	v53 =	vadd.s32 $0x9A, v50;
	[tilespmem:v46+s15+$0x0] =	vst.idx.msk $0xffff, v11  }
0x1a0: {  	[tilespmem:v49+s15+$0x0] =	vst.idx.msk $0xffff, v7  }
0x1a1: {  	v7 =	vld.idx.msk [tilespmem:v50+s30+$0x0], $0xffff  }
0x1a2: {  	v54 =	vld.idx.msk [tilespmem:v51+s30+$0x0], $0xffff  }
0x1a3: {  	v8 =	vld.idx.msk [tilespmem:v52+s30+$0x0], $0xffff  }
0x1a4: {  	v11 =	vld.idx.msk [tilespmem:v53+s30+$0x0], $0xffff  }
0x1a5: {  	v55 =	vcvt.s32.f32 v14;
	_ =	sdelay $0x1  }
0x1a6: {  	v5 =	vsub.f32 v5, v55;
	v56 =	vshll.u32 v7, $0x10  }
0x1a7: {  	v7 =	vand.u32 $0xFFFF0000, v7;
	v13 =	vshll.u32 v54, $0x10;
	v9 =	vand.u32 $0xFFFF0000, v54  }
0x1a8: {  	v57 =	vshll.u32 v8, $0x10;
	v8 =	vand.u32 $0xFFFF0000, v8;
	v58 =	vshll.u32 v11, $0x10  }
0x1a9: {  	v11 =	vand.u32 $0xFFFF0000, v11;
	v13 =	vsub.f32 v13, v56;
	v15 =	vsub.f32 v58, v57  }
0x1aa: {  	v9 =	vsub.f32 v9, v7;
	v11 =	vsub.f32 v11, v8  }
0x1ab: {  	v13 =	vmul.f32 v13, v5;
	v15 =	vmul.f32 v15, v5  }
0x1ac: {  	v9 =	vmul.f32 v9, v5;
	v5 =	vmul.f32 v11, v5  }
0x1ad: {  	v10 =	vcvt.s32.f32 v44;
	v59 =	vadd.f32 v56, v13;
	v60 =	vadd.f32 v57, v15  }
0x1ae: {  	v7 =	vadd.f32 v7, v9;
	v5 =	vadd.f32 v8, v5  }
0x1af: {  	v6 =	vsub.f32 v6, v10;
	v61 =	vsub.f32 v60, v59  }
0x1b0: {  	v62 =	vor.u32 $0xE, v4;
	v5 =	vsub.f32 v5, v7  }
0x1b1: {  	p1 =	sne.s32 s16, $0xF0;
	v4 =	vor.u32 $0xF, v4;
	v8 =	vmul.f32 v61, v6  }
.Ltmp2:
0x1b2: {  	v5 =	vmul.f32 v5, v6;
	(pc) =	sbr.rel @p1 .LBB2_7-.Ltmp2, $4  }
0x1b3: {  	v63 =	vadd.f32 v8, v59  }
0x1b4: {  	v5 =	vadd.f32 v5, v7  }
0x1b5: {  	[tilespmem:v62+s15+$0x0] =	vst.idx.msk $0xffff, v63  }
0x1b6: {  	s17 =	sadd.s32 $0x10, s17;
	s16 =	sadd.s32 $0x10, s16;
	[tilespmem:v4+s15+$0x0] =	vst.idx.msk $0xffff, v5  }
0x1b7: {  	s3 =	simm.s32 $0x0  }
0x1b8: {  	v4 =	vor.u32 s3, v0  }
0x1b9: {  	v5 =	vshll.u32 v4, $0x2  }
0x1ba: {  	s16 =	simm.s32 $0x1;
	v6 =	vor.u32 $0x1, v5  }
0x1bb: {  	_ =	swait.ge [sflag:s16], $0x400;
	v7 =	vor.u32 $0x2, v5  }
0x1bc: {  	[sflag:s16] =	ssyncset.done $0x0;
	v8 =	vor.u32 $0x3, v5  }
0x1bd: {  	[sflag:s16] =	ssyncadd.s32 $0xFFFFFC00  }
0x1be: {  	v5 =	vld.idx.msk [tilespmem:v5+s10+$0x0], $0xffff  }
0x1bf: {  	v6 =	vld.idx.msk [tilespmem:v6+s10+$0x0], $0xffff  }
0x1c0: {  	v7 =	vld.idx.msk [tilespmem:v7+s10+$0x0], $0xffff  }
0x1c1: {  	v8 =	vld.idx.msk [tilespmem:v8+s10+$0x0], $0xffff  }
0x1c2: {  	s3 =	sand.u32 $0xF0, s3  }
0x1c3: {  	v10 =	vld [tilespmem:s3+$0x4500]  }
0x1c4: {  	v9 =	vand.u32 $0xFFFF0000, v5;
	v5 =	vshll.u32 v5, $0x10  }
0x1c5: {  	v11 =	vand.u32 $0xFFFF0000, v6;
	v12 =	vand.u32 $0xFFFF0000, v7;
	v6 =	vshll.u32 v6, $0x10  }
0x1c6: {  	v13 =	vshll.u32 v8, $0x10;
	v8 =	vand.u32 $0xFFFF0000, v8;
	v6 =	vsub.f32 v6, v5  }
0x1c7: {  	v7 =	vshll.u32 v7, $0x10;
	v11 =	vsub.f32 v11, v9;
	v8 =	vsub.f32 v8, v12  }
0x1c8: {  	v13 =	vsub.f32 v13, v7;
	v6 =	vmul.f32 v6, v10  }
0x1c9: {  	s16 =	simm.s32 $0x4400;
	v11 =	vmul.f32 v11, v10;
	v8 =	vmul.f32 v8, v10  }
0x1ca: {  	v13 =	vmul.f32 v13, v10;
	v10 =	vld [tilespmem:s16+$0x0];
	v14 =	vadd.f32 v5, v6  }
0x1cb: {  	v11 =	vadd.f32 v9, v11;
	v6 =	vadd.f32 v12, v8  }
0x1cc: {  	v5 =	vadd.f32 v7, v13  }
0x1cd: {  	v6 =	vsub.f32 v6, v11  }
0x1ce: {  	v7 =	vshll.u32 v4, $0x7;
	v5 =	vsub.f32 v5, v14  }
0x1cf: {  	s17 =	simm.s32 $0x10;
	v63 =	vmul.f32 v6, v10;
	v6 =	vor.u32 $0x10, v7  }
0x1d0: {  	v4 =	vor.u32 s17, v0;
	v9 =	vmul.f32 v5, v10;
	v7 =	vor.u32 $0x11, v7  }
0x1d1: {  	v5 =	vshll.u32 v4, $0x2  }
0x1d2: {  	v8 =	vor.u32 $0x1, v5;
	v10 =	vadd.f32 v9, v14  }
0x1d3: {  	s18 =	simm.s32 $0x20;
	v9 =	vor.u32 $0x2, v5;
	v11 =	vadd.f32 v63, v11  }
.LBB2_9:
0x1d4: {  	p1 =	sne.s32 s18, $0xF0;
	v12 =	vor.u32 $0x3, v5;
	[tilespmem:v6+s15+$0x0] =	vst.idx.msk $0xffff, v10  }
0x1d5: {  	[tilespmem:v7+s15+$0x0] =	vst.idx.msk $0xffff, v11  }
0x1d6: {  	v5 =	vld.idx.msk [tilespmem:v5+s10+$0x0], $0xffff  }
0x1d7: {  	v6 =	vld.idx.msk [tilespmem:v8+s10+$0x0], $0xffff  }
0x1d8: {  	v7 =	vld.idx.msk [tilespmem:v9+s10+$0x0], $0xffff  }
0x1d9: {  	v8 =	vld.idx.msk [tilespmem:v12+s10+$0x0], $0xffff;
	_ =	sdelay $0x2  }
0x1da: {  	s3 =	sand.u32 $0xF0, s17;
	s17 =	smov.u32 s18;
	v9 =	vand.u32 $0xFFFF0000, v5  }
0x1db: {  	v11 =	vand.u32 $0xFFFF0000, v6;
	v10 =	vld [tilespmem:s3+$0x4500]  }
0x1dc: {  	v5 =	vshll.u32 v5, $0x10;
	v12 =	vand.u32 $0xFFFF0000, v7  }
0x1dd: {  	v6 =	vshll.u32 v6, $0x10;
	v7 =	vshll.u32 v7, $0x10;
	v13 =	vshll.u32 v8, $0x10  }
0x1de: {  	v6 =	vsub.f32 v6, v5;
	v8 =	vand.u32 $0xFFFF0000, v8;
	v13 =	vsub.f32 v13, v7  }
0x1df: {  	v11 =	vsub.f32 v11, v9;
	v8 =	vsub.f32 v8, v12  }
0x1e0: {  	s16 =	sadd.s32 $0x10, s16;
	v6 =	vmul.f32 v6, v10;
	v13 =	vmul.f32 v13, v10  }
0x1e1: {  	v11 =	vmul.f32 v11, v10;
	v8 =	vmul.f32 v8, v10;
	v14 =	vld [tilespmem:s16+$0x0]  }
0x1e2: {  	v10 =	vadd.f32 v5, v6;
	v5 =	vadd.f32 v7, v13  }
0x1e3: {  	v11 =	vadd.f32 v9, v11;
	v7 =	vadd.f32 v12, v8  }
0x1e4: {  	v8 =	vshll.u32 v4, $0x7;
	v5 =	vsub.f32 v5, v10  }
.Ltmp3:
0x1e5: {  	v6 =	vor.u32 $0x10, v8;
	v9 =	vsub.f32 v7, v11;
	(pc) =	sbr.rel @p1 .LBB2_9-.Ltmp3, $4  }
0x1e6: {  	v4 =	vor.u32 s18, v0;
	v7 =	vor.u32 $0x11, v8;
	v12 =	vmul.f32 v5, v14  }
0x1e7: {  	v5 =	vshll.u32 v4, $0x2;
	v13 =	vmul.f32 v9, v14  }
0x1e8: {  	v8 =	vor.u32 $0x1, v5;
	v10 =	vadd.f32 v12, v10  }
0x1e9: {  	s18 =	sadd.s32 $0x10, s18;
	v9 =	vor.u32 $0x2, v5;
	v11 =	vadd.f32 v13, v11  }
0x1ea: {  	_ =	sdelay $0x3  }
0x1eb: {  	v12 =	vor.u32 $0x3, v5;
	[tilespmem:v6+s15+$0x0] =	vst.idx.msk $0xffff, v10  }
0x1ec: {  	[tilespmem:v7+s15+$0x0] =	vst.idx.msk $0xffff, v11  }
0x1ed: {  	v5 =	vld.idx.msk [tilespmem:v5+s10+$0x0], $0xffff  }
0x1ee: {  	v6 =	vld.idx.msk [tilespmem:v8+s10+$0x0], $0xffff  }
0x1ef: {  	v7 =	vld.idx.msk [tilespmem:v9+s10+$0x0], $0xffff  }
0x1f0: {  	v8 =	vld.idx.msk [tilespmem:v12+s10+$0x0], $0xffff;
	_ =	sdelay $0x1  }
0x1f1: {  	s3 =	sand.u32 $0xF0, s17  }
0x1f2: {  	v10 =	vld [tilespmem:s3+$0x4500];
	v9 =	vand.u32 $0xFFFF0000, v5  }
0x1f3: {  	v11 =	vand.u32 $0xFFFF0000, v6;
	v5 =	vshll.u32 v5, $0x10;
	v59 =	vand.u32 $0xFFFF0000, v7  }
0x1f4: {  	v6 =	vshll.u32 v6, $0x10;
	v7 =	vshll.u32 v7, $0x10;
	v13 =	vshll.u32 v8, $0x10  }
0x1f5: {  	v6 =	vsub.f32 v6, v5;
	v8 =	vand.u32 $0xFFFF0000, v8;
	v13 =	vsub.f32 v13, v7  }
0x1f6: {  	v11 =	vsub.f32 v11, v9;
	v8 =	vsub.f32 v8, v59  }
0x1f7: {  	s17 =	sadd.s32 $0x10, s16;
	v6 =	vmul.f32 v6, v10;
	v13 =	vmul.f32 v13, v10  }
0x1f8: {  	v14 =	vld [tilespmem:s17+$0x0];
	v11 =	vmul.f32 v11, v10;
	v8 =	vmul.f32 v8, v10  }
0x1f9: {  	v5 =	vadd.f32 v5, v6;
	v6 =	vadd.f32 v7, v13  }
0x1fa: {  	v7 =	vadd.f32 v9, v11;
	v8 =	vadd.f32 v59, v8  }
0x1fb: {  	v4 =	vshll.u32 v4, $0x7;
	v6 =	vsub.f32 v6, v5  }
0x1fc: {  	v9 =	vor.u32 $0x10, v4;
	v8 =	vsub.f32 v8, v7  }
0x1fd: {  	v4 =	vor.u32 $0x11, v4;
	v6 =	vmul.f32 v6, v14  }
0x1fe: {  	v8 =	vmul.f32 v8, v14  }
0x1ff: {  	s18 =	simm.s32 $0x0;
	v5 =	vadd.f32 v6, v5  }
0x200: {  	v6 =	vadd.f32 v8, v7;
	v7 =	vor.u32 s18, v0  }
0x201: {  	[tilespmem:v9+s15+$0x0] =	vst.idx.msk $0xffff, v5;
	v5 =	vshll.u32 v7, $0x2  }
0x202: {  	s22 =	simm.s32 $0x2;
	[tilespmem:v4+s15+$0x0] =	vst.idx.msk $0xffff, v6;
	v4 =	vor.u32 $0x1, v5  }
0x203: {  	v6 =	vor.u32 $0x2, v5;
	_ =	swait.ge [sflag:s22], $0x400  }
0x204: {  	v8 =	vor.u32 $0x3, v5;
	[sflag:s22] =	ssyncset.done $0x0  }
0x205: {  	[sflag:s22] =	ssyncadd.s32 $0xFFFFFC00  }
0x206: {  	v5 =	vld.idx.msk [tilespmem:v5+s11+$0x0], $0xffff  }
0x207: {  	v4 =	vld.idx.msk [tilespmem:v4+s11+$0x0], $0xffff  }
0x208: {  	v6 =	vld.idx.msk [tilespmem:v6+s11+$0x0], $0xffff  }
0x209: {  	v8 =	vld.idx.msk [tilespmem:v8+s11+$0x0], $0xffff;
	_ =	sdelay $0x1  }
0x20a: {  	s3 =	sand.u32 $0xF0, s18  }
0x20b: {  	v10 =	vld [tilespmem:s3+$0x4700];
	v9 =	vand.u32 $0xFFFF0000, v5  }
0x20c: {  	v5 =	vshll.u32 v5, $0x10;
	v11 =	vand.u32 $0xFFFF0000, v4;
	v60 =	vand.u32 $0xFFFF0000, v6  }
0x20d: {  	v4 =	vshll.u32 v4, $0x10;
	v6 =	vshll.u32 v6, $0x10;
	v61 =	vshll.u32 v8, $0x10  }
0x20e: {  	v8 =	vand.u32 $0xFFFF0000, v8;
	v4 =	vsub.f32 v4, v5;
	v13 =	vsub.f32 v61, v6  }
0x20f: {  	v11 =	vsub.f32 v11, v9;
	v8 =	vsub.f32 v8, v60  }
0x210: {  	s16 =	simm.s32 $0x4600;
	v4 =	vmul.f32 v4, v10;
	v13 =	vmul.f32 v13, v10  }
0x211: {  	v11 =	vmul.f32 v11, v10;
	v8 =	vmul.f32 v8, v10;
	v10 =	vld [tilespmem:s16+$0x0]  }
0x212: {  	v62 =	vadd.f32 v5, v4;
	v4 =	vadd.f32 v6, v13  }
0x213: {  	v11 =	vadd.f32 v9, v11  }
0x214: {  	v5 =	vadd.f32 v60, v8;
	v6 =	vsub.f32 v4, v62  }
0x215: {  	v7 =	vshll.u32 v7, $0x7  }
0x216: {  	s17 =	simm.s32 $0x10;
	v8 =	vsub.f32 v5, v11;
	v9 =	vmul.f32 v6, v10;
	v6 =	vor.u32 $0x12, v7  }
0x217: {  	v4 =	vor.u32 s17, v0;
	v7 =	vor.u32 $0x13, v7  }
0x218: {  	v5 =	vshll.u32 v4, $0x2;
	v63 =	vmul.f32 v8, v10  }
0x219: {  	v8 =	vor.u32 $0x1, v5;
	v10 =	vadd.f32 v9, v62  }
0x21a: {  	s18 =	simm.s32 $0x20;
	v9 =	vor.u32 $0x2, v5;
	v11 =	vadd.f32 v63, v11  }
.LBB2_11:
0x21b: {  	p1 =	sne.s32 s18, $0xF0;
	v12 =	vor.u32 $0x3, v5;
	[tilespmem:v6+s15+$0x0] =	vst.idx.msk $0xffff, v10  }
0x21c: {  	[tilespmem:v7+s15+$0x0] =	vst.idx.msk $0xffff, v11  }
0x21d: {  	v5 =	vld.idx.msk [tilespmem:v5+s11+$0x0], $0xffff  }
0x21e: {  	v6 =	vld.idx.msk [tilespmem:v8+s11+$0x0], $0xffff  }
0x21f: {  	v7 =	vld.idx.msk [tilespmem:v9+s11+$0x0], $0xffff  }
0x220: {  	v8 =	vld.idx.msk [tilespmem:v12+s11+$0x0], $0xffff;
	_ =	sdelay $0x2  }
0x221: {  	s3 =	sand.u32 $0xF0, s17;
	s17 =	smov.u32 s18;
	v9 =	vand.u32 $0xFFFF0000, v5  }
0x222: {  	v11 =	vand.u32 $0xFFFF0000, v6;
	v10 =	vld [tilespmem:s3+$0x4700]  }
0x223: {  	v5 =	vshll.u32 v5, $0x10;
	v12 =	vand.u32 $0xFFFF0000, v7  }
0x224: {  	v6 =	vshll.u32 v6, $0x10;
	v7 =	vshll.u32 v7, $0x10;
	v13 =	vshll.u32 v8, $0x10  }
0x225: {  	v6 =	vsub.f32 v6, v5;
	v8 =	vand.u32 $0xFFFF0000, v8;
	v13 =	vsub.f32 v13, v7  }
0x226: {  	v11 =	vsub.f32 v11, v9;
	v8 =	vsub.f32 v8, v12  }
0x227: {  	s16 =	sadd.s32 $0x10, s16;
	v6 =	vmul.f32 v6, v10;
	v13 =	vmul.f32 v13, v10  }
0x228: {  	v11 =	vmul.f32 v11, v10;
	v8 =	vmul.f32 v8, v10;
	v14 =	vld [tilespmem:s16+$0x0]  }
0x229: {  	v10 =	vadd.f32 v5, v6;
	v5 =	vadd.f32 v7, v13  }
0x22a: {  	v11 =	vadd.f32 v9, v11;
	v7 =	vadd.f32 v12, v8  }
0x22b: {  	v8 =	vshll.u32 v4, $0x7;
	v5 =	vsub.f32 v5, v10  }
.Ltmp4:
0x22c: {  	v6 =	vor.u32 $0x12, v8;
	v9 =	vsub.f32 v7, v11;
	(pc) =	sbr.rel @p1 .LBB2_11-.Ltmp4, $4  }
0x22d: {  	v4 =	vor.u32 s18, v0;
	v7 =	vor.u32 $0x13, v8;
	v12 =	vmul.f32 v5, v14  }
0x22e: {  	v5 =	vshll.u32 v4, $0x2;
	v13 =	vmul.f32 v9, v14  }
0x22f: {  	v8 =	vor.u32 $0x1, v5;
	v10 =	vadd.f32 v12, v10  }
0x230: {  	s18 =	sadd.s32 $0x10, s18;
	v9 =	vor.u32 $0x2, v5;
	v11 =	vadd.f32 v13, v11  }
0x231: {  	_ =	sdelay $0x3  }
0x232: {  	v12 =	vor.u32 $0x3, v5;
	[tilespmem:v6+s15+$0x0] =	vst.idx.msk $0xffff, v10  }
0x233: {  	[tilespmem:v7+s15+$0x0] =	vst.idx.msk $0xffff, v11  }
0x234: {  	v5 =	vld.idx.msk [tilespmem:v5+s11+$0x0], $0xffff  }
0x235: {  	v6 =	vld.idx.msk [tilespmem:v8+s11+$0x0], $0xffff  }
0x236: {  	v7 =	vld.idx.msk [tilespmem:v9+s11+$0x0], $0xffff  }
0x237: {  	v8 =	vld.idx.msk [tilespmem:v12+s11+$0x0], $0xffff;
	_ =	sdelay $0x1  }
0x238: {  	s3 =	sand.u32 $0xF0, s17  }
0x239: {  	v10 =	vld [tilespmem:s3+$0x4700];
	v9 =	vand.u32 $0xFFFF0000, v5  }
0x23a: {  	v11 =	vand.u32 $0xFFFF0000, v6;
	v5 =	vshll.u32 v5, $0x10;
	v59 =	vand.u32 $0xFFFF0000, v7  }
0x23b: {  	v6 =	vshll.u32 v6, $0x10;
	v7 =	vshll.u32 v7, $0x10;
	v13 =	vshll.u32 v8, $0x10  }
0x23c: {  	v6 =	vsub.f32 v6, v5;
	v8 =	vand.u32 $0xFFFF0000, v8;
	v13 =	vsub.f32 v13, v7  }
0x23d: {  	v11 =	vsub.f32 v11, v9;
	v8 =	vsub.f32 v8, v59  }
0x23e: {  	s17 =	sadd.s32 $0x10, s16;
	v6 =	vmul.f32 v6, v10;
	v13 =	vmul.f32 v13, v10  }
0x23f: {  	v14 =	vld [tilespmem:s17+$0x0];
	v11 =	vmul.f32 v11, v10;
	v8 =	vmul.f32 v8, v10  }
0x240: {  	v5 =	vadd.f32 v5, v6;
	v6 =	vadd.f32 v7, v13  }
0x241: {  	v7 =	vadd.f32 v9, v11;
	v8 =	vadd.f32 v59, v8  }
0x242: {  	v4 =	vshll.u32 v4, $0x7;
	v6 =	vsub.f32 v6, v5  }
0x243: {  	v9 =	vor.u32 $0x12, v4;
	v8 =	vsub.f32 v8, v7  }
0x244: {  	v4 =	vor.u32 $0x13, v4;
	v6 =	vmul.f32 v6, v14  }
0x245: {  	v8 =	vmul.f32 v8, v14  }
0x246: {  	s18 =	simm.s32 $0x0;
	v5 =	vadd.f32 v6, v5  }
0x247: {  	v6 =	vadd.f32 v8, v7;
	v7 =	vor.u32 s18, v0  }
0x248: {  	[tilespmem:v9+s15+$0x0] =	vst.idx.msk $0xffff, v5;
	v5 =	vshll.u32 v7, $0x2  }
0x249: {  	s22 =	simm.s32 $0x3;
	[tilespmem:v4+s15+$0x0] =	vst.idx.msk $0xffff, v6;
	v4 =	vor.u32 $0x1, v5  }
0x24a: {  	v6 =	vor.u32 $0x2, v5;
	_ =	swait.ge [sflag:s22], $0x400  }
0x24b: {  	v8 =	vor.u32 $0x3, v5;
	[sflag:s22] =	ssyncset.done $0x0  }
0x24c: {  	[sflag:s22] =	ssyncadd.s32 $0xFFFFFC00  }
0x24d: {  	v5 =	vld.idx.msk [tilespmem:v5+s12+$0x0], $0xffff  }
0x24e: {  	v4 =	vld.idx.msk [tilespmem:v4+s12+$0x0], $0xffff  }
0x24f: {  	v6 =	vld.idx.msk [tilespmem:v6+s12+$0x0], $0xffff  }
0x250: {  	v8 =	vld.idx.msk [tilespmem:v8+s12+$0x0], $0xffff;
	_ =	sdelay $0x1  }
0x251: {  	s3 =	sand.u32 $0xF0, s18  }
0x252: {  	v10 =	vld [tilespmem:s3+$0x4900];
	v9 =	vand.u32 $0xFFFF0000, v5  }
0x253: {  	v5 =	vshll.u32 v5, $0x10;
	v11 =	vand.u32 $0xFFFF0000, v4;
	v60 =	vand.u32 $0xFFFF0000, v6  }
0x254: {  	v4 =	vshll.u32 v4, $0x10;
	v6 =	vshll.u32 v6, $0x10;
	v61 =	vshll.u32 v8, $0x10  }
0x255: {  	v8 =	vand.u32 $0xFFFF0000, v8;
	v4 =	vsub.f32 v4, v5;
	v13 =	vsub.f32 v61, v6  }
0x256: {  	v11 =	vsub.f32 v11, v9;
	v8 =	vsub.f32 v8, v60  }
0x257: {  	s16 =	simm.s32 $0x4800;
	v4 =	vmul.f32 v4, v10;
	v13 =	vmul.f32 v13, v10  }
0x258: {  	v11 =	vmul.f32 v11, v10;
	v8 =	vmul.f32 v8, v10;
	v10 =	vld [tilespmem:s16+$0x0]  }
0x259: {  	v62 =	vadd.f32 v5, v4;
	v4 =	vadd.f32 v6, v13  }
0x25a: {  	v11 =	vadd.f32 v9, v11  }
0x25b: {  	v5 =	vadd.f32 v60, v8;
	v6 =	vsub.f32 v4, v62  }
0x25c: {  	v7 =	vshll.u32 v7, $0x7  }
0x25d: {  	s17 =	simm.s32 $0x10;
	v8 =	vsub.f32 v5, v11;
	v9 =	vmul.f32 v6, v10;
	v6 =	vor.u32 $0x14, v7  }
0x25e: {  	v4 =	vor.u32 s17, v0;
	v7 =	vor.u32 $0x15, v7  }
0x25f: {  	v5 =	vshll.u32 v4, $0x2;
	v63 =	vmul.f32 v8, v10  }
0x260: {  	v8 =	vor.u32 $0x1, v5;
	v10 =	vadd.f32 v9, v62  }
0x261: {  	s18 =	simm.s32 $0x20;
	v9 =	vor.u32 $0x2, v5;
	v11 =	vadd.f32 v63, v11  }
.LBB2_13:
0x262: {  	p1 =	sne.s32 s18, $0xF0;
	v12 =	vor.u32 $0x3, v5;
	[tilespmem:v6+s15+$0x0] =	vst.idx.msk $0xffff, v10  }
0x263: {  	[tilespmem:v7+s15+$0x0] =	vst.idx.msk $0xffff, v11  }
0x264: {  	v5 =	vld.idx.msk [tilespmem:v5+s12+$0x0], $0xffff  }
0x265: {  	v6 =	vld.idx.msk [tilespmem:v8+s12+$0x0], $0xffff  }
0x266: {  	v7 =	vld.idx.msk [tilespmem:v9+s12+$0x0], $0xffff  }
0x267: {  	v8 =	vld.idx.msk [tilespmem:v12+s12+$0x0], $0xffff;
	_ =	sdelay $0x2  }
0x268: {  	s3 =	sand.u32 $0xF0, s17;
	s17 =	smov.u32 s18;
	v9 =	vand.u32 $0xFFFF0000, v5  }
0x269: {  	v11 =	vand.u32 $0xFFFF0000, v6;
	v10 =	vld [tilespmem:s3+$0x4900]  }
0x26a: {  	v5 =	vshll.u32 v5, $0x10;
	v12 =	vand.u32 $0xFFFF0000, v7  }
0x26b: {  	v6 =	vshll.u32 v6, $0x10;
	v7 =	vshll.u32 v7, $0x10;
	v13 =	vshll.u32 v8, $0x10  }
0x26c: {  	v6 =	vsub.f32 v6, v5;
	v8 =	vand.u32 $0xFFFF0000, v8;
	v13 =	vsub.f32 v13, v7  }
0x26d: {  	v11 =	vsub.f32 v11, v9;
	v8 =	vsub.f32 v8, v12  }
0x26e: {  	s16 =	sadd.s32 $0x10, s16;
	v6 =	vmul.f32 v6, v10;
	v13 =	vmul.f32 v13, v10  }
0x26f: {  	v11 =	vmul.f32 v11, v10;
	v8 =	vmul.f32 v8, v10;
	v14 =	vld [tilespmem:s16+$0x0]  }
0x270: {  	v10 =	vadd.f32 v5, v6;
	v5 =	vadd.f32 v7, v13  }
0x271: {  	v11 =	vadd.f32 v9, v11;
	v7 =	vadd.f32 v12, v8  }
0x272: {  	v8 =	vshll.u32 v4, $0x7;
	v5 =	vsub.f32 v5, v10  }
.Ltmp5:
0x273: {  	v6 =	vor.u32 $0x14, v8;
	v9 =	vsub.f32 v7, v11;
	(pc) =	sbr.rel @p1 .LBB2_13-.Ltmp5, $4  }
0x274: {  	v4 =	vor.u32 s18, v0;
	v7 =	vor.u32 $0x15, v8;
	v12 =	vmul.f32 v5, v14  }
0x275: {  	v5 =	vshll.u32 v4, $0x2;
	v13 =	vmul.f32 v9, v14  }
0x276: {  	v8 =	vor.u32 $0x1, v5;
	v10 =	vadd.f32 v12, v10  }
0x277: {  	s18 =	sadd.s32 $0x10, s18;
	v9 =	vor.u32 $0x2, v5;
	v11 =	vadd.f32 v13, v11  }
0x278: {  	_ =	sdelay $0x3  }
0x279: {  	v12 =	vor.u32 $0x3, v5;
	[tilespmem:v6+s15+$0x0] =	vst.idx.msk $0xffff, v10  }
0x27a: {  	[tilespmem:v7+s15+$0x0] =	vst.idx.msk $0xffff, v11  }
0x27b: {  	v5 =	vld.idx.msk [tilespmem:v5+s12+$0x0], $0xffff  }
0x27c: {  	v6 =	vld.idx.msk [tilespmem:v8+s12+$0x0], $0xffff  }
0x27d: {  	v7 =	vld.idx.msk [tilespmem:v9+s12+$0x0], $0xffff  }
0x27e: {  	v8 =	vld.idx.msk [tilespmem:v12+s12+$0x0], $0xffff;
	_ =	sdelay $0x1  }
0x27f: {  	s3 =	sand.u32 $0xF0, s17  }
0x280: {  	v10 =	vld [tilespmem:s3+$0x4900];
	v9 =	vand.u32 $0xFFFF0000, v5  }
0x281: {  	v11 =	vand.u32 $0xFFFF0000, v6;
	v5 =	vshll.u32 v5, $0x10;
	v59 =	vand.u32 $0xFFFF0000, v7  }
0x282: {  	v6 =	vshll.u32 v6, $0x10;
	v7 =	vshll.u32 v7, $0x10;
	v13 =	vshll.u32 v8, $0x10  }
0x283: {  	v6 =	vsub.f32 v6, v5;
	v8 =	vand.u32 $0xFFFF0000, v8;
	v13 =	vsub.f32 v13, v7  }
0x284: {  	v11 =	vsub.f32 v11, v9;
	v8 =	vsub.f32 v8, v59  }
0x285: {  	s17 =	sadd.s32 $0x10, s16;
	v6 =	vmul.f32 v6, v10;
	v13 =	vmul.f32 v13, v10  }
0x286: {  	v14 =	vld [tilespmem:s17+$0x0];
	v11 =	vmul.f32 v11, v10;
	v8 =	vmul.f32 v8, v10  }
0x287: {  	v5 =	vadd.f32 v5, v6;
	v6 =	vadd.f32 v7, v13  }
0x288: {  	v7 =	vadd.f32 v9, v11;
	v8 =	vadd.f32 v59, v8  }
0x289: {  	v4 =	vshll.u32 v4, $0x7;
	v6 =	vsub.f32 v6, v5  }
0x28a: {  	v9 =	vor.u32 $0x14, v4;
	v8 =	vsub.f32 v8, v7  }
0x28b: {  	v4 =	vor.u32 $0x15, v4;
	v6 =	vmul.f32 v6, v14  }
0x28c: {  	v8 =	vmul.f32 v8, v14  }
0x28d: {  	s18 =	simm.s32 $0x0;
	v5 =	vadd.f32 v6, v5  }
0x28e: {  	v6 =	vadd.f32 v8, v7;
	v7 =	vor.u32 s18, v0  }
0x28f: {  	[tilespmem:v9+s15+$0x0] =	vst.idx.msk $0xffff, v5;
	v5 =	vshll.u32 v7, $0x2  }
0x290: {  	s22 =	simm.s32 $0x4;
	[tilespmem:v4+s15+$0x0] =	vst.idx.msk $0xffff, v6;
	v4 =	vor.u32 $0x1, v5  }
0x291: {  	v6 =	vor.u32 $0x2, v5;
	_ =	swait.ge [sflag:s22], $0x400  }
0x292: {  	v8 =	vor.u32 $0x3, v5;
	[sflag:s22] =	ssyncset.done $0x0  }
0x293: {  	[sflag:s22] =	ssyncadd.s32 $0xFFFFFC00  }
0x294: {  	v5 =	vld.idx.msk [tilespmem:v5+s20+$0x0], $0xffff  }
0x295: {  	v4 =	vld.idx.msk [tilespmem:v4+s20+$0x0], $0xffff  }
0x296: {  	v6 =	vld.idx.msk [tilespmem:v6+s20+$0x0], $0xffff  }
0x297: {  	v8 =	vld.idx.msk [tilespmem:v8+s20+$0x0], $0xffff;
	_ =	sdelay $0x1  }
0x298: {  	s3 =	sand.u32 $0xF0, s18  }
0x299: {  	v10 =	vld [tilespmem:s3+$0x4B00];
	v9 =	vand.u32 $0xFFFF0000, v5  }
0x29a: {  	v5 =	vshll.u32 v5, $0x10;
	v11 =	vand.u32 $0xFFFF0000, v4;
	v60 =	vand.u32 $0xFFFF0000, v6  }
0x29b: {  	v4 =	vshll.u32 v4, $0x10;
	v6 =	vshll.u32 v6, $0x10;
	v61 =	vshll.u32 v8, $0x10  }
0x29c: {  	v8 =	vand.u32 $0xFFFF0000, v8;
	v4 =	vsub.f32 v4, v5;
	v13 =	vsub.f32 v61, v6  }
0x29d: {  	v11 =	vsub.f32 v11, v9;
	v8 =	vsub.f32 v8, v60  }
0x29e: {  	s16 =	simm.s32 $0x4A00;
	v4 =	vmul.f32 v4, v10;
	v13 =	vmul.f32 v13, v10  }
0x29f: {  	v11 =	vmul.f32 v11, v10;
	v8 =	vmul.f32 v8, v10;
	v10 =	vld [tilespmem:s16+$0x0]  }
0x2a0: {  	v62 =	vadd.f32 v5, v4;
	v4 =	vadd.f32 v6, v13  }
0x2a1: {  	v11 =	vadd.f32 v9, v11  }
0x2a2: {  	v5 =	vadd.f32 v60, v8;
	v6 =	vsub.f32 v4, v62  }
0x2a3: {  	v7 =	vshll.u32 v7, $0x7  }
0x2a4: {  	s17 =	simm.s32 $0x10;
	v8 =	vsub.f32 v5, v11;
	v9 =	vmul.f32 v6, v10;
	v6 =	vor.u32 $0x16, v7  }
0x2a5: {  	v4 =	vor.u32 s17, v0;
	v7 =	vor.u32 $0x17, v7  }
0x2a6: {  	v5 =	vshll.u32 v4, $0x2;
	v63 =	vmul.f32 v8, v10  }
0x2a7: {  	v8 =	vor.u32 $0x1, v5;
	v10 =	vadd.f32 v9, v62  }
0x2a8: {  	s18 =	simm.s32 $0x20;
	v9 =	vor.u32 $0x2, v5;
	v11 =	vadd.f32 v63, v11  }
.LBB2_15:
0x2a9: {  	p1 =	sne.s32 s18, $0xF0;
	v12 =	vor.u32 $0x3, v5;
	[tilespmem:v6+s15+$0x0] =	vst.idx.msk $0xffff, v10  }
0x2aa: {  	[tilespmem:v7+s15+$0x0] =	vst.idx.msk $0xffff, v11  }
0x2ab: {  	v5 =	vld.idx.msk [tilespmem:v5+s20+$0x0], $0xffff  }
0x2ac: {  	v6 =	vld.idx.msk [tilespmem:v8+s20+$0x0], $0xffff  }
0x2ad: {  	v7 =	vld.idx.msk [tilespmem:v9+s20+$0x0], $0xffff  }
0x2ae: {  	v8 =	vld.idx.msk [tilespmem:v12+s20+$0x0], $0xffff;
	_ =	sdelay $0x2  }
0x2af: {  	s3 =	sand.u32 $0xF0, s17;
	s17 =	smov.u32 s18;
	v9 =	vand.u32 $0xFFFF0000, v5  }
0x2b0: {  	v11 =	vand.u32 $0xFFFF0000, v6;
	v10 =	vld [tilespmem:s3+$0x4B00]  }
0x2b1: {  	v5 =	vshll.u32 v5, $0x10;
	v12 =	vand.u32 $0xFFFF0000, v7  }
0x2b2: {  	v6 =	vshll.u32 v6, $0x10;
	v7 =	vshll.u32 v7, $0x10;
	v13 =	vshll.u32 v8, $0x10  }
0x2b3: {  	v6 =	vsub.f32 v6, v5;
	v8 =	vand.u32 $0xFFFF0000, v8;
	v13 =	vsub.f32 v13, v7  }
0x2b4: {  	v11 =	vsub.f32 v11, v9;
	v8 =	vsub.f32 v8, v12  }
0x2b5: {  	s16 =	sadd.s32 $0x10, s16;
	v6 =	vmul.f32 v6, v10;
	v13 =	vmul.f32 v13, v10  }
0x2b6: {  	v11 =	vmul.f32 v11, v10;
	v8 =	vmul.f32 v8, v10;
	v14 =	vld [tilespmem:s16+$0x0]  }
0x2b7: {  	v10 =	vadd.f32 v5, v6;
	v5 =	vadd.f32 v7, v13  }
0x2b8: {  	v11 =	vadd.f32 v9, v11;
	v7 =	vadd.f32 v12, v8  }
0x2b9: {  	v8 =	vshll.u32 v4, $0x7;
	v5 =	vsub.f32 v5, v10  }
.Ltmp6:
0x2ba: {  	v6 =	vor.u32 $0x16, v8;
	v9 =	vsub.f32 v7, v11;
	(pc) =	sbr.rel @p1 .LBB2_15-.Ltmp6, $4  }
0x2bb: {  	v4 =	vor.u32 s18, v0;
	v7 =	vor.u32 $0x17, v8;
	v12 =	vmul.f32 v5, v14  }
0x2bc: {  	v5 =	vshll.u32 v4, $0x2;
	v13 =	vmul.f32 v9, v14  }
0x2bd: {  	v8 =	vor.u32 $0x1, v5;
	v10 =	vadd.f32 v12, v10  }
0x2be: {  	s18 =	sadd.s32 $0x10, s18;
	v9 =	vor.u32 $0x2, v5;
	v11 =	vadd.f32 v13, v11  }
0x2bf: {  	_ =	sdelay $0x3  }
0x2c0: {  	v12 =	vor.u32 $0x3, v5;
	[tilespmem:v6+s15+$0x0] =	vst.idx.msk $0xffff, v10  }
0x2c1: {  	[tilespmem:v7+s15+$0x0] =	vst.idx.msk $0xffff, v11  }
0x2c2: {  	v5 =	vld.idx.msk [tilespmem:v5+s20+$0x0], $0xffff  }
0x2c3: {  	v6 =	vld.idx.msk [tilespmem:v8+s20+$0x0], $0xffff  }
0x2c4: {  	v7 =	vld.idx.msk [tilespmem:v9+s20+$0x0], $0xffff  }
0x2c5: {  	v8 =	vld.idx.msk [tilespmem:v12+s20+$0x0], $0xffff;
	_ =	sdelay $0x1  }
0x2c6: {  	s3 =	sand.u32 $0xF0, s17  }
0x2c7: {  	v10 =	vld [tilespmem:s3+$0x4B00];
	v9 =	vand.u32 $0xFFFF0000, v5  }
0x2c8: {  	v11 =	vand.u32 $0xFFFF0000, v6;
	v5 =	vshll.u32 v5, $0x10;
	v59 =	vand.u32 $0xFFFF0000, v7  }
0x2c9: {  	v6 =	vshll.u32 v6, $0x10;
	v7 =	vshll.u32 v7, $0x10;
	v13 =	vshll.u32 v8, $0x10  }
0x2ca: {  	v6 =	vsub.f32 v6, v5;
	v8 =	vand.u32 $0xFFFF0000, v8;
	v13 =	vsub.f32 v13, v7  }
0x2cb: {  	v11 =	vsub.f32 v11, v9;
	v8 =	vsub.f32 v8, v59  }
0x2cc: {  	s17 =	sadd.s32 $0x10, s16;
	v6 =	vmul.f32 v6, v10;
	v13 =	vmul.f32 v13, v10  }
0x2cd: {  	v14 =	vld [tilespmem:s17+$0x0];
	v11 =	vmul.f32 v11, v10;
	v8 =	vmul.f32 v8, v10  }
0x2ce: {  	v5 =	vadd.f32 v5, v6;
	v6 =	vadd.f32 v7, v13  }
0x2cf: {  	v7 =	vadd.f32 v9, v11;
	v8 =	vadd.f32 v59, v8  }
0x2d0: {  	v4 =	vshll.u32 v4, $0x7;
	v6 =	vsub.f32 v6, v5  }
0x2d1: {  	v9 =	vor.u32 $0x16, v4;
	v8 =	vsub.f32 v8, v7  }
0x2d2: {  	v4 =	vor.u32 $0x17, v4;
	v6 =	vmul.f32 v6, v14  }
0x2d3: {  	v8 =	vmul.f32 v8, v14  }
0x2d4: {  	s18 =	simm.s32 $0x0;
	v5 =	vadd.f32 v6, v5  }
0x2d5: {  	v6 =	vadd.f32 v8, v7;
	v7 =	vor.u32 s18, v0  }
0x2d6: {  	[tilespmem:v9+s15+$0x0] =	vst.idx.msk $0xffff, v5;
	v5 =	vshll.u32 v7, $0x2  }
0x2d7: {  	s22 =	simm.s32 $0x5;
	[tilespmem:v4+s15+$0x0] =	vst.idx.msk $0xffff, v6;
	v4 =	vor.u32 $0x1, v5  }
0x2d8: {  	v6 =	vor.u32 $0x2, v5;
	_ =	swait.ge [sflag:s22], $0x400  }
0x2d9: {  	v8 =	vor.u32 $0x3, v5;
	[sflag:s22] =	ssyncset.done $0x0  }
0x2da: {  	[sflag:s22] =	ssyncadd.s32 $0xFFFFFC00  }
0x2db: {  	v5 =	vld.idx.msk [tilespmem:v5+s1+$0x0], $0xffff  }
0x2dc: {  	v4 =	vld.idx.msk [tilespmem:v4+s1+$0x0], $0xffff  }
0x2dd: {  	v6 =	vld.idx.msk [tilespmem:v6+s1+$0x0], $0xffff  }
0x2de: {  	v8 =	vld.idx.msk [tilespmem:v8+s1+$0x0], $0xffff;
	_ =	sdelay $0x1  }
0x2df: {  	s3 =	sand.u32 $0xF0, s18  }
0x2e0: {  	v10 =	vld [tilespmem:s3+$0x4D00];
	v9 =	vand.u32 $0xFFFF0000, v5  }
0x2e1: {  	v5 =	vshll.u32 v5, $0x10;
	v11 =	vand.u32 $0xFFFF0000, v4;
	v60 =	vand.u32 $0xFFFF0000, v6  }
0x2e2: {  	v4 =	vshll.u32 v4, $0x10;
	v6 =	vshll.u32 v6, $0x10;
	v61 =	vshll.u32 v8, $0x10  }
0x2e3: {  	v8 =	vand.u32 $0xFFFF0000, v8;
	v4 =	vsub.f32 v4, v5;
	v13 =	vsub.f32 v61, v6  }
0x2e4: {  	v11 =	vsub.f32 v11, v9;
	v8 =	vsub.f32 v8, v60  }
0x2e5: {  	s16 =	simm.s32 $0x4C00;
	v4 =	vmul.f32 v4, v10;
	v13 =	vmul.f32 v13, v10  }
0x2e6: {  	v11 =	vmul.f32 v11, v10;
	v8 =	vmul.f32 v8, v10;
	v10 =	vld [tilespmem:s16+$0x0]  }
0x2e7: {  	v62 =	vadd.f32 v5, v4;
	v4 =	vadd.f32 v6, v13  }
0x2e8: {  	v11 =	vadd.f32 v9, v11  }
0x2e9: {  	v5 =	vadd.f32 v60, v8;
	v6 =	vsub.f32 v4, v62  }
0x2ea: {  	v7 =	vshll.u32 v7, $0x7  }
0x2eb: {  	s17 =	simm.s32 $0x10;
	v8 =	vsub.f32 v5, v11;
	v9 =	vmul.f32 v6, v10;
	v6 =	vor.u32 $0x18, v7  }
0x2ec: {  	v4 =	vor.u32 s17, v0;
	v7 =	vor.u32 $0x19, v7  }
0x2ed: {  	v5 =	vshll.u32 v4, $0x2;
	v63 =	vmul.f32 v8, v10  }
0x2ee: {  	v8 =	vor.u32 $0x1, v5;
	v10 =	vadd.f32 v9, v62  }
0x2ef: {  	s18 =	simm.s32 $0x20;
	v9 =	vor.u32 $0x2, v5;
	v11 =	vadd.f32 v63, v11  }
.LBB2_17:
0x2f0: {  	p1 =	sne.s32 s18, $0xF0;
	v12 =	vor.u32 $0x3, v5;
	[tilespmem:v6+s15+$0x0] =	vst.idx.msk $0xffff, v10  }
0x2f1: {  	[tilespmem:v7+s15+$0x0] =	vst.idx.msk $0xffff, v11  }
0x2f2: {  	v5 =	vld.idx.msk [tilespmem:v5+s1+$0x0], $0xffff  }
0x2f3: {  	v6 =	vld.idx.msk [tilespmem:v8+s1+$0x0], $0xffff  }
0x2f4: {  	v7 =	vld.idx.msk [tilespmem:v9+s1+$0x0], $0xffff  }
0x2f5: {  	v8 =	vld.idx.msk [tilespmem:v12+s1+$0x0], $0xffff;
	_ =	sdelay $0x2  }
0x2f6: {  	s3 =	sand.u32 $0xF0, s17;
	s17 =	smov.u32 s18;
	v9 =	vand.u32 $0xFFFF0000, v5  }
0x2f7: {  	v11 =	vand.u32 $0xFFFF0000, v6;
	v10 =	vld [tilespmem:s3+$0x4D00]  }
0x2f8: {  	v5 =	vshll.u32 v5, $0x10;
	v12 =	vand.u32 $0xFFFF0000, v7  }
0x2f9: {  	v6 =	vshll.u32 v6, $0x10;
	v7 =	vshll.u32 v7, $0x10;
	v13 =	vshll.u32 v8, $0x10  }
0x2fa: {  	v6 =	vsub.f32 v6, v5;
	v8 =	vand.u32 $0xFFFF0000, v8;
	v13 =	vsub.f32 v13, v7  }
0x2fb: {  	v11 =	vsub.f32 v11, v9;
	v8 =	vsub.f32 v8, v12  }
0x2fc: {  	s16 =	sadd.s32 $0x10, s16;
	v6 =	vmul.f32 v6, v10;
	v13 =	vmul.f32 v13, v10  }
0x2fd: {  	v11 =	vmul.f32 v11, v10;
	v8 =	vmul.f32 v8, v10;
	v14 =	vld [tilespmem:s16+$0x0]  }
0x2fe: {  	v10 =	vadd.f32 v5, v6;
	v5 =	vadd.f32 v7, v13  }
0x2ff: {  	v11 =	vadd.f32 v9, v11;
	v7 =	vadd.f32 v12, v8  }
0x300: {  	v8 =	vshll.u32 v4, $0x7;
	v5 =	vsub.f32 v5, v10  }
.Ltmp7:
0x301: {  	v6 =	vor.u32 $0x18, v8;
	v9 =	vsub.f32 v7, v11;
	(pc) =	sbr.rel @p1 .LBB2_17-.Ltmp7, $4  }
0x302: {  	v4 =	vor.u32 s18, v0;
	v7 =	vor.u32 $0x19, v8;
	v12 =	vmul.f32 v5, v14  }
0x303: {  	v5 =	vshll.u32 v4, $0x2;
	v13 =	vmul.f32 v9, v14  }
0x304: {  	v8 =	vor.u32 $0x1, v5;
	v10 =	vadd.f32 v12, v10  }
0x305: {  	s18 =	sadd.s32 $0x10, s18;
	v9 =	vor.u32 $0x2, v5;
	v11 =	vadd.f32 v13, v11  }
0x306: {  	_ =	sdelay $0x3  }
0x307: {  	v12 =	vor.u32 $0x3, v5;
	[tilespmem:v6+s15+$0x0] =	vst.idx.msk $0xffff, v10  }
0x308: {  	[tilespmem:v7+s15+$0x0] =	vst.idx.msk $0xffff, v11  }
0x309: {  	v5 =	vld.idx.msk [tilespmem:v5+s1+$0x0], $0xffff  }
0x30a: {  	v6 =	vld.idx.msk [tilespmem:v8+s1+$0x0], $0xffff  }
0x30b: {  	v7 =	vld.idx.msk [tilespmem:v9+s1+$0x0], $0xffff  }
0x30c: {  	v8 =	vld.idx.msk [tilespmem:v12+s1+$0x0], $0xffff;
	_ =	sdelay $0x1  }
0x30d: {  	s3 =	sand.u32 $0xF0, s17  }
0x30e: {  	v10 =	vld [tilespmem:s3+$0x4D00];
	v9 =	vand.u32 $0xFFFF0000, v5  }
0x30f: {  	v11 =	vand.u32 $0xFFFF0000, v6;
	v5 =	vshll.u32 v5, $0x10;
	v59 =	vand.u32 $0xFFFF0000, v7  }
0x310: {  	v6 =	vshll.u32 v6, $0x10;
	v7 =	vshll.u32 v7, $0x10;
	v13 =	vshll.u32 v8, $0x10  }
0x311: {  	v6 =	vsub.f32 v6, v5;
	v8 =	vand.u32 $0xFFFF0000, v8;
	v13 =	vsub.f32 v13, v7  }
0x312: {  	v11 =	vsub.f32 v11, v9;
	v8 =	vsub.f32 v8, v59  }
0x313: {  	s17 =	sadd.s32 $0x10, s16;
	v6 =	vmul.f32 v6, v10;
	v13 =	vmul.f32 v13, v10  }
0x314: {  	v14 =	vld [tilespmem:s17+$0x0];
	v11 =	vmul.f32 v11, v10;
	v8 =	vmul.f32 v8, v10  }
0x315: {  	v5 =	vadd.f32 v5, v6;
	v6 =	vadd.f32 v7, v13  }
0x316: {  	v7 =	vadd.f32 v9, v11;
	v8 =	vadd.f32 v59, v8  }
0x317: {  	v4 =	vshll.u32 v4, $0x7;
	v6 =	vsub.f32 v6, v5  }
0x318: {  	v9 =	vor.u32 $0x18, v4;
	v8 =	vsub.f32 v8, v7  }
0x319: {  	v4 =	vor.u32 $0x19, v4;
	v6 =	vmul.f32 v6, v14  }
0x31a: {  	v8 =	vmul.f32 v8, v14  }
0x31b: {  	s18 =	simm.s32 $0x0;
	v5 =	vadd.f32 v6, v5  }
0x31c: {  	v6 =	vadd.f32 v8, v7;
	v7 =	vor.u32 s18, v0  }
0x31d: {  	[tilespmem:v9+s15+$0x0] =	vst.idx.msk $0xffff, v5;
	v5 =	vshll.u32 v7, $0x2  }
0x31e: {  	s22 =	simm.s32 $0x6;
	[tilespmem:v4+s15+$0x0] =	vst.idx.msk $0xffff, v6;
	v4 =	vor.u32 $0x1, v5  }
0x31f: {  	v6 =	vor.u32 $0x2, v5;
	_ =	swait.ge [sflag:s22], $0x400  }
0x320: {  	v8 =	vor.u32 $0x3, v5;
	[sflag:s22] =	ssyncset.done $0x0  }
0x321: {  	[sflag:s22] =	ssyncadd.s32 $0xFFFFFC00  }
0x322: {  	v5 =	vld.idx.msk [tilespmem:v5+s4+$0x0], $0xffff  }
0x323: {  	v4 =	vld.idx.msk [tilespmem:v4+s4+$0x0], $0xffff  }
0x324: {  	v6 =	vld.idx.msk [tilespmem:v6+s4+$0x0], $0xffff  }
0x325: {  	v8 =	vld.idx.msk [tilespmem:v8+s4+$0x0], $0xffff;
	_ =	sdelay $0x1  }
0x326: {  	s3 =	sand.u32 $0xF0, s18  }
0x327: {  	v10 =	vld [tilespmem:s3+$0x4F00];
	v9 =	vand.u32 $0xFFFF0000, v5  }
0x328: {  	v5 =	vshll.u32 v5, $0x10;
	v11 =	vand.u32 $0xFFFF0000, v4;
	v60 =	vand.u32 $0xFFFF0000, v6  }
0x329: {  	v4 =	vshll.u32 v4, $0x10;
	v6 =	vshll.u32 v6, $0x10;
	v61 =	vshll.u32 v8, $0x10  }
0x32a: {  	v8 =	vand.u32 $0xFFFF0000, v8;
	v4 =	vsub.f32 v4, v5;
	v13 =	vsub.f32 v61, v6  }
0x32b: {  	v11 =	vsub.f32 v11, v9;
	v8 =	vsub.f32 v8, v60  }
0x32c: {  	s16 =	simm.s32 $0x4E00;
	v4 =	vmul.f32 v4, v10;
	v13 =	vmul.f32 v13, v10  }
0x32d: {  	v11 =	vmul.f32 v11, v10;
	v8 =	vmul.f32 v8, v10;
	v10 =	vld [tilespmem:s16+$0x0]  }
0x32e: {  	v62 =	vadd.f32 v5, v4;
	v4 =	vadd.f32 v6, v13  }
0x32f: {  	v11 =	vadd.f32 v9, v11  }
0x330: {  	v5 =	vadd.f32 v60, v8;
	v6 =	vsub.f32 v4, v62  }
0x331: {  	v7 =	vshll.u32 v7, $0x7  }
0x332: {  	s17 =	simm.s32 $0x10;
	v8 =	vsub.f32 v5, v11;
	v9 =	vmul.f32 v6, v10;
	v6 =	vor.u32 $0x1A, v7  }
0x333: {  	v4 =	vor.u32 s17, v0;
	v7 =	vor.u32 $0x1B, v7  }
0x334: {  	v5 =	vshll.u32 v4, $0x2;
	v63 =	vmul.f32 v8, v10  }
0x335: {  	v8 =	vor.u32 $0x1, v5;
	v10 =	vadd.f32 v9, v62  }
0x336: {  	s18 =	simm.s32 $0x20;
	v9 =	vor.u32 $0x2, v5;
	v11 =	vadd.f32 v63, v11  }
.LBB2_19:
0x337: {  	p1 =	sne.s32 s18, $0xF0;
	v12 =	vor.u32 $0x3, v5;
	[tilespmem:v6+s15+$0x0] =	vst.idx.msk $0xffff, v10  }
0x338: {  	[tilespmem:v7+s15+$0x0] =	vst.idx.msk $0xffff, v11  }
0x339: {  	v5 =	vld.idx.msk [tilespmem:v5+s4+$0x0], $0xffff  }
0x33a: {  	v6 =	vld.idx.msk [tilespmem:v8+s4+$0x0], $0xffff  }
0x33b: {  	v7 =	vld.idx.msk [tilespmem:v9+s4+$0x0], $0xffff  }
0x33c: {  	v8 =	vld.idx.msk [tilespmem:v12+s4+$0x0], $0xffff;
	_ =	sdelay $0x2  }
0x33d: {  	s3 =	sand.u32 $0xF0, s17;
	s17 =	smov.u32 s18;
	v9 =	vand.u32 $0xFFFF0000, v5  }
0x33e: {  	v11 =	vand.u32 $0xFFFF0000, v6;
	v10 =	vld [tilespmem:s3+$0x4F00]  }
0x33f: {  	v5 =	vshll.u32 v5, $0x10;
	v12 =	vand.u32 $0xFFFF0000, v7  }
0x340: {  	v6 =	vshll.u32 v6, $0x10;
	v7 =	vshll.u32 v7, $0x10;
	v13 =	vshll.u32 v8, $0x10  }
0x341: {  	v6 =	vsub.f32 v6, v5;
	v8 =	vand.u32 $0xFFFF0000, v8;
	v13 =	vsub.f32 v13, v7  }
0x342: {  	v11 =	vsub.f32 v11, v9;
	v8 =	vsub.f32 v8, v12  }
0x343: {  	s16 =	sadd.s32 $0x10, s16;
	v6 =	vmul.f32 v6, v10;
	v13 =	vmul.f32 v13, v10  }
0x344: {  	v11 =	vmul.f32 v11, v10;
	v8 =	vmul.f32 v8, v10;
	v14 =	vld [tilespmem:s16+$0x0]  }
0x345: {  	v10 =	vadd.f32 v5, v6;
	v5 =	vadd.f32 v7, v13  }
0x346: {  	v11 =	vadd.f32 v9, v11;
	v7 =	vadd.f32 v12, v8  }
0x347: {  	v8 =	vshll.u32 v4, $0x7;
	v5 =	vsub.f32 v5, v10  }
.Ltmp8:
0x348: {  	v6 =	vor.u32 $0x1A, v8;
	v9 =	vsub.f32 v7, v11;
	(pc) =	sbr.rel @p1 .LBB2_19-.Ltmp8, $4  }
0x349: {  	v4 =	vor.u32 s18, v0;
	v7 =	vor.u32 $0x1B, v8;
	v12 =	vmul.f32 v5, v14  }
0x34a: {  	v5 =	vshll.u32 v4, $0x2;
	v13 =	vmul.f32 v9, v14  }
0x34b: {  	v8 =	vor.u32 $0x1, v5;
	v10 =	vadd.f32 v12, v10  }
0x34c: {  	s18 =	sadd.s32 $0x10, s18;
	v9 =	vor.u32 $0x2, v5;
	v11 =	vadd.f32 v13, v11  }
0x34d: {  	_ =	sdelay $0x3  }
0x34e: {  	v12 =	vor.u32 $0x3, v5;
	[tilespmem:v6+s15+$0x0] =	vst.idx.msk $0xffff, v10  }
0x34f: {  	[tilespmem:v7+s15+$0x0] =	vst.idx.msk $0xffff, v11  }
0x350: {  	v5 =	vld.idx.msk [tilespmem:v5+s4+$0x0], $0xffff  }
0x351: {  	v6 =	vld.idx.msk [tilespmem:v8+s4+$0x0], $0xffff  }
0x352: {  	v7 =	vld.idx.msk [tilespmem:v9+s4+$0x0], $0xffff  }
0x353: {  	v8 =	vld.idx.msk [tilespmem:v12+s4+$0x0], $0xffff;
	_ =	sdelay $0x1  }
0x354: {  	s3 =	sand.u32 $0xF0, s17  }
0x355: {  	v10 =	vld [tilespmem:s3+$0x4F00];
	v9 =	vand.u32 $0xFFFF0000, v5  }
0x356: {  	v11 =	vand.u32 $0xFFFF0000, v6;
	v5 =	vshll.u32 v5, $0x10;
	v59 =	vand.u32 $0xFFFF0000, v7  }
0x357: {  	v6 =	vshll.u32 v6, $0x10;
	v7 =	vshll.u32 v7, $0x10;
	v13 =	vshll.u32 v8, $0x10  }
0x358: {  	v6 =	vsub.f32 v6, v5;
	v8 =	vand.u32 $0xFFFF0000, v8;
	v13 =	vsub.f32 v13, v7  }
0x359: {  	v11 =	vsub.f32 v11, v9;
	v8 =	vsub.f32 v8, v59  }
0x35a: {  	s17 =	sadd.s32 $0x10, s16;
	v6 =	vmul.f32 v6, v10;
	v13 =	vmul.f32 v13, v10  }
0x35b: {  	v14 =	vld [tilespmem:s17+$0x0];
	v11 =	vmul.f32 v11, v10;
	v8 =	vmul.f32 v8, v10  }
0x35c: {  	v5 =	vadd.f32 v5, v6;
	v6 =	vadd.f32 v7, v13  }
0x35d: {  	v7 =	vadd.f32 v9, v11;
	v8 =	vadd.f32 v59, v8  }
0x35e: {  	v4 =	vshll.u32 v4, $0x7;
	v6 =	vsub.f32 v6, v5  }
0x35f: {  	v9 =	vor.u32 $0x1A, v4;
	v8 =	vsub.f32 v8, v7  }
0x360: {  	v4 =	vor.u32 $0x1B, v4;
	v6 =	vmul.f32 v6, v14  }
0x361: {  	v8 =	vmul.f32 v8, v14  }
0x362: {  	s18 =	simm.s32 $0x0;
	v5 =	vadd.f32 v6, v5  }
0x363: {  	v6 =	vadd.f32 v8, v7;
	v7 =	vor.u32 s18, v0  }
0x364: {  	[tilespmem:v9+s15+$0x0] =	vst.idx.msk $0xffff, v5;
	v5 =	vshll.u32 v7, $0x2  }
0x365: {  	s22 =	simm.s32 $0x7;
	[tilespmem:v4+s15+$0x0] =	vst.idx.msk $0xffff, v6;
	v4 =	vor.u32 $0x1, v5  }
0x366: {  	v6 =	vor.u32 $0x2, v5;
	_ =	swait.ge [sflag:s22], $0x400  }
0x367: {  	v8 =	vor.u32 $0x3, v5;
	[sflag:s22] =	ssyncset.done $0x0  }
0x368: {  	[sflag:s22] =	ssyncadd.s32 $0xFFFFFC00  }
0x369: {  	v5 =	vld.idx.msk [tilespmem:v5+s13+$0x0], $0xffff  }
0x36a: {  	v4 =	vld.idx.msk [tilespmem:v4+s13+$0x0], $0xffff  }
0x36b: {  	v6 =	vld.idx.msk [tilespmem:v6+s13+$0x0], $0xffff  }
0x36c: {  	v8 =	vld.idx.msk [tilespmem:v8+s13+$0x0], $0xffff;
	_ =	sdelay $0x1  }
0x36d: {  	s3 =	sand.u32 $0xF0, s18  }
0x36e: {  	v10 =	vld [tilespmem:s3+$0x5100];
	v9 =	vand.u32 $0xFFFF0000, v5  }
0x36f: {  	v5 =	vshll.u32 v5, $0x10;
	v11 =	vand.u32 $0xFFFF0000, v4;
	v60 =	vand.u32 $0xFFFF0000, v6  }
0x370: {  	v4 =	vshll.u32 v4, $0x10;
	v6 =	vshll.u32 v6, $0x10;
	v61 =	vshll.u32 v8, $0x10  }
0x371: {  	v8 =	vand.u32 $0xFFFF0000, v8;
	v4 =	vsub.f32 v4, v5;
	v13 =	vsub.f32 v61, v6  }
0x372: {  	v11 =	vsub.f32 v11, v9;
	v8 =	vsub.f32 v8, v60  }
0x373: {  	s16 =	simm.s32 $0x5000;
	v4 =	vmul.f32 v4, v10;
	v13 =	vmul.f32 v13, v10  }
0x374: {  	v11 =	vmul.f32 v11, v10;
	v8 =	vmul.f32 v8, v10;
	v10 =	vld [tilespmem:s16+$0x0]  }
0x375: {  	v62 =	vadd.f32 v5, v4;
	v4 =	vadd.f32 v6, v13  }
0x376: {  	v11 =	vadd.f32 v9, v11  }
0x377: {  	v5 =	vadd.f32 v60, v8;
	v6 =	vsub.f32 v4, v62  }
0x378: {  	v7 =	vshll.u32 v7, $0x7  }
0x379: {  	s17 =	simm.s32 $0x10;
	v8 =	vsub.f32 v5, v11;
	v9 =	vmul.f32 v6, v10;
	v6 =	vor.u32 $0x1C, v7  }
0x37a: {  	v4 =	vor.u32 s17, v0;
	v7 =	vor.u32 $0x1D, v7  }
0x37b: {  	v5 =	vshll.u32 v4, $0x2;
	v63 =	vmul.f32 v8, v10  }
0x37c: {  	v8 =	vor.u32 $0x1, v5;
	v10 =	vadd.f32 v9, v62  }
0x37d: {  	s18 =	simm.s32 $0x20;
	v9 =	vor.u32 $0x2, v5;
	v11 =	vadd.f32 v63, v11  }
.LBB2_21:
0x37e: {  	p1 =	sne.s32 s18, $0xF0;
	v12 =	vor.u32 $0x3, v5;
	[tilespmem:v6+s15+$0x0] =	vst.idx.msk $0xffff, v10  }
0x37f: {  	[tilespmem:v7+s15+$0x0] =	vst.idx.msk $0xffff, v11  }
0x380: {  	v5 =	vld.idx.msk [tilespmem:v5+s13+$0x0], $0xffff  }
0x381: {  	v6 =	vld.idx.msk [tilespmem:v8+s13+$0x0], $0xffff  }
0x382: {  	v7 =	vld.idx.msk [tilespmem:v9+s13+$0x0], $0xffff  }
0x383: {  	v8 =	vld.idx.msk [tilespmem:v12+s13+$0x0], $0xffff;
	_ =	sdelay $0x2  }
0x384: {  	s3 =	sand.u32 $0xF0, s17;
	s17 =	smov.u32 s18;
	v9 =	vand.u32 $0xFFFF0000, v5  }
0x385: {  	v11 =	vand.u32 $0xFFFF0000, v6;
	v10 =	vld [tilespmem:s3+$0x5100]  }
0x386: {  	v5 =	vshll.u32 v5, $0x10;
	v12 =	vand.u32 $0xFFFF0000, v7  }
0x387: {  	v6 =	vshll.u32 v6, $0x10;
	v7 =	vshll.u32 v7, $0x10;
	v13 =	vshll.u32 v8, $0x10  }
0x388: {  	v6 =	vsub.f32 v6, v5;
	v8 =	vand.u32 $0xFFFF0000, v8;
	v13 =	vsub.f32 v13, v7  }
0x389: {  	v11 =	vsub.f32 v11, v9;
	v8 =	vsub.f32 v8, v12  }
0x38a: {  	s16 =	sadd.s32 $0x10, s16;
	v6 =	vmul.f32 v6, v10;
	v13 =	vmul.f32 v13, v10  }
0x38b: {  	v11 =	vmul.f32 v11, v10;
	v8 =	vmul.f32 v8, v10;
	v14 =	vld [tilespmem:s16+$0x0]  }
0x38c: {  	v10 =	vadd.f32 v5, v6;
	v5 =	vadd.f32 v7, v13  }
0x38d: {  	v11 =	vadd.f32 v9, v11;
	v7 =	vadd.f32 v12, v8  }
0x38e: {  	v8 =	vshll.u32 v4, $0x7;
	v5 =	vsub.f32 v5, v10  }
.Ltmp9:
0x38f: {  	v6 =	vor.u32 $0x1C, v8;
	v9 =	vsub.f32 v7, v11;
	(pc) =	sbr.rel @p1 .LBB2_21-.Ltmp9, $4  }
0x390: {  	v4 =	vor.u32 s18, v0;
	v7 =	vor.u32 $0x1D, v8;
	v12 =	vmul.f32 v5, v14  }
0x391: {  	v5 =	vshll.u32 v4, $0x2;
	v13 =	vmul.f32 v9, v14  }
0x392: {  	v8 =	vor.u32 $0x1, v5;
	v10 =	vadd.f32 v12, v10  }
0x393: {  	s18 =	sadd.s32 $0x10, s18;
	v9 =	vor.u32 $0x2, v5;
	v11 =	vadd.f32 v13, v11  }
0x394: {  	_ =	sdelay $0x3  }
0x395: {  	v12 =	vor.u32 $0x3, v5;
	[tilespmem:v6+s15+$0x0] =	vst.idx.msk $0xffff, v10  }
0x396: {  	[tilespmem:v7+s15+$0x0] =	vst.idx.msk $0xffff, v11  }
0x397: {  	v5 =	vld.idx.msk [tilespmem:v5+s13+$0x0], $0xffff  }
0x398: {  	v6 =	vld.idx.msk [tilespmem:v8+s13+$0x0], $0xffff  }
0x399: {  	v7 =	vld.idx.msk [tilespmem:v9+s13+$0x0], $0xffff  }
0x39a: {  	v8 =	vld.idx.msk [tilespmem:v12+s13+$0x0], $0xffff;
	_ =	sdelay $0x1  }
0x39b: {  	s3 =	sand.u32 $0xF0, s17  }
0x39c: {  	v10 =	vld [tilespmem:s3+$0x5100];
	v9 =	vand.u32 $0xFFFF0000, v5  }
0x39d: {  	v11 =	vand.u32 $0xFFFF0000, v6;
	v5 =	vshll.u32 v5, $0x10;
	v59 =	vand.u32 $0xFFFF0000, v7  }
0x39e: {  	v6 =	vshll.u32 v6, $0x10;
	v7 =	vshll.u32 v7, $0x10;
	v13 =	vshll.u32 v8, $0x10  }
0x39f: {  	v6 =	vsub.f32 v6, v5;
	v8 =	vand.u32 $0xFFFF0000, v8;
	v13 =	vsub.f32 v13, v7  }
0x3a0: {  	v11 =	vsub.f32 v11, v9;
	v8 =	vsub.f32 v8, v59  }
0x3a1: {  	s17 =	sadd.s32 $0x10, s16;
	v6 =	vmul.f32 v6, v10;
	v13 =	vmul.f32 v13, v10  }
0x3a2: {  	v14 =	vld [tilespmem:s17+$0x0];
	v11 =	vmul.f32 v11, v10;
	v8 =	vmul.f32 v8, v10  }
0x3a3: {  	v5 =	vadd.f32 v5, v6;
	v6 =	vadd.f32 v7, v13  }
0x3a4: {  	v7 =	vadd.f32 v9, v11;
	v8 =	vadd.f32 v59, v8  }
0x3a5: {  	v4 =	vshll.u32 v4, $0x7;
	v6 =	vsub.f32 v6, v5  }
0x3a6: {  	v9 =	vor.u32 $0x1C, v4;
	v8 =	vsub.f32 v8, v7  }
0x3a7: {  	v4 =	vor.u32 $0x1D, v4;
	v6 =	vmul.f32 v6, v14  }
0x3a8: {  	v8 =	vmul.f32 v8, v14  }
0x3a9: {  	s18 =	simm.s32 $0x0;
	v5 =	vadd.f32 v6, v5  }
0x3aa: {  	v6 =	vadd.f32 v8, v7;
	v7 =	vor.u32 s18, v0  }
0x3ab: {  	[tilespmem:v9+s15+$0x0] =	vst.idx.msk $0xffff, v5;
	v5 =	vshll.u32 v7, $0x2  }
0x3ac: {  	s22 =	simm.s32 $0x8;
	[tilespmem:v4+s15+$0x0] =	vst.idx.msk $0xffff, v6;
	v4 =	vor.u32 $0x1, v5  }
0x3ad: {  	v6 =	vor.u32 $0x2, v5;
	_ =	swait.ge [sflag:s22], $0x400  }
0x3ae: {  	v8 =	vor.u32 $0x3, v5;
	[sflag:s22] =	ssyncset.done $0x0  }
0x3af: {  	[sflag:s22] =	ssyncadd.s32 $0xFFFFFC00  }
0x3b0: {  	v5 =	vld.idx.msk [tilespmem:v5+s14+$0x0], $0xffff  }
0x3b1: {  	v4 =	vld.idx.msk [tilespmem:v4+s14+$0x0], $0xffff  }
0x3b2: {  	v6 =	vld.idx.msk [tilespmem:v6+s14+$0x0], $0xffff  }
0x3b3: {  	v8 =	vld.idx.msk [tilespmem:v8+s14+$0x0], $0xffff;
	_ =	sdelay $0x1  }
0x3b4: {  	s3 =	sand.u32 $0xF0, s18  }
0x3b5: {  	v10 =	vld [tilespmem:s3+$0x5300];
	v9 =	vand.u32 $0xFFFF0000, v5  }
0x3b6: {  	v5 =	vshll.u32 v5, $0x10;
	v11 =	vand.u32 $0xFFFF0000, v4;
	v60 =	vand.u32 $0xFFFF0000, v6  }
0x3b7: {  	v4 =	vshll.u32 v4, $0x10;
	v6 =	vshll.u32 v6, $0x10;
	v61 =	vshll.u32 v8, $0x10  }
0x3b8: {  	v8 =	vand.u32 $0xFFFF0000, v8;
	v4 =	vsub.f32 v4, v5;
	v13 =	vsub.f32 v61, v6  }
0x3b9: {  	v11 =	vsub.f32 v11, v9;
	v8 =	vsub.f32 v8, v60  }
0x3ba: {  	s16 =	simm.s32 $0x5200;
	v4 =	vmul.f32 v4, v10;
	v13 =	vmul.f32 v13, v10  }
0x3bb: {  	v11 =	vmul.f32 v11, v10;
	v8 =	vmul.f32 v8, v10;
	v10 =	vld [tilespmem:s16+$0x0]  }
0x3bc: {  	v62 =	vadd.f32 v5, v4;
	v4 =	vadd.f32 v6, v13  }
0x3bd: {  	v11 =	vadd.f32 v9, v11  }
0x3be: {  	v5 =	vadd.f32 v60, v8;
	v6 =	vsub.f32 v4, v62  }
0x3bf: {  	v7 =	vshll.u32 v7, $0x7  }
0x3c0: {  	s17 =	simm.s32 $0x10;
	v8 =	vsub.f32 v5, v11;
	v9 =	vmul.f32 v6, v10;
	v6 =	vor.u32 $0x1E, v7  }
0x3c1: {  	v4 =	vor.u32 s17, v0;
	v7 =	vor.u32 $0x1F, v7  }
0x3c2: {  	v5 =	vshll.u32 v4, $0x2;
	v63 =	vmul.f32 v8, v10  }
0x3c3: {  	v8 =	vor.u32 $0x1, v5;
	v10 =	vadd.f32 v9, v62  }
0x3c4: {  	s18 =	simm.s32 $0x20;
	v9 =	vor.u32 $0x2, v5;
	v11 =	vadd.f32 v63, v11  }
.LBB2_23:
0x3c5: {  	p1 =	sne.s32 s18, $0xF0;
	v12 =	vor.u32 $0x3, v5;
	[tilespmem:v6+s15+$0x0] =	vst.idx.msk $0xffff, v10  }
0x3c6: {  	[tilespmem:v7+s15+$0x0] =	vst.idx.msk $0xffff, v11  }
0x3c7: {  	v5 =	vld.idx.msk [tilespmem:v5+s14+$0x0], $0xffff  }
0x3c8: {  	v6 =	vld.idx.msk [tilespmem:v8+s14+$0x0], $0xffff  }
0x3c9: {  	v7 =	vld.idx.msk [tilespmem:v9+s14+$0x0], $0xffff  }
0x3ca: {  	v8 =	vld.idx.msk [tilespmem:v12+s14+$0x0], $0xffff;
	_ =	sdelay $0x2  }
0x3cb: {  	s3 =	sand.u32 $0xF0, s17;
	s17 =	smov.u32 s18;
	v9 =	vand.u32 $0xFFFF0000, v5  }
0x3cc: {  	v11 =	vand.u32 $0xFFFF0000, v6;
	v10 =	vld [tilespmem:s3+$0x5300]  }
0x3cd: {  	v5 =	vshll.u32 v5, $0x10;
	v12 =	vand.u32 $0xFFFF0000, v7  }
0x3ce: {  	v6 =	vshll.u32 v6, $0x10;
	v7 =	vshll.u32 v7, $0x10;
	v13 =	vshll.u32 v8, $0x10  }
0x3cf: {  	v6 =	vsub.f32 v6, v5;
	v8 =	vand.u32 $0xFFFF0000, v8;
	v13 =	vsub.f32 v13, v7  }
0x3d0: {  	v11 =	vsub.f32 v11, v9;
	v8 =	vsub.f32 v8, v12  }
0x3d1: {  	s16 =	sadd.s32 $0x10, s16;
	v6 =	vmul.f32 v6, v10;
	v13 =	vmul.f32 v13, v10  }
0x3d2: {  	v11 =	vmul.f32 v11, v10;
	v8 =	vmul.f32 v8, v10;
	v14 =	vld [tilespmem:s16+$0x0]  }
0x3d3: {  	v10 =	vadd.f32 v5, v6;
	v5 =	vadd.f32 v7, v13  }
0x3d4: {  	v11 =	vadd.f32 v9, v11;
	v7 =	vadd.f32 v12, v8  }
0x3d5: {  	v8 =	vshll.u32 v4, $0x7;
	v5 =	vsub.f32 v5, v10  }
.Ltmp10:
0x3d6: {  	v6 =	vor.u32 $0x1E, v8;
	v9 =	vsub.f32 v7, v11;
	(pc) =	sbr.rel @p1 .LBB2_23-.Ltmp10, $4  }
0x3d7: {  	v4 =	vor.u32 s18, v0;
	v7 =	vor.u32 $0x1F, v8;
	v12 =	vmul.f32 v5, v14  }
0x3d8: {  	v5 =	vshll.u32 v4, $0x2;
	v13 =	vmul.f32 v9, v14  }
0x3d9: {  	v8 =	vor.u32 $0x1, v5;
	v10 =	vadd.f32 v12, v10  }
0x3da: {  	s18 =	sadd.s32 $0x10, s18;
	v9 =	vor.u32 $0x2, v5;
	v11 =	vadd.f32 v13, v11  }
0x3db: {  	_ =	sdelay $0x3  }
0x3dc: {  	v12 =	vor.u32 $0x3, v5;
	[tilespmem:v6+s15+$0x0] =	vst.idx.msk $0xffff, v10  }
0x3dd: {  	[tilespmem:v7+s15+$0x0] =	vst.idx.msk $0xffff, v11  }
0x3de: {  	v5 =	vld.idx.msk [tilespmem:v5+s14+$0x0], $0xffff  }
0x3df: {  	v6 =	vld.idx.msk [tilespmem:v8+s14+$0x0], $0xffff  }
0x3e0: {  	v7 =	vld.idx.msk [tilespmem:v9+s14+$0x0], $0xffff  }
0x3e1: {  	v56 =	vld.idx.msk [tilespmem:v12+s14+$0x0], $0xffff;
	_ =	sdelay $0x1  }
0x3e2: {  	s3 =	sand.u32 $0xF0, s17  }
0x3e3: {  	v10 =	vld [tilespmem:s3+$0x5300];
	v57 =	vand.u32 $0xFFFF0000, v5  }
0x3e4: {  	v58 =	vand.u32 $0xFFFF0000, v6;
	v5 =	vshll.u32 v5, $0x10;
	v59 =	vand.u32 $0xFFFF0000, v7  }
0x3e5: {  	v6 =	vshll.u32 v6, $0x10;
	v7 =	vshll.u32 v7, $0x10;
	v13 =	vshll.u32 v56, $0x10  }
0x3e6: {  	v6 =	vsub.f32 v6, v5;
	v8 =	vand.u32 $0xFFFF0000, v56;
	v13 =	vsub.f32 v13, v7  }
0x3e7: {  	v11 =	vsub.f32 v58, v57;
	v8 =	vsub.f32 v8, v59  }
0x3e8: {  	s16 =	sadd.s32 $0x10, s16;
	v6 =	vmul.f32 v6, v10;
	v13 =	vmul.f32 v13, v10  }
0x3e9: {  	v14 =	vld [tilespmem:s16+$0x0];
	v11 =	vmul.f32 v11, v10;
	v8 =	vmul.f32 v8, v10  }
0x3ea: {  	v5 =	vadd.f32 v5, v6;
	v60 =	vadd.f32 v7, v13  }
0x3eb: {  	v61 =	vadd.f32 v57, v11;
	v8 =	vadd.f32 v59, v8  }
0x3ec: {  	v4 =	vshll.u32 v4, $0x7;
	v6 =	vsub.f32 v60, v5  }
0x3ed: {  	v62 =	vor.u32 $0x1E, v4;
	v8 =	vsub.f32 v8, v61  }
0x3ee: {  	s19 =	sadd.s32 $0x1, s19;
	v4 =	vor.u32 $0x1F, v4;
	v6 =	vmul.f32 v6, v14  }
0x3ef: {  	p1 =	sne.s32 s19, $0x80;
	v8 =	vmul.f32 v8, v14  }
.Ltmp11:
0x3f0: {  	v5 =	vadd.f32 v6, v5;
	(pc) =	sbr.rel @p1 .LBB2_2-.Ltmp11, $4  }
0x3f1: {  	s17 =	rddreg [dreg:$0x16];
	v63 =	vadd.f32 v8, v61  }
0x3f2: {  	s18 =	rddreg [dreg:$0x11];
	s3 =	sshll.u32 s17, $0x4;
	[tilespmem:v62+s15+$0x0] =	vst.idx.msk $0xffff, v5  }
0x3f3: {  	s22 =	simm.s32 $0x0;
	s3 =	sadd.s32 s18, s3;
	[tilespmem:v4+s15+$0x0] =	vst.idx.msk $0xffff, v63  }
0x3f4: {  	[hbm4b:s3+s22] =	stream.linear.scatter [tilespmem:s15], [sflag:$0x9], $0x8000, $0x38;
	[tilespmem:$0x1E248] =	vst v63  }
0x3f5: {  	s16 =	simm.s32 $0x9  }
0x3f6: {  	_ =	swait.ge [sflag:s16], $0x8000  }
0x3f7: {  	s17 =	rddreg [dreg:$0x14]  }
0x3f8: {  	s3 =	rddreg [dreg:$0x13];
	s17 =	sadd.s32 $0x1, s17  }
0x3f9: {  	p1 =	sne.s32 s17, s3  }
.Ltmp12:
0x3fa: {  	_ = 	snop;
	(pc) =	sbr.rel @p1 .LBB2_1-.Ltmp12, $3  }
0x3fb: {  	_ =	sdelay $0x1  }
0x3fc: {  	[sflag:s16] =	ssyncset.done $0x0  }
0x3fd: {  	[sflag:s16] =	ssyncadd.s32 $0xFFFF8000  }
0x3fe: {  	_ =	sfence.sel $0x180000  }
0x3ff: {  	[bflag:$0x0] =	sbarrier.arrive $0xFFFF  }
0x400: {  	_ =	strace $0x90000047  }
0x401: {  	[bflag:$0x2] =	sbarrier.arrive $0xFFFF  }
0x402: {  	s0 =	rddreg [dreg:$0x3]  }
0x403: {  	s0 =	sadd.s32 @!p0 $0x100000, s0  }
0x404: {  	[sflag:s0] =	ssyncadd.tile.s32 @!p0 $0x1;
	_ =	shalt  }
.Lfunc_end2:
_tile_overlayer_lowered:
.L_overlay_start_2:
0x405: {  	(tag) =	ssettag $0x2  }
0x406: {  	s0 =	rddreg [dreg:$0x0];
	s2 =	stileid.u32  }
0x407: {  	s1 =	rddreg [dreg:$0x1];
	p0 =	sne.s32 s2, $0x0  }
0x408: {  	s3 =	rddreg [dreg:$0x2];
	[bflag:$0x3] =	sbarrier.arrive $0xFFFF;
	s2 =	simm.s32 @!p0 $0x1C0A  }
0x409: {  	[timem:s3], [sflag:s2] =	dma.local @!p0 [hbm:s0], s1  }
0x40a: {  	s0 =	simm.s32 @!p0 $0xA  }
0x40b: {  	_ =	swait.ge @!p0 [sflag:s0], s1  }
0x40c: {  	s1 =	ssub.s32 @!p0 $0x0, s1;
	[sflag:s0] =	ssyncset.done @!p0 $0x0  }
0x40d: {  	[sflag:s0] =	ssyncadd.s32 @!p0 s1  }
0x40e: {  	[bflag:$0x3] =	sbarrier.arrive $0xFFFF  }
0x40f: {  	_ =	shalt  }

// kernel: sparse-core-data-format-call.cloned.1.call-start
scs
called_computation_lowered:
.L_overlay_start_0:
0x0: {  	s2 =	sld [smem:$0x3FD9]  }
0x1: {  	s3 =	sld [smem:$0x3FFE];
	_ =	sdelay $0x1  }
0x2: {  	s1 =	srdreg.scid  }
0x3: {  	s0 =	sand.u32 $0x1, s1  }
0x4: {  	s18 =	sshll.u32 s0, $0xA;
	s2 =	sadd.s32 s3, s2  }
0x5: {  	s2 =	sadd.s32 s2, s18  }
0x6: {  	[smem:$0x3FB7] =	sst s2  }
0x7: {  	_ = 	snop  }
0x8: {  	s2 =	sld [smem:$0x3FD0];
	(tm) =	ssettm $0x1  }
0x9: {  	s19 =	sld [smem:$0x3FFB];
	_ =	sdelay $0x3  }
0xa: {  	_ =	strace s19  }
0xb: {  	s3 =	sld [smem:$0x3FFC];
	_ =	sdelay $0x3  }
0xc: {  	_ =	strace s3  }
0xd: {  	s3 =	sld [smem:$0x3FFD];
	_ =	sdelay $0x3  }
0xe: {  	_ =	strace s3  }
0xf: {  	_ =	strace $0x8FFFFFFF  }
0x10: {  	s20 =	sld [smem:$0x3FDB];
	_ =	sdelay $0x1  }
0x11: {  	s4 =	simm.s32 $_scs_section_size  }
0x12: {  	s5 =	simm.s32 $_size__tile_overlayer_lowered;
	s6 =	simm.s32 $_tile_overlayer_lowered  }
0x13: {  	s23 =	simm.s32 $0x1BFF;
	s22 =	sshll.u32 s6, $0x1;
	s3 =	sadd.s32 s4, s20  }
0x14: {  	s7 =	simm.s32 $0x0;
	s21 =	sshll.u32 s5, $0x1;
	s5 =	sadd.s32 s22, s3  }
0x15: {  	[timem:s7], [sflag:s23] =	dma.local [hbm:s5], s21  }
0x16: {  	_ =	swait.ge [sflag:s23], s21  }
0x17: {  	s4 =	ssub.s32 $0x0, s21;
	[sflag:s23] =	ssyncset.done $0x0  }
0x18: {  	[sflag:s23] =	ssyncadd.s32 s4;
	_ =	sdelay $0x1  }
0x19: {  	s24 =	simm.s32 $0x1B8B  }
0x1a: {  	_ =	swait.ge [sflag:s24], $0x1  }
0x1b: {  	[sflag:s24] =	ssyncset.done $0x0  }
0x1c: {  	s26 =	simm.s32 $0x1B8E;
	s25 =	sld [smem:$0x3FFE];
	[sflag:s24] =	ssyncadd.s32 $0xFFFFFFFF  }
0x1d: {  	s27 =	simm.s32 $execute0_lowered;
	[smem:$0x3FD2] =	sst s26  }
0x1e: {  	s5 =	sshll.u32 s27, $0x1;
	_ =	strace $0x80000049;
	[dreg:$0x1] =	wrdreg $0xFFFFFFFF  }
0x1f: {  	s28 =	simm.s32 $_size_execute0_lowered;
	s3 =	sadd.s32 s3, s5;
	[dreg:$0x0] =	wrdreg $0x0  }
0x20: {  	s5 =	sshll.u32 s28, $0x1;
	[dreg:$0x2] =	wrdreg s3  }
0x21: {  	[dreg:$0x3] =	wrdreg s5  }
0x22: {  	[dreg:$0x4] =	wrdreg $0xC0  }
0x23: {  	_ =	task [dreg:s7], $0x5FFFF  }
0x24: {  	[dreg:$0x1] =	wrdreg $0xFFFFFFFF  }
0x25: {  	[dreg:$0x0] =	wrdreg $0x60  }
0x26: {  	[dreg:$0x2] =	wrdreg s25  }
0x27: {  	[dreg:$0x3] =	wrdreg s2  }
0x28: {  	[dreg:$0x4] =	wrdreg $0x9  }
0x29: {  	_ =	task.clear_ibuf [dreg:s7], $0x5FFFF;
	_ =	strace $0x90000049  }
0x2a: {  	s29 =	simm.s32 $0x9;
	_ =	strace $0x8000004B  }
0x2b: {  	_ =	swait.ge [sflag:s29], $0x1  }
0x2c: {  	[sflag:s29] =	ssyncadd.s32 $0xFFFFFFFF  }
0x2d: {  	_ =	strace $0x9000004B  }
0x2e: {  	_ =	sfence  }
0x2f: {  	s30 =	sld [smem:$0x0];
	_ =	sdelay $0x2  }
0x30: {  	s31 =	sshll.u32 s1, $0xD;
	s1 =	sshrl.u32 s1, $0x2  }
0x31: {  	s3 =	sand.u32 $0x4000, s31;
	s1 =	sadd.s32 s1, s30  }
0x32: {  	s0 =	sor.u32 s3, s0;
	s1 =	sshll.u32 s1, $0x11  }
0x33: {  	s0 =	sor.u32 s1, s0  }
0x34: {  	s0 =	sadd.s32 $0x8F2B, s0  }
0x35: {  	[sflag:s0] =	ssyncadd.remote.s32 $0x1  }
0x36: {  	_ =	sfence.sel $0xFFFF  }
0x37: {  	[dreg:$0x0] =	wrdreg $0xFFFFFFFF;
	(pc) =	sbr.abs _section_cstart, $3  }
0x38: {  	[dreg:$0x1] =	wrdreg $0xFFFFFFFF  }
0x39: {  	_ =	task.clear_ibuf [dreg:s7], $0x2FFFF;
	_ =	strace $0x9FFFFFFF  }
0x3a: {  	(tm) =	ssettm $0x7FFFFFFF  }
0x3b: {  	_ =	shalt  }
tec
execute0_lowered:
.L_overlay_start_1:
0x0: {  	(tag) =	ssettag $0x1  }
0x1: {  	s0 =	srdreg.scid  }
0x2: {  	s1 =	sshll.u32 s0, $0x4  }
0x3: {  	s4 =	rddreg [dreg:$0x0];
	s0 =	stileid.u32;
	s1 =	sand.u32 $0x10, s1  }
0x4: {  	s2 =	rddreg [dreg:$0x1];
	s7 =	simm.s32 $0x1;
	s1 =	sor.u32 s0, s1  }
0x5: {  	s8 =	simm.s32 $0x2;
	s11 =	simm.s32 $0x0;
	s3 =	sshll.u32 s1, $0x7  }
0x6: {  	s10 =	simm.s32 $0x0;
	s4 =	sadd.s32 $0x55400, s4;
	s6 =	ssub.s32 $0x100000, s3  }
.Ltmp0:
0x7: {  	s1 =	rddreg [dreg:$0x2];
	s5 =	sand.u32 $0xF80, s6;
	(pc) =	sbr.rel .LBB1_1-.Ltmp0, $4  }
0x8: {  	_ =	strace $0x8000004A;
	s9 =	smov.u32 s3;
	p0 =	sne.s32 s5, $0x0  }
0x9: {  	s6 =	sshrl.u32 s6, $0xC;
	s5 =	simm.s32 $0x1;
	s7 =	simm.s32 @!p0 $0x0  }
0xa: {  	[sflag:s5] =	ssyncpa.u1 $0x0;
	p0 =	por $0x0, $0x0;
	s6 =	sadd.s32 s7, s6  }
0xb: {  	[sflag:s8] =	ssyncpa.u1 $0x0;
	s8 =	simm.s32 $0x800000;
	s7 =	sadd.s32 $0x1, s6  }
.LBB1_4:
0xc: {  	s13 =	sshll.u32 s11, $0x3  }
0xd: {  	s15 =	sand.u32 $0x78, s11;
	s13 =	sand.u32 $0xFFC00, s13  }
0xe: {  	s30 =	sand.u32 $0x3E0000, s11;
	s31 =	sand.u32 $0x7, s11;
	s13 =	sor.u32 s15, s13  }
0xf: {  	s11 =	sshll.u32 s31, $0x12;
	s15 =	sadd.s32 s2, s30;
	s13 =	sshrl.u32 s13, $0x3  }
0x10: {  	[tilespmem:s14+$0x0 ss:$0x81] =	vst.msk $0xffff, v0;
	s11 =	sor.u32 $0x400, s11;
	s13 =	sadd.s32 s13, s15  }
0x11: {  	[hbm4b:s13+s11] =	stream.strided.scatter [tilespmem:s12], [sflag:$0x2], $0x1000, s8, s11, $0x20;
	[tilespmem:$0x4040] =	vst v63  }
.LBB1_5:
0x12: {  	s13 =	sadd.s32 $0x1000, s9  }
0x13: {  	p2 =	sgt.s32 s13, $0xFFFFF  }
0x14: {  	s13 =	smov.u32 @p2 s3;
	p2 =	sne.s32 s10, s7  }
.Ltmp1:
0x15: {  	p1 =	slt.u32 s10, $0x2;
	(pc) =	sbr.rel @!p2 .LBB1_6-.Ltmp1, $4  }
0x16: {  	s12 =	simm.s32 @!p1 $0x2  }
0x17: {  	s14 =	sadd.s32 $0x1, s10;
	_ =	swait.ge @!p1 [sflag:s12], $0x1000  }
0x18: {  	s11 =	smov.u32 s9;
	p0 =	por !p0, !p0;
	[sflag:s12] =	ssyncset.done @!p1 $0x0  }
0x19: {  	s10 =	smov.u32 s14;
	s9 =	smov.u32 s13;
	[sflag:s12] =	ssyncadd.s32 @!p1 $0xFFFFF000  }
.LBB1_1:
0x1a: {  	p1 =	sge.u32 s10, s6  }
0x1b: {  	s31 =	sadd.s32 $0xFFFFFFFF, s10;
	s12 =	sxor.u32 @!p1 $0xFFFFFFFF, s10;
	s13 =	sshll.u32 @!p1 s9, $0x4  }
0x1c: {  	s14 =	simm.s32 @!p1 $0x20;
	s12 =	sshll.u32 @!p1 s12, $0xC;
	s13 =	sand.u32 @!p1 $0xFFFFF0, s13  }
0x1d: {  	s15 =	simm.s32 @!p1 $0x80;
	s12 =	sand.u32 @!p1 $0x1000, s12;
	s13 =	sadd.s32 @!p1 s4, s13  }
0x1e: {  	[tilespmem:s12], [sflag:$0x1] =	stream.strided.gather @!p1 [hbm4b:s13+s14], $0x1000, s15, s14, $0x38;
	[tilespmem:$0x4040] =	vst v63  }
0x1f: {  	p1 =	sge.u32 s31, s6  }
.Ltmp2:
0x20: {  	_ = 	snop;
	(pc) =	sbr.rel @p1 .LBB1_5-.Ltmp2, $1  }
0x21: {  	_ =	sdelay $0x3  }
0x22: {  	s12 =	simm.s32 $0x1  }
0x23: {  	_ =	swait.ge [sflag:s5], $0x1000;
	s12 =	simm.s32 @!p0 $0x0  }
0x24: {  	[sflag:s5] =	ssyncset.done $0x0;
	s13 =	sshll.u32 s12, $0xC  }
0x25: {  	[sflag:s5] =	ssyncadd.s32 $0xFFFFF000;
	s16 =	sor.u32 $0x10, s13  }
0x26: {  	s12 =	smul.u32 $0x4080, s12;
	v1 =	vld [tilespmem:s16+$0x0]  }
0x27: {  	s30 =	sand.u32 $0x1, s10;
	v0 =	vld [tilespmem:s16+$0xFFFFFFF0]  }
0x28: {  	s14 =	smul.u32 $0x4080, s30;
	s12 =	sshrl.u32 s12, $0x2  }
0x29: {  	s13 =	sor.u32 $0x2000, s12  }
0x2a: {  	s31 =	sshrl.u32 s14, $0x2;
	s14 =	sadd.s32 $0x0, s13  }
0x2b: {  	s15 =	simm.s32 $0x4;
	s16 =	sadd.s32 $0x20, s16;
	s12 =	sor.u32 $0x2000, s31;
	[tilespmem:s14+$0x810 ss:$0x81] =	vst.msk $0xffff, v1  }
.LBB1_3:
0x2c: {  	v1 =	vld [tilespmem:s16+$0x0];
	p1 =	sne.s32 s15, $0x1FC;
	[tilespmem:s14+$0x0 ss:$0x81] =	vst.msk $0xffff, v0;
	s14 =	smov.u32 s15;
	s15 =	sadd.s32 $0x4, s15  }
.Ltmp3:
0x2d: {  	v0 =	vld [tilespmem:s16+$0xFFFFFFF0];
	(pc) =	sbr.rel @p1 .LBB1_3-.Ltmp3, $4  }
0x2e: {  	_ = 	snop  }
0x2f: {  	s14 =	sshra.s32 s14, $0x2  }
0x30: {  	s14 =	sadd.s32 s14, s13  }
0x31: {  	s16 =	sadd.s32 $0x20, s16;
	[tilespmem:s14+$0x810 ss:$0x81] =	vst.msk $0xffff, v1  }
.Ltmp4:
0x32: {  	_ = 	snop;
	(pc) =	sbr.rel .LBB1_4-.Ltmp4, $1  }
0x33: {  	_ =	sdelay $0x3  }
.LBB1_6:
0x34: {  	_ =	sfence.sel $0x180000  }
0x35: {  	s2 =	simm.s32 $0x1;
	[bflag:$0x0] =	sbarrier.arrive $0xFFFF  }
0x36: {  	s31 =	simm.s32 $0x2;
	[sflag:s2] =	ssyncpa.u1 $0x1  }
0x37: {  	[sflag:s31] =	ssyncpa.u1 $0x1  }
0x38: {  	p0 =	sne.s32 s0, $0x0;
	_ =	strace $0x9000004A  }
0x39: {  	s0 =	sadd.s32 @!p0 $0x100000, s1;
	[bflag:$0x2] =	sbarrier.arrive $0xFFFF  }
0x3a: {  	[sflag:s0] =	ssyncadd.tile.s32 @!p0 $0x1;
	_ =	shalt  }
.Lfunc_end1:
_tile_overlayer_lowered:
.L_overlay_start_2:
0x3b: {  	(tag) =	ssettag $0x2  }
0x3c: {  	s0 =	rddreg [dreg:$0x0];
	s2 =	stileid.u32  }
0x3d: {  	s1 =	rddreg [dreg:$0x1];
	p0 =	sne.s32 s2, $0x0  }
0x3e: {  	s3 =	rddreg [dreg:$0x2];
	[bflag:$0x3] =	sbarrier.arrive $0xFFFF;
	s2 =	simm.s32 @!p0 $0x1C01  }
0x3f: {  	[timem:s3], [sflag:s2] =	dma.local @!p0 [hbm:s0], s1  }
0x40: {  	s0 =	simm.s32 @!p0 $0x1  }
0x41: {  	_ =	swait.ge @!p0 [sflag:s0], s1  }
0x42: {  	s1 =	ssub.s32 @!p0 $0x0, s1;
	[sflag:s0] =	ssyncset.done @!p0 $0x0  }
0x43: {  	[sflag:s0] =	ssyncadd.s32 @!p0 s1  }
0x44: {  	[bflag:$0x3] =	sbarrier.arrive $0xFFFF  }
0x45: {  	_ =	shalt  }

</sc_bundles>
